<compile_context>
chip_gen: v7x
topology: tpu7x:2x2x1
jax: 0.10.2.dev20260603
libtpu: 0.0.44.dev20260713+nightly
codegen_flags: <defaults>
</compile_context>

<pallas_src>
import functools

import jax
import jax.numpy as jnp
from jax import lax
from jax.experimental import pallas as pl
from jax.experimental.pallas import tpu as pltpu
from jax.experimental.pallas import tpu_sc as plsc

N_USER = 25000
N_ITEM = 25000
N = N_USER + N_ITEM
EMB = 64
NNZ = 800000

NNZ_PAD = 819200
W = 32
EPW = NNZ_PAD // W
BLK = 512
NBLK = EPW // BLK
NBATCH = BLK // 128
SLOTS = 6144
SROWS = 6400
MAP_PAD = 50048

_mesh = plsc.VectorSubcoreMesh(core_axis_name="c", subcore_axis_name="s")


@functools.partial(
    pl.kernel,
    out_type=(
        jax.ShapeDtypeStruct((2, SROWS, EMB), jnp.float32),
        jax.ShapeDtypeStruct((SLOTS,), jnp.int32),
    ),
    mesh=_mesh,
    compiler_params=pltpu.CompilerParams(needs_layout_passes=False, use_tc_tiling_on_sc=False),
    scratch_types=[
        pltpu.VMEM((MAP_PAD,), jnp.int32),
        pltpu.VMEM((SLOTS,), jnp.int32),
        pltpu.VMEM((NBATCH, 128), jnp.int32),
        pltpu.VMEM((NBATCH, 128), jnp.int32),
        pltpu.VMEM((NBATCH, 128), jnp.int32),
        pltpu.VMEM((NBATCH, 128), jnp.float32),
        pltpu.VMEM((BLK, EMB), jnp.float32),
        pltpu.VMEM_SHARED((SROWS, EMB), jnp.float32),
        pltpu.SemaphoreType.DMA,
    ],
)
def _spmv_kernel(ego_hbm, slots_hbm, row_hbm, col_hbm, val_hbm,
                 spart_hbm, cid_hbm,
                 map_v, slots_v, row_v, col_v, t_v, val_v, rows_v,
                 acc_sh, sem):
    cidx = lax.axis_index("c")
    sid = lax.axis_index("s")
    wid = sid * 2 + cidx

    pltpu.sync_copy(slots_hbm, slots_v)

    def _init_map(i, carry):
        map_v[pl.ds(i * 16, 16)] = jnp.full((16,), -1, jnp.int32)
        return carry
    lax.fori_loop(0, MAP_PAD // 16, _init_map, 0)

    lane = jnp.arange(16, dtype=jnp.int32)

    def _scat_map(j, carry):
        nodes = slots_v[pl.ds(j * 16, 16)]
        plsc.store_scatter(map_v, [nodes], lane + j * 16)
        return carry
    lax.fori_loop(0, SLOTS // 16, _scat_map, 0)

    zrows = SROWS // 16

    def _zero_row(i, carry):
        for c4 in range(EMB // 16):
            rows_v[i, pl.ds(c4 * 16, 16)] = jnp.zeros((16,), jnp.float32)
        return carry
    lax.fori_loop(0, zrows, _zero_row, 0)
    pltpu.sync_copy(rows_v.at[pl.ds(0, zrows)],
                    acc_sh.at[pl.ds(sid * zrows, zrows)])
    plsc.subcore_barrier()

    rbase = wid * (EPW // 128)

    def _block(b, carry):
        roff = rbase + b * NBATCH
        pltpu.sync_copy(row_hbm.at[pl.ds(roff, NBATCH)], row_v)
        pltpu.sync_copy(col_hbm.at[pl.ds(roff, NBATCH)], col_v)
        pltpu.sync_copy(val_hbm.at[pl.ds(roff, NBATCH)], val_v)

        def _tgrp(i, c2):
            j = i // 8
            k = i % 8
            r16 = row_v[j, pl.ds(k * 16, 16)]
            t16 = plsc.load_gather(map_v, [r16])
            t_v[j, pl.ds(k * 16, 16)] = jnp.where(t16 >= 0, t16, SLOTS)
            return c2
        lax.fori_loop(0, BLK // 16, _tgrp, 0)

        cps = [pltpu.async_copy(ego_hbm.at[col_v.at[j]],
                                rows_v.at[pl.ds(j * 128, 128)], sem)
               for j in range(NBATCH)]
        for cp in cps:
            cp.wait()

        def _scale(i, c2):
            j = i // 8
            k = i % 8
            v16 = val_v[j, pl.ds(k * 16, 16)]
            for m in range(16):
                r = i * 16 + m
                for c4 in range(EMB // 16):
                    sl = pl.ds(c4 * 16, 16)
                    rows_v[r, sl] = rows_v[r, sl] * v16[m]
            return c2
        lax.fori_loop(0, BLK // 16, _scale, 0)

        for j in range(NBATCH):
            pltpu.sync_copy(rows_v.at[pl.ds(j * 128, 128)],
                            acc_sh.at[t_v.at[j]], add=True)
        return carry
    lax.fori_loop(0, NBLK, _block, 0)

    plsc.subcore_barrier()
    pltpu.sync_copy(acc_sh.at[pl.ds(sid * zrows, zrows)],
                    rows_v.at[pl.ds(0, zrows)])
    pltpu.sync_copy(rows_v.at[pl.ds(0, zrows)],
                    spart_hbm.at[cidx].at[pl.ds(sid * zrows, zrows)])

    @pl.when(wid == 0)
    def _():
        def _cgrp(j, carry):
            nodes = slots_v[pl.ds(j * 16, 16)]
            slots_v[pl.ds(j * 16, 16)] = plsc.load_gather(map_v, [nodes])
            return carry
        lax.fori_loop(0, SLOTS // 16, _cgrp, 0)
        pltpu.sync_copy(slots_v, cid_hbm)


SPW = SLOTS // W


@functools.partial(
    pl.kernel,
    out_type=jax.ShapeDtypeStruct((SLOTS, EMB), jnp.float32),
    mesh=_mesh,
    compiler_params=pltpu.CompilerParams(needs_layout_passes=False, use_tc_tiling_on_sc=False),
    scratch_types=[
        pltpu.VMEM((2, 96), jnp.int32),
        pltpu.VMEM((2, 96), jnp.int32),
        pltpu.VMEM((SPW, EMB), jnp.float32),
        pltpu.VMEM((SPW, EMB), jnp.float32),
        pltpu.VMEM((SPW, EMB), jnp.float32),
        pltpu.SemaphoreType.DMA,
    ],
)
def _assemble_kernel(ego_hbm, slots_hbm, cid_hbm, spart_hbm,
                     out_hbm, idx_v, cid_v, ego_r, s0_r, s1_r, sem):
    cidx = lax.axis_index("c")
    sid = lax.axis_index("s")
    wid = sid * 2 + cidx
    base = wid * 2

    pltpu.sync_copy(slots_hbm.at[pl.ds(base, 2)], idx_v)
    pltpu.sync_copy(cid_hbm.at[pl.ds(base, 2)], cid_v)

    cps = []
    for h in range(2):
        dst = pl.ds(h * 96, 96)
        cps.append(pltpu.async_copy(ego_hbm.at[idx_v.at[h]],
                                    ego_r.at[dst], sem))
        cps.append(pltpu.async_copy(spart_hbm.at[0].at[cid_v.at[h]],
                                    s0_r.at[dst], sem))
        cps.append(pltpu.async_copy(spart_hbm.at[1].at[cid_v.at[h]],
                                    s1_r.at[dst], sem))
    for cp in cps:
        cp.wait()

    def _comb(i, carry):
        for c4 in range(EMB // 16):
            sl = pl.ds(c4 * 16, 16)
            ego_r[i, sl] = (ego_r[i, sl]
                            + 3.0 * (s0_r[i, sl] + s1_r[i, sl])) * 0.25
        return carry
    lax.fori_loop(0, SPW, _comb, 0)

    pltpu.sync_copy(ego_r, out_hbm.at[pl.ds(wid * SPW, SPW)])


def kernel(users, pos_items, neg_items, mask, user_emb, item_emb,
           adj_row, adj_col, adj_val):
    del mask
    ego = jnp.concatenate([user_emb, item_emb], axis=0)
    slots = jnp.concatenate(
        [users, pos_items + N_USER, neg_items + N_USER]).astype(jnp.int32)

    pad = NNZ_PAD - NNZ
    rowp = jnp.concatenate(
        [adj_row, jnp.zeros((pad,), jnp.int32)]).reshape(NNZ_PAD // 128, 128)
    colp = jnp.concatenate(
        [adj_col, jnp.zeros((pad,), jnp.int32)]).reshape(NNZ_PAD // 128, 128)
    valp = jnp.concatenate(
        [adj_val, jnp.zeros((pad,), jnp.float32)]).reshape(NNZ_PAD // 128, 128)

    spart, cid = _spmv_kernel(ego, slots, rowp, colp, valp)
    outc = _assemble_kernel(ego, slots.reshape(64, 96),
                            cid.reshape(64, 96), spart)
    return outc[:1024], outc[1024:2048], outc[2048:]

# --- scband reference (transcript-rebuilt; emitter-appended) ---
"""Pipeline reference for scband-gnn2-test-54949811585066 (READ-ONLY COPY).

The authoritative reference and input builder live on the scoring server;
editing this copy changes nothing except your own understanding.
"""

import jax, jax.numpy as jnp
import numpy as np

N_USER = 25000
N_ITEM = 25000
N = N_USER + N_ITEM
EMB = 64
NNZ = 800000
LAYERS = 3


def setup_inputs(seed: int = 0) -> dict:
    key = jax.random.key(seed)
    k = jax.random.split(key, 8)
    users = jax.random.randint(k[0], (1024,), 0, N_USER, dtype=jnp.int32)
    pos_items = jax.random.randint(k[1], (1024,), 0, N_ITEM, dtype=jnp.int32)
    neg_items = jax.random.randint(k[2], (4096,), 0, N_ITEM, dtype=jnp.int32)
    mask = jnp.zeros((1,), jnp.float32)
    # learned parameters (xavier-ish init)
    user_emb = jax.random.normal(k[3], (N_USER, EMB), dtype=jnp.float32) * 0.1
    item_emb = jax.random.normal(k[4], (N_ITEM, EMB), dtype=jnp.float32) * 0.1
    # sparse normalized adjacency in COO form (equivalent of self.sparse_norm_adj)
    adj_row = jax.random.randint(k[5], (NNZ,), 0, N, dtype=jnp.int32)
    adj_col = jax.random.randint(k[6], (NNZ,), 0, N, dtype=jnp.int32)
    adj_val = jax.random.uniform(k[7], (NNZ,), dtype=jnp.float32) * (1.0 / 16.0)
    return {
        'users': users,
        'pos_items': pos_items,
        'neg_items': neg_items,
        'mask': mask,
        'user_emb': user_emb,
        'item_emb': item_emb,
        'adj_row': adj_row,
        'adj_col': adj_col,
        'adj_val': adj_val,
    }


def reference(users, pos_items, neg_items, mask, user_emb, item_emb, adj_row, adj_col, adj_val):
    # mode='org', attention=False -> no dense masking branches are taken.
    ego_embeddings = jnp.concatenate([user_emb, item_emb], axis=0)
    embs = [ego_embeddings]
    for _ in range(LAYERS):
        # sparse mm: A_hat @ ego_embeddings via gather + segment scatter-add
        # NOTE: faithful to original torch code, which multiplies A_hat by the
        # ORIGINAL ego_embeddings at every layer (ego is never updated).
        msg = adj_val[:, None] * ego_embeddings[adj_col]
        all_emb = jax.ops.segment_sum(msg, adj_row, num_segments=N)
        embs.append(all_emb)
    embs = jnp.stack(embs)
    light_out = jnp.mean(embs, axis=0)
    u_g_embeddings = light_out[:N_USER, :]
    i_g_embeddings = light_out[N_USER:, :]
    u_g_embeddings = u_g_embeddings[users, :]
    pos_i_g_embeddings = i_g_embeddings[pos_items, :]
    neg_i_g_embeddings = i_g_embeddings[neg_items, :]
    return (u_g_embeddings, pos_i_g_embeddings, neg_i_g_embeddings)

if __name__ == "__main__":
    import jax
    _d = setup_inputs()
    print(jax.jit(kernel)(*tuple(_d.values())))

</pallas_src>

<mosaic_0001>
#map = affine_map<(d0, d1) -> (0, 0)>
#map1 = affine_map<(d0, d1) -> (0)>
#map2 = affine_map<(d0, d1) -> (0, 0, 0)>
module attributes {stable_mosaic.version = 14 : i64} {
  func.func @_spmv_kernel(%arg0: i32, %arg1: i32, %arg2: memref<50000x64xf32, #tpu.memory_space<hbm>>, %arg3: memref<6144xi32, #tpu.memory_space<hbm>>, %arg4: memref<6400x128xi32, #tpu.memory_space<hbm>>, %arg5: memref<6400x128xi32, #tpu.memory_space<hbm>>, %arg6: memref<6400x128xf32, #tpu.memory_space<hbm>>, %arg7: memref<2x6400x64xf32, #tpu.memory_space<hbm>>, %arg8: memref<6144xi32, #tpu.memory_space<hbm>>, %arg9: memref<50048xi32, #tpu.memory_space<vmem>>, %arg10: memref<6144xi32, #tpu.memory_space<vmem>>, %arg11: memref<4x128xi32, #tpu.memory_space<vmem>>, %arg12: memref<4x128xi32, #tpu.memory_space<vmem>>, %arg13: memref<4x128xi32, #tpu.memory_space<vmem>>, %arg14: memref<4x128xf32, #tpu.memory_space<vmem>>, %arg15: memref<512x64xf32, #tpu.memory_space<vmem>>, %arg16: memref<6400x64xf32, #tpu.memory_space<vmem_shared>>, %arg17: memref<!tpu.dma_semaphore, #tpu.memory_space<semaphore_mem>>) attributes {dimension_semantics = [#tpu.dimension_semantics<core_parallel>, #tpu.dimension_semantics<subcore_parallel>], iteration_bounds = array<i64: 2, 16>, scalar_prefetch = 0 : i64, scratch_operands = 9 : i64, tpu.core_type = #tpu.core_type<sc_vector_subcore>, window_params = [{transform_indices = #map}, {transform_indices = #map1}, {transform_indices = #map}, {transform_indices = #map}, {transform_indices = #map}, {transform_indices = #map2}, {transform_indices = #map1}]} {
    %mul3A = arith.constant 2 : i32
    %mul3A_0 = arith.muli %arg1, %mul3A : i32
    %add3A = arith.addi %mul3A_0, %arg0 : i32
    "tpu.region"() ({
      %run_scoped3A = tpu.sem_alloc : memref<!tpu.dma_semaphore, #tpu.memory_space<semaphore_mem>>
      tpu.enqueue_dma source(%arg3 : memref<6144xi32, #tpu.memory_space<hbm>>) target(%arg10 : memref<6144xi32, #tpu.memory_space<vmem>>) target_semaphore(%run_scoped3A : memref<!tpu.dma_semaphore, #tpu.memory_space<semaphore_mem>>)
      tpu.wait_dma2 semaphore(%run_scoped3A : memref<!tpu.dma_semaphore, #tpu.memory_space<semaphore_mem>>) src(%arg3 : memref<6144xi32, #tpu.memory_space<hbm>>) dst(%arg10 : memref<6144xi32, #tpu.memory_space<vmem>>)
      tpu.yield
    }) : () -> ()
    %scan3A = arith.constant 0 : i32
    %scan3A_1 = arith.constant 0 : i32
    %scan3A_2 = arith.constant 3128 : i32
    %scan3A_3 = arith.addi %scan3A_1, %scan3A_2 : i32
    %scan3A_4 = arith.constant 1 : i32
    scf.for %scan3A_35 = %scan3A_1 to %scan3A_3 step %scan3A_4  : i32 {
      %broadcast_in_dim3A = arith.constant -1 : i32
      %broadcast_in_dim3A_36 = vector.broadcast %broadcast_in_dim3A : i32 to vector<16xi32>
      %mul3A_37 = arith.constant 16 : i32
      %mul3A_38 = arith.muli %scan3A_35, %mul3A_37 : i32
      %swap3A = arith.index_cast %mul3A_38 : i32 to index
      %swap3A_39 = tpu.vector_load %arg9[%swap3A] {strides = array<i32>} : memref<50048xi32, #tpu.memory_space<vmem>>, vector<16xi32>,
      tpu.vector_store %arg9[%swap3A], %broadcast_in_dim3A_36 {strides = array<i32>} : memref<50048xi32, #tpu.memory_space<vmem>>, vector<16xi32>,
    }
    %scan3A_5 = arith.constant 3128 : i32
    %iota3A = tpu.iota {dimensions = array<i32: 0>} : vector<16xi32>
    %scan3A_6 = arith.constant 0 : i32
    %scan3A_7 = arith.constant 0 : i32
    %scan3A_8 = arith.constant 384 : i32
    %scan3A_9 = arith.addi %scan3A_7, %scan3A_8 : i32
    %scan3A_10 = arith.constant 1 : i32
    scf.for %scan3A_35 = %scan3A_7 to %scan3A_9 step %scan3A_10  : i32 {
      %mul3A_36 = arith.constant 16 : i32
      %mul3A_37 = arith.muli %scan3A_35, %mul3A_36 : i32
      %get3A = arith.index_cast %mul3A_37 : i32 to index
      %get3A_38 = tpu.vector_load %arg10[%get3A] {strides = array<i32>} : memref<6144xi32, #tpu.memory_space<vmem>>, vector<16xi32>,
      %mul3A_39 = arith.constant 16 : i32
      %mul3A_40 = arith.muli %scan3A_35, %mul3A_39 : i32
      %add3A_41 = vector.broadcast %mul3A_40 : i32 to vector<16xi32>
      %add3A_42 = arith.addi %iota3A, %add3A_41 : vector<16xi32>
      tpu.vector_store_idx %arg9[%get3A_38], %add3A_42 : memref<50048xi32, #tpu.memory_space<vmem>>[vector<16xi32>], vector<16xi32>,
    }
    %scan3A_11 = arith.constant 384 : i32
    %scan3A_12 = arith.constant 0 : i32
    %scan3A_13 = arith.constant 0 : i32
    %scan3A_14 = arith.constant 400 : i32
    %scan3A_15 = arith.addi %scan3A_13, %scan3A_14 : i32
    %scan3A_16 = arith.constant 1 : i32
    scf.for %scan3A_35 = %scan3A_13 to %scan3A_15 step %scan3A_16  : i32 {
      %broadcast_in_dim3A = arith.constant 0.000000e+00 : f32
      %broadcast_in_dim3A_36 = vector.broadcast %broadcast_in_dim3A : f32 to vector<16xf32>
      %swap3A = arith.index_cast %scan3A_35 : i32 to index
      %swap3A_37 = arith.constant 0 : index
      %swap3A_38 = tpu.vector_load %arg15[%swap3A, %swap3A_37] {strides = array<i32>} : memref<512x64xf32, #tpu.memory_space<vmem>>, vector<16xf32>,
      tpu.vector_store %arg15[%swap3A, %swap3A_37], %broadcast_in_dim3A_36 {strides = array<i32>} : memref<512x64xf32, #tpu.memory_space<vmem>>, vector<16xf32>,
      %broadcast_in_dim3A_39 = arith.constant 0.000000e+00 : f32
      %broadcast_in_dim3A_40 = vector.broadcast %broadcast_in_dim3A_39 : f32 to vector<16xf32>
      %swap3A_41 = arith.index_cast %scan3A_35 : i32 to index
      %swap3A_42 = arith.constant 16 : index
      %swap3A_43 = tpu.vector_load %arg15[%swap3A_41, %swap3A_42] {strides = array<i32>} : memref<512x64xf32, #tpu.memory_space<vmem>>, vector<16xf32>,
      tpu.vector_store %arg15[%swap3A_41, %swap3A_42], %broadcast_in_dim3A_40 {strides = array<i32>} : memref<512x64xf32, #tpu.memory_space<vmem>>, vector<16xf32>,
      %broadcast_in_dim3A_44 = arith.constant 0.000000e+00 : f32
      %broadcast_in_dim3A_45 = vector.broadcast %broadcast_in_dim3A_44 : f32 to vector<16xf32>
      %swap3A_46 = arith.index_cast %scan3A_35 : i32 to index
      %swap3A_47 = arith.constant 32 : index
      %swap3A_48 = tpu.vector_load %arg15[%swap3A_46, %swap3A_47] {strides = array<i32>} : memref<512x64xf32, #tpu.memory_space<vmem>>, vector<16xf32>,
      tpu.vector_store %arg15[%swap3A_46, %swap3A_47], %broadcast_in_dim3A_45 {strides = array<i32>} : memref<512x64xf32, #tpu.memory_space<vmem>>, vector<16xf32>,
      %broadcast_in_dim3A_49 = arith.constant 0.000000e+00 : f32
      %broadcast_in_dim3A_50 = vector.broadcast %broadcast_in_dim3A_49 : f32 to vector<16xf32>
      %swap3A_51 = arith.index_cast %scan3A_35 : i32 to index
      %swap3A_52 = arith.constant 48 : index
      %swap3A_53 = tpu.vector_load %arg15[%swap3A_51, %swap3A_52] {strides = array<i32>} : memref<512x64xf32, #tpu.memory_space<vmem>>, vector<16xf32>,
      tpu.vector_store %arg15[%swap3A_51, %swap3A_52], %broadcast_in_dim3A_50 {strides = array<i32>} : memref<512x64xf32, #tpu.memory_space<vmem>>, vector<16xf32>,
    }
    %scan3A_17 = arith.constant 400 : i32
    %mul3A_18 = arith.constant 400 : i32
    %mul3A_19 = arith.muli %arg1, %mul3A_18 : i32
    "tpu.region"() ({
      %run_scoped3A = tpu.sem_alloc : memref<!tpu.dma_semaphore, #tpu.memory_space<semaphore_mem>>
      %dma_start3A = arith.constant 0 : i32
      %dma_start3A_35 = arith.constant 0 : i32
      %dma_start3A_36 = tpu.memref_slice %arg15[%dma_start3A, %dma_start3A_35] : memref<512x64xf32, #tpu.memory_space<vmem>> -> memref<400x64xf32, #tpu.memory_space<vmem>>
      %dma_start3A_37 = arith.constant 0 : i32
      %dma_start3A_38 = tpu.memref_slice %arg16[%mul3A_19, %dma_start3A_37] : memref<6400x64xf32, #tpu.memory_space<vmem_shared>> -> memref<400x64xf32, #tpu.memory_space<vmem_shared>>
      %dma_start3A_39 = arith.constant 0 : i32
      %dma_start3A_40 = tpu.memref_slice %arg16[%mul3A_19, %dma_start3A_39] : memref<6400x64xf32, #tpu.memory_space<vmem_shared>> -> memref<400x64xf32, #tpu.memory_space<vmem_shared>>
      %dma_start3A_41 = arith.constant 0 : i32
      %dma_start3A_42 = arith.constant 0 : i32
      %dma_start3A_43 = tpu.memref_slice %arg15[%dma_start3A_41, %dma_start3A_42] : memref<512x64xf32, #tpu.memory_space<vmem>> -> memref<400x64xf32, #tpu.memory_space<vmem>>
      tpu.enqueue_dma source(%dma_start3A_43 : memref<400x64xf32, #tpu.memory_space<vmem>>) target(%dma_start3A_40 : memref<400x64xf32, #tpu.memory_space<vmem_shared>>) target_semaphore(%run_scoped3A : memref<!tpu.dma_semaphore, #tpu.memory_space<semaphore_mem>>)
      %dma_wait3A = arith.constant 0 : i32
      %dma_wait3A_44 = arith.constant 0 : i32
      %dma_wait3A_45 = tpu.memref_slice %arg15[%dma_wait3A, %dma_wait3A_44] : memref<512x64xf32, #tpu.memory_space<vmem>> -> memref<400x64xf32, #tpu.memory_space<vmem>>
      %dma_wait3A_46 = arith.constant 0 : i32
      %dma_wait3A_47 = tpu.memref_slice %arg16[%mul3A_19, %dma_wait3A_46] : memref<6400x64xf32, #tpu.memory_space<vmem_shared>> -> memref<400x64xf32, #tpu.memory_space<vmem_shared>>
      %dma_wait3A_48 = arith.constant 0 : i32
      %dma_wait3A_49 = tpu.memref_slice %arg16[%mul3A_19, %dma_wait3A_48] : memref<6400x64xf32, #tpu.memory_space<vmem_shared>> -> memref<400x64xf32, #tpu.memory_space<vmem_shared>>
      %dma_wait3A_50 = arith.constant 0 : i32
      %dma_wait3A_51 = arith.constant 0 : i32
      %dma_wait3A_52 = tpu.memref_slice %arg15[%dma_wait3A_50, %dma_wait3A_51] : memref<512x64xf32, #tpu.memory_space<vmem>> -> memref<400x64xf32, #tpu.memory_space<vmem>>
      tpu.wait_dma2 semaphore(%run_scoped3A : memref<!tpu.dma_semaphore, #tpu.memory_space<semaphore_mem>>) src(%dma_wait3A_52 : memref<400x64xf32, #tpu.memory_space<vmem>>) dst(%dma_wait3A_49 : memref<400x64xf32, #tpu.memory_space<vmem_shared>>)
      tpu.yield
    }) : () -> ()
    %barrier3A = arith.constant 0 : index
    tpu.barrier barrier_id(%barrier3A)
    %mul3A_20 = arith.constant 200 : i32
    %mul3A_21 = arith.muli %add3A, %mul3A_20 : i32
    %scan3A_22 = arith.constant 0 : i32
    %scan3A_23 = arith.constant 0 : i32
    %scan3A_24 = arith.constant 50 : i32
    %scan3A_25 = arith.addi %scan3A_23, %scan3A_24 : i32
    %scan3A_26 = arith.constant 1 : i32
    scf.for %scan3A_35 = %scan3A_23 to %scan3A_25 step %scan3A_26  : i32 {
      %mul3A_36 = arith.constant 4 : i32
      %mul3A_37 = arith.muli %scan3A_35, %mul3A_36 : i32
      %add3A_38 = arith.addi %mul3A_21, %mul3A_37 : i32
      "tpu.region"() ({
        %run_scoped3A_132 = tpu.sem_alloc : memref<!tpu.dma_semaphore, #tpu.memory_space<semaphore_mem>>
        %dma_start3A_133 = arith.constant 0 : i32
        %dma_start3A_134 = tpu.memref_slice %arg4[%add3A_38, %dma_start3A_133] : memref<6400x128xi32, #tpu.memory_space<hbm>> -> memref<4x128xi32, #tpu.memory_space<hbm>>
        %dma_start3A_135 = arith.constant 0 : i32
        %dma_start3A_136 = tpu.memref_slice %arg4[%add3A_38, %dma_start3A_135] : memref<6400x128xi32, #tpu.memory_space<hbm>> -> memref<4x128xi32, #tpu.memory_space<hbm>>
        tpu.enqueue_dma source(%dma_start3A_136 : memref<4x128xi32, #tpu.memory_space<hbm>>) target(%arg11 : memref<4x128xi32, #tpu.memory_space<vmem>>) target_semaphore(%run_scoped3A_132 : memref<!tpu.dma_semaphore, #tpu.memory_space<semaphore_mem>>)
        %dma_wait3A_137 = arith.constant 0 : i32
        %dma_wait3A_138 = tpu.memref_slice %arg4[%add3A_38, %dma_wait3A_137] : memref<6400x128xi32, #tpu.memory_space<hbm>> -> memref<4x128xi32, #tpu.memory_space<hbm>>
        %dma_wait3A_139 = arith.constant 0 : i32
        %dma_wait3A_140 = tpu.memref_slice %arg4[%add3A_38, %dma_wait3A_139] : memref<6400x128xi32, #tpu.memory_space<hbm>> -> memref<4x128xi32, #tpu.memory_space<hbm>>
        tpu.wait_dma2 semaphore(%run_scoped3A_132 : memref<!tpu.dma_semaphore, #tpu.memory_space<semaphore_mem>>) src(%dma_wait3A_140 : memref<4x128xi32, #tpu.memory_space<hbm>>) dst(%arg11 : memref<4x128xi32, #tpu.memory_space<vmem>>)
        tpu.yield
      }) : () -> ()
      "tpu.region"() ({
        %run_scoped3A_132 = tpu.sem_alloc : memref<!tpu.dma_semaphore, #tpu.memory_space<semaphore_mem>>
        %dma_start3A_133 = arith.constant 0 : i32
        %dma_start3A_134 = tpu.memref_slice %arg5[%add3A_38, %dma_start3A_133] : memref<6400x128xi32, #tpu.memory_space<hbm>> -> memref<4x128xi32, #tpu.memory_space<hbm>>
        %dma_start3A_135 = arith.constant 0 : i32
        %dma_start3A_136 = tpu.memref_slice %arg5[%add3A_38, %dma_start3A_135] : memref<6400x128xi32, #tpu.memory_space<hbm>> -> memref<4x128xi32, #tpu.memory_space<hbm>>
        tpu.enqueue_dma source(%dma_start3A_136 : memref<4x128xi32, #tpu.memory_space<hbm>>) target(%arg12 : memref<4x128xi32, #tpu.memory_space<vmem>>) target_semaphore(%run_scoped3A_132 : memref<!tpu.dma_semaphore, #tpu.memory_space<semaphore_mem>>)
        %dma_wait3A_137 = arith.constant 0 : i32
        %dma_wait3A_138 = tpu.memref_slice %arg5[%add3A_38, %dma_wait3A_137] : memref<6400x128xi32, #tpu.memory_space<hbm>> -> memref<4x128xi32, #tpu.memory_space<hbm>>
        %dma_wait3A_139 = arith.constant 0 : i32
        %dma_wait3A_140 = tpu.memref_slice %arg5[%add3A_38, %dma_wait3A_139] : memref<6400x128xi32, #tpu.memory_space<hbm>> -> memref<4x128xi32, #tpu.memory_space<hbm>>
        tpu.wait_dma2 semaphore(%run_scoped3A_132 : memref<!tpu.dma_semaphore, #tpu.memory_space<semaphore_mem>>) src(%dma_wait3A_140 : memref<4x128xi32, #tpu.memory_space<hbm>>) dst(%arg12 : memref<4x128xi32, #tpu.memory_space<vmem>>)
        tpu.yield
      }) : () -> ()
      "tpu.region"() ({
        %run_scoped3A_132 = tpu.sem_alloc : memref<!tpu.dma_semaphore, #tpu.memory_space<semaphore_mem>>
        %dma_start3A_133 = arith.constant 0 : i32
        %dma_start3A_134 = tpu.memref_slice %arg6[%add3A_38, %dma_start3A_133] : memref<6400x128xf32, #tpu.memory_space<hbm>> -> memref<4x128xf32, #tpu.memory_space<hbm>>
        %dma_start3A_135 = arith.constant 0 : i32
        %dma_start3A_136 = tpu.memref_slice %arg6[%add3A_38, %dma_start3A_135] : memref<6400x128xf32, #tpu.memory_space<hbm>> -> memref<4x128xf32, #tpu.memory_space<hbm>>
        tpu.enqueue_dma source(%dma_start3A_136 : memref<4x128xf32, #tpu.memory_space<hbm>>) target(%arg14 : memref<4x128xf32, #tpu.memory_space<vmem>>) target_semaphore(%run_scoped3A_132 : memref<!tpu.dma_semaphore, #tpu.memory_space<semaphore_mem>>)
        %dma_wait3A_137 = arith.constant 0 : i32
        %dma_wait3A_138 = tpu.memref_slice %arg6[%add3A_38, %dma_wait3A_137] : memref<6400x128xf32, #tpu.memory_space<hbm>> -> memref<4x128xf32, #tpu.memory_space<hbm>>
        %dma_wait3A_139 = arith.constant 0 : i32
        %dma_wait3A_140 = tpu.memref_slice %arg6[%add3A_38, %dma_wait3A_139] : memref<6400x128xf32, #tpu.memory_space<hbm>> -> memref<4x128xf32, #tpu.memory_space<hbm>>
        tpu.wait_dma2 semaphore(%run_scoped3A_132 : memref<!tpu.dma_semaphore, #tpu.memory_space<semaphore_mem>>) src(%dma_wait3A_140 : memref<4x128xf32, #tpu.memory_space<hbm>>) dst(%arg14 : memref<4x128xf32, #tpu.memory_space<vmem>>)
        tpu.yield
      }) : () -> ()
      %scan3A_39 = arith.constant 0 : i32
      %scan3A_40 = arith.constant 0 : i32
      %scan3A_41 = arith.constant 32 : i32
      %scan3A_42 = arith.addi %scan3A_40, %scan3A_41 : i32
      %scan3A_43 = arith.constant 1 : i32
      scf.for %scan3A_132 = %scan3A_40 to %scan3A_42 step %scan3A_43  : i32 {
        %jit3A = arith.constant 8 : i32
        %div3A = arith.divsi %scan3A_132, %jit3A : i32
        %sign3A = arith.constant 0 : i32
        %sign3A_133 = arith.cmpi sgt, %scan3A_132, %sign3A : i32
        %sign3A_134 = arith.extui %sign3A_133 : i1 to i32
        %sign3A_135 = arith.constant 0 : i32
        %sign3A_136 = arith.cmpi slt, %scan3A_132, %sign3A_135 : i32
        %sign3A_137 = arith.extui %sign3A_136 : i1 to i32
        %sign3A_138 = arith.subi %sign3A_134, %sign3A_137 : i32
        %sign3A_139 = arith.constant 0 : i32
        %sign3A_140 = arith.cmpi sgt, %jit3A, %sign3A_139 : i32
        %sign3A_141 = arith.extui %sign3A_140 : i1 to i32
        %sign3A_142 = arith.constant 0 : i32
        %sign3A_143 = arith.cmpi slt, %jit3A, %sign3A_142 : i32
        %sign3A_144 = arith.extui %sign3A_143 : i1 to i32
        %sign3A_145 = arith.subi %sign3A_141, %sign3A_144 : i32
        %ne3A = arith.cmpi ne, %sign3A_138, %sign3A_145 : i32
        %rem3A = arith.remsi %scan3A_132, %jit3A : i32
        %ne3A_146 = arith.constant 0 : i32
        %ne3A_147 = arith.cmpi ne, %rem3A, %ne3A_146 : i32
        %and3A = arith.andi %ne3A, %ne3A_147 : i1
        %sub3A = arith.constant 1 : i32
        %sub3A_148 = arith.subi %div3A, %sub3A : i32
        %select_n3A = arith.select %and3A, %sub3A_148, %div3A : i32
        %jit3A_149 = arith.constant 8 : i32
        %eq3A_150 = arith.constant 0 : i32
        %eq3A_151 = arith.cmpi eq, %jit3A_149, %eq3A_150 : i32
        %jit3A_152 = arith.constant 1 : i32
        %select_n3A_153 = arith.select %eq3A_151, %jit3A_152, %jit3A_149 : i32
        %rem3A_154 = arith.remsi %scan3A_132, %select_n3A_153 : i32
        %ne3A_155 = arith.constant 0 : i32
        %ne3A_156 = arith.cmpi ne, %rem3A_154, %ne3A_155 : i32
        %lt3A = arith.constant 0 : i32
        %lt3A_157 = arith.cmpi slt, %rem3A_154, %lt3A : i32
        %lt3A_158 = arith.constant 0 : i32
        %lt3A_159 = arith.cmpi slt, %select_n3A_153, %lt3A_158 : i32
        %ne3A_160 = arith.xori %lt3A_157, %lt3A_159 : i1
        %and3A_161 = arith.andi %ne3A_160, %ne3A_156 : i1
        %add3A_162 = arith.addi %rem3A_154, %select_n3A_153 : i32
        %select_n3A_163 = arith.select %and3A_161, %add3A_162, %rem3A_154 : i32
        %mul3A_164 = arith.constant 16 : i32
        %mul3A_165 = arith.muli %select_n3A_163, %mul3A_164 : i32
        %get3A = arith.index_cast %select_n3A : i32 to index
        %get3A_166 = arith.index_cast %mul3A_165 : i32 to index
        %get3A_167 = tpu.vector_load %arg11[%get3A, %get3A_166] {strides = array<i32>} : memref<4x128xi32, #tpu.memory_space<vmem>>, vector<16xi32>,
        %gather3A = tpu.vector_load_idx %arg9[%get3A_167] : memref<50048xi32, #tpu.memory_space<vmem>>[vector<16xi32>], vector<16xi32>,
        %ge3A = arith.constant 0 : i32
        %ge3A_168 = vector.broadcast %ge3A : i32 to vector<16xi32>
        %ge3A_169 = arith.cmpi sge, %gather3A, %ge3A_168 : vector<16xi32>
        %jit3A_170 = arith.constant 6144 : i32
        %broadcast_in_dim3A = vector.broadcast %jit3A_170 : i32 to vector<16xi32>
        %select_n3A_171 = arith.select %ge3A_169, %gather3A, %broadcast_in_dim3A : vector<16xi1>, vector<16xi32>
        %mul3A_172 = arith.constant 16 : i32
        %mul3A_173 = arith.muli %select_n3A_163, %mul3A_172 : i32
        %swap3A = arith.index_cast %select_n3A : i32 to index
        %swap3A_174 = arith.index_cast %mul3A_173 : i32 to index
        %swap3A_175 = tpu.vector_load %arg13[%swap3A, %swap3A_174] {strides = array<i32>} : memref<4x128xi32, #tpu.memory_space<vmem>>, vector<16xi32>,
        tpu.vector_store %arg13[%swap3A, %swap3A_174], %select_n3A_171 {strides = array<i32>} : memref<4x128xi32, #tpu.memory_space<vmem>>, vector<16xi32>,
      }
      %scan3A_44 = arith.constant 32 : i32
      %dma_start3A = arith.constant 0 : i32
      %dma_start3A_45 = arith.constant 0 : i32
      %dma_start3A_46 = arith.constant 0 : i32
      %dma_start3A_47 = tpu.memref_slice %arg15[%dma_start3A_45, %dma_start3A_46] : memref<512x64xf32, #tpu.memory_space<vmem>> -> memref<128x64xf32, #tpu.memory_space<vmem>>
      %dma_start3A_48 = arith.constant 0 : i32
      %dma_start3A_49 = tpu.memref_slice %arg12[%dma_start3A, %dma_start3A_48] : memref<4x128xi32, #tpu.memory_space<vmem>> -> memref<1x128xi32, #tpu.memory_space<vmem>>
      %dma_start3A_50 = tpu.memref_squeeze %dma_start3A_49 : memref<1x128xi32, #tpu.memory_space<vmem>> -> memref<128xi32, #tpu.memory_space<vmem>>
      %dma_start3A_51 = arith.constant 0 : i32
      %dma_start3A_52 = arith.constant 0 : i32
      %dma_start3A_53 = tpu.memref_slice %arg2[%dma_start3A_51, %dma_start3A_52] : memref<50000x64xf32, #tpu.memory_space<hbm>> -> memref<50000x64xf32, #tpu.memory_space<hbm>>
      tpu.enqueue_indirect_dma source(%dma_start3A_53 : memref<50000x64xf32, #tpu.memory_space<hbm>>) target(%dma_start3A_47 : memref<128x64xf32, #tpu.memory_space<vmem>>) offsets(%dma_start3A_50 : memref<128xi32, #tpu.memory_space<vmem>>) semaphore(%arg17 : memref<!tpu.dma_semaphore, #tpu.memory_space<semaphore_mem>>)
      %dma_start3A_54 = arith.constant 1 : i32
      %dma_start3A_55 = arith.constant 128 : i32
      %dma_start3A_56 = arith.constant 0 : i32
      %dma_start3A_57 = tpu.memref_slice %arg15[%dma_start3A_55, %dma_start3A_56] : memref<512x64xf32, #tpu.memory_space<vmem>> -> memref<128x64xf32, #tpu.memory_space<vmem>>
      %dma_start3A_58 = arith.constant 0 : i32
      %dma_start3A_59 = tpu.memref_slice %arg12[%dma_start3A_54, %dma_start3A_58] : memref<4x128xi32, #tpu.memory_space<vmem>> -> memref<1x128xi32, #tpu.memory_space<vmem>>
      %dma_start3A_60 = tpu.memref_squeeze %dma_start3A_59 : memref<1x128xi32, #tpu.memory_space<vmem>> -> memref<128xi32, #tpu.memory_space<vmem>>
      %dma_start3A_61 = arith.constant 0 : i32
      %dma_start3A_62 = arith.constant 0 : i32
      %dma_start3A_63 = tpu.memref_slice %arg2[%dma_start3A_61, %dma_start3A_62] : memref<50000x64xf32, #tpu.memory_space<hbm>> -> memref<50000x64xf32, #tpu.memory_space<hbm>>
      tpu.enqueue_indirect_dma source(%dma_start3A_63 : memref<50000x64xf32, #tpu.memory_space<hbm>>) target(%dma_start3A_57 : memref<128x64xf32, #tpu.memory_space<vmem>>) offsets(%dma_start3A_60 : memref<128xi32, #tpu.memory_space<vmem>>) semaphore(%arg17 : memref<!tpu.dma_semaphore, #tpu.memory_space<semaphore_mem>>)
      %dma_start3A_64 = arith.constant 2 : i32
      %dma_start3A_65 = arith.constant 256 : i32
      %dma_start3A_66 = arith.constant 0 : i32
      %dma_start3A_67 = tpu.memref_slice %arg15[%dma_start3A_65, %dma_start3A_66] : memref<512x64xf32, #tpu.memory_space<vmem>> -> memref<128x64xf32, #tpu.memory_space<vmem>>
      %dma_start3A_68 = arith.constant 0 : i32
      %dma_start3A_69 = tpu.memref_slice %arg12[%dma_start3A_64, %dma_start3A_68] : memref<4x128xi32, #tpu.memory_space<vmem>> -> memref<1x128xi32, #tpu.memory_space<vmem>>
      %dma_start3A_70 = tpu.memref_squeeze %dma_start3A_69 : memref<1x128xi32, #tpu.memory_space<vmem>> -> memref<128xi32, #tpu.memory_space<vmem>>
      %dma_start3A_71 = arith.constant 0 : i32
      %dma_start3A_72 = arith.constant 0 : i32
      %dma_start3A_73 = tpu.memref_slice %arg2[%dma_start3A_71, %dma_start3A_72] : memref<50000x64xf32, #tpu.memory_space<hbm>> -> memref<50000x64xf32, #tpu.memory_space<hbm>>
      tpu.enqueue_indirect_dma source(%dma_start3A_73 : memref<50000x64xf32, #tpu.memory_space<hbm>>) target(%dma_start3A_67 : memref<128x64xf32, #tpu.memory_space<vmem>>) offsets(%dma_start3A_70 : memref<128xi32, #tpu.memory_space<vmem>>) semaphore(%arg17 : memref<!tpu.dma_semaphore, #tpu.memory_space<semaphore_mem>>)
      %dma_start3A_74 = arith.constant 3 : i32
      %dma_start3A_75 = arith.constant 384 : i32
      %dma_start3A_76 = arith.constant 0 : i32
      %dma_start3A_77 = tpu.memref_slice %arg15[%dma_start3A_75, %dma_start3A_76] : memref<512x64xf32, #tpu.memory_space<vmem>> -> memref<128x64xf32, #tpu.memory_space<vmem>>
      %dma_start3A_78 = arith.constant 0 : i32
      %dma_start3A_79 = tpu.memref_slice %arg12[%dma_start3A_74, %dma_start3A_78] : memref<4x128xi32, #tpu.memory_space<vmem>> -> memref<1x128xi32, #tpu.memory_space<vmem>>
      %dma_start3A_80 = tpu.memref_squeeze %dma_start3A_79 : memref<1x128xi32, #tpu.memory_space<vmem>> -> memref<128xi32, #tpu.memory_space<vmem>>
      %dma_start3A_81 = arith.constant 0 : i32
      %dma_start3A_82 = arith.constant 0 : i32
      %dma_start3A_83 = tpu.memref_slice %arg2[%dma_start3A_81, %dma_start3A_82] : memref<50000x64xf32, #tpu.memory_space<hbm>> -> memref<50000x64xf32, #tpu.memory_space<hbm>>
      tpu.enqueue_indirect_dma source(%dma_start3A_83 : memref<50000x64xf32, #tpu.memory_space<hbm>>) target(%dma_start3A_77 : memref<128x64xf32, #tpu.memory_space<vmem>>) offsets(%dma_start3A_80 : memref<128xi32, #tpu.memory_space<vmem>>) semaphore(%arg17 : memref<!tpu.dma_semaphore, #tpu.memory_space<semaphore_mem>>)
      %dma_wait3A = arith.constant 0 : i32
      %dma_wait3A_84 = arith.constant 0 : i32
      %dma_wait3A_85 = arith.constant 0 : i32
      %dma_wait3A_86 = tpu.memref_slice %arg15[%dma_wait3A_84, %dma_wait3A_85] : memref<512x64xf32, #tpu.memory_space<vmem>> -> memref<128x64xf32, #tpu.memory_space<vmem>>
      %dma_wait3A_87 = arith.constant 0 : i32
      %dma_wait3A_88 = tpu.memref_slice %arg12[%dma_wait3A, %dma_wait3A_87] : memref<4x128xi32, #tpu.memory_space<vmem>> -> memref<1x128xi32, #tpu.memory_space<vmem>>
      %dma_wait3A_89 = tpu.memref_squeeze %dma_wait3A_88 : memref<1x128xi32, #tpu.memory_space<vmem>> -> memref<128xi32, #tpu.memory_space<vmem>>
      %dma_wait3A_90 = arith.constant 0 : i32
      %dma_wait3A_91 = arith.constant 0 : i32
      %dma_wait3A_92 = tpu.memref_slice %arg2[%dma_wait3A_90, %dma_wait3A_91] : memref<50000x64xf32, #tpu.memory_space<hbm>> -> memref<50000x64xf32, #tpu.memory_space<hbm>>
      tpu.wait_indirect_dma semaphore(%arg17 : memref<!tpu.dma_semaphore, #tpu.memory_space<semaphore_mem>>) src(%dma_wait3A_92 : memref<50000x64xf32, #tpu.memory_space<hbm>>) dst(%dma_wait3A_86 : memref<128x64xf32, #tpu.memory_space<vmem>>)
      %dma_wait3A_93 = arith.constant 1 : i32
      %dma_wait3A_94 = arith.constant 128 : i32
      %dma_wait3A_95 = arith.constant 0 : i32
      %dma_wait3A_96 = tpu.memref_slice %arg15[%dma_wait3A_94, %dma_wait3A_95] : memref<512x64xf32, #tpu.memory_space<vmem>> -> memref<128x64xf32, #tpu.memory_space<vmem>>
      %dma_wait3A_97 = arith.constant 0 : i32
      %dma_wait3A_98 = tpu.memref_slice %arg12[%dma_wait3A_93, %dma_wait3A_97] : memref<4x128xi32, #tpu.memory_space<vmem>> -> memref<1x128xi32, #tpu.memory_space<vmem>>
      %dma_wait3A_99 = tpu.memref_squeeze %dma_wait3A_98 : memref<1x128xi32, #tpu.memory_space<vmem>> -> memref<128xi32, #tpu.memory_space<vmem>>
      %dma_wait3A_100 = arith.constant 0 : i32
      %dma_wait3A_101 = arith.constant 0 : i32
      %dma_wait3A_102 = tpu.memref_slice %arg2[%dma_wait3A_100, %dma_wait3A_101] : memref<50000x64xf32, #tpu.memory_space<hbm>> -> memref<50000x64xf32, #tpu.memory_space<hbm>>
      tpu.wait_indirect_dma semaphore(%arg17 : memref<!tpu.dma_semaphore, #tpu.memory_space<semaphore_mem>>) src(%dma_wait3A_102 : memref<50000x64xf32, #tpu.memory_space<hbm>>) dst(%dma_wait3A_96 : memref<128x64xf32, #tpu.memory_space<vmem>>)
      %dma_wait3A_103 = arith.constant 2 : i32
      %dma_wait3A_104 = arith.constant 256 : i32
      %dma_wait3A_105 = arith.constant 0 : i32
      %dma_wait3A_106 = tpu.memref_slice %arg15[%dma_wait3A_104, %dma_wait3A_105] : memref<512x64xf32, #tpu.memory_space<vmem>> -> memref<128x64xf32, #tpu.memory_space<vmem>>
      %dma_wait3A_107 = arith.constant 0 : i32
      %dma_wait3A_108 = tpu.memref_slice %arg12[%dma_wait3A_103, %dma_wait3A_107] : memref<4x128xi32, #tpu.memory_space<vmem>> -> memref<1x128xi32, #tpu.memory_space<vmem>>
      %dma_wait3A_109 = tpu.memref_squeeze %dma_wait3A_108 : memref<1x128xi32, #tpu.memory_space<vmem>> -> memref<128xi32, #tpu.memory_space<vmem>>
      %dma_wait3A_110 = arith.constant 0 : i32
      %dma_wait3A_111 = arith.constant 0 : i32
      %dma_wait3A_112 = tpu.memref_slice %arg2[%dma_wait3A_110, %dma_wait3A_111] : memref<50000x64xf32, #tpu.memory_space<hbm>> -> memref<50000x64xf32, #tpu.memory_space<hbm>>
      tpu.wait_indirect_dma semaphore(%arg17 : memref<!tpu.dma_semaphore, #tpu.memory_space<semaphore_mem>>) src(%dma_wait3A_112 : memref<50000x64xf32, #tpu.memory_space<hbm>>) dst(%dma_wait3A_106 : memref<128x64xf32, #tpu.memory_space<vmem>>)
      %dma_wait3A_113 = arith.constant 3 : i32
      %dma_wait3A_114 = arith.constant 384 : i32
      %dma_wait3A_115 = arith.constant 0 : i32
      %dma_wait3A_116 = tpu.memref_slice %arg15[%dma_wait3A_114, %dma_wait3A_115] : memref<512x64xf32, #tpu.memory_space<vmem>> -> memref<128x64xf32, #tpu.memory_space<vmem>>
      %dma_wait3A_117 = arith.constant 0 : i32
      %dma_wait3A_118 = tpu.memref_slice %arg12[%dma_wait3A_113, %dma_wait3A_117] : memref<4x128xi32, #tpu.memory_space<vmem>> -> memref<1x128xi32, #tpu.memory_space<vmem>>
      %dma_wait3A_119 = tpu.memref_squeeze %dma_wait3A_118 : memref<1x128xi32, #tpu.memory_space<vmem>> -> memref<128xi32, #tpu.memory_space<vmem>>
      %dma_wait3A_120 = arith.constant 0 : i32
      %dma_wait3A_121 = arith.constant 0 : i32
      %dma_wait3A_122 = tpu.memref_slice %arg2[%dma_wait3A_120, %dma_wait3A_121] : memref<50000x64xf32, #tpu.memory_space<hbm>> -> memref<50000x64xf32, #tpu.memory_space<hbm>>
      tpu.wait_indirect_dma semaphore(%arg17 : memref<!tpu.dma_semaphore, #tpu.memory_space<semaphore_mem>>) src(%dma_wait3A_122 : memref<50000x64xf32, #tpu.memory_space<hbm>>) dst(%dma_wait3A_116 : memref<128x64xf32, #tpu.memory_space<vmem>>)
      %scan3A_123 = arith.constant 0 : i32
      %scan3A_124 = arith.constant 0 : i32
      %scan3A_125 = arith.constant 32 : i32
      %scan3A_126 = arith.addi %scan3A_124, %scan3A_125 : i32
      %scan3A_127 = arith.constant 1 : i32
      scf.for %scan3A_132 = %scan3A_124 to %scan3A_126 step %scan3A_127  : i32 {
        %jit3A = arith.constant 8 : i32
        %div3A = arith.divsi %scan3A_132, %jit3A : i32
        %sign3A = arith.constant 0 : i32
        %sign3A_133 = arith.cmpi sgt, %scan3A_132, %sign3A : i32
        %sign3A_134 = arith.extui %sign3A_133 : i1 to i32
        %sign3A_135 = arith.constant 0 : i32
        %sign3A_136 = arith.cmpi slt, %scan3A_132, %sign3A_135 : i32
        %sign3A_137 = arith.extui %sign3A_136 : i1 to i32
        %sign3A_138 = arith.subi %sign3A_134, %sign3A_137 : i32
        %sign3A_139 = arith.constant 0 : i32
        %sign3A_140 = arith.cmpi sgt, %jit3A, %sign3A_139 : i32
        %sign3A_141 = arith.extui %sign3A_140 : i1 to i32
        %sign3A_142 = arith.constant 0 : i32
        %sign3A_143 = arith.cmpi slt, %jit3A, %sign3A_142 : i32
        %sign3A_144 = arith.extui %sign3A_143 : i1 to i32
        %sign3A_145 = arith.subi %sign3A_141, %sign3A_144 : i32
        %ne3A = arith.cmpi ne, %sign3A_138, %sign3A_145 : i32
        %rem3A = arith.remsi %scan3A_132, %jit3A : i32
        %ne3A_146 = arith.constant 0 : i32
        %ne3A_147 = arith.cmpi ne, %rem3A, %ne3A_146 : i32
        %and3A = arith.andi %ne3A, %ne3A_147 : i1
        %sub3A = arith.constant 1 : i32
        %sub3A_148 = arith.subi %div3A, %sub3A : i32
        %select_n3A = arith.select %and3A, %sub3A_148, %div3A : i32
        %jit3A_149 = arith.constant 8 : i32
        %eq3A_150 = arith.constant 0 : i32
        %eq3A_151 = arith.cmpi eq, %jit3A_149, %eq3A_150 : i32
        %jit3A_152 = arith.constant 1 : i32
        %select_n3A_153 = arith.select %eq3A_151, %jit3A_152, %jit3A_149 : i32
        %rem3A_154 = arith.remsi %scan3A_132, %select_n3A_153 : i32
        %ne3A_155 = arith.constant 0 : i32
        %ne3A_156 = arith.cmpi ne, %rem3A_154, %ne3A_155 : i32
        %lt3A = arith.constant 0 : i32
        %lt3A_157 = arith.cmpi slt, %rem3A_154, %lt3A : i32
        %lt3A_158 = arith.constant 0 : i32
        %lt3A_159 = arith.cmpi slt, %select_n3A_153, %lt3A_158 : i32
        %ne3A_160 = arith.xori %lt3A_157, %lt3A_159 : i1
        %and3A_161 = arith.andi %ne3A_160, %ne3A_156 : i1
        %add3A_162 = arith.addi %rem3A_154, %select_n3A_153 : i32
        %select_n3A_163 = arith.select %and3A_161, %add3A_162, %rem3A_154 : i32
        %mul3A_164 = arith.constant 16 : i32
        %mul3A_165 = arith.muli %select_n3A_163, %mul3A_164 : i32
        %get3A = arith.index_cast %select_n3A : i32 to index
        %get3A_166 = arith.index_cast %mul3A_165 : i32 to index
        %get3A_167 = tpu.vector_load %arg14[%get3A, %get3A_166] {strides = array<i32>} : memref<4x128xf32, #tpu.memory_space<vmem>>, vector<16xf32>,
        %mul3A_168 = arith.constant 16 : i32
        %mul3A_169 = arith.muli %scan3A_132, %mul3A_168 : i32
        %add3A_170 = arith.constant 0 : i32
        %add3A_171 = arith.addi %mul3A_169, %add3A_170 : i32
        %get3A_172 = arith.index_cast %add3A_171 : i32 to index
        %get3A_173 = arith.constant 0 : index
        %get3A_174 = tpu.vector_load %arg15[%get3A_172, %get3A_173] {strides = array<i32>} : memref<512x64xf32, #tpu.memory_space<vmem>>, vector<16xf32>,
        %slice3A = vector.extract_strided_slice %get3A_167 {offsets = [0], sizes = [1], strides = [1]} : vector<16xf32> to vector<1xf32>
        %squeeze3A = vector.extract %slice3A[0] : f32 from vector<1xf32>
        %mul3A_175 = vector.broadcast %squeeze3A : f32 to vector<16xf32>
        %mul3A_176 = arith.mulf %get3A_174, %mul3A_175 : vector<16xf32>
        %swap3A = arith.index_cast %add3A_171 : i32 to index
        %swap3A_177 = arith.constant 0 : index
        %swap3A_178 = tpu.vector_load %arg15[%swap3A, %swap3A_177] {strides = array<i32>} : memref<512x64xf32, #tpu.memory_space<vmem>>, vector<16xf32>,
        tpu.vector_store %arg15[%swap3A, %swap3A_177], %mul3A_176 {strides = array<i32>} : memref<512x64xf32, #tpu.memory_space<vmem>>, vector<16xf32>,
        %get3A_179 = arith.index_cast %add3A_171 : i32 to index
        %get3A_180 = arith.constant 16 : index
        %get3A_181 = tpu.vector_load %arg15[%get3A_179, %get3A_180] {strides = array<i32>} : memref<512x64xf32, #tpu.memory_space<vmem>>, vector<16xf32>,
        %slice3A_182 = vector.extract_strided_slice %get3A_167 {offsets = [0], sizes = [1], strides = [1]} : vector<16xf32> to vector<1xf32>
        %squeeze3A_183 = vector.extract %slice3A_182[0] : f32 from vector<1xf32>
        %mul3A_184 = vector.broadcast %squeeze3A_183 : f32 to vector<16xf32>
        %mul3A_185 = arith.mulf %get3A_181, %mul3A_184 : vector<16xf32>
        %swap3A_186 = arith.index_cast %add3A_171 : i32 to index
        %swap3A_187 = arith.constant 16 : index
        %swap3A_188 = tpu.vector_load %arg15[%swap3A_186, %swap3A_187] {strides = array<i32>} : memref<512x64xf32, #tpu.memory_space<vmem>>, vector<16xf32>,
        tpu.vector_store %arg15[%swap3A_186, %swap3A_187], %mul3A_185 {strides = array<i32>} : memref<512x64xf32, #tpu.memory_space<vmem>>, vector<16xf32>,
        %get3A_189 = arith.index_cast %add3A_171 : i32 to index
        %get3A_190 = arith.constant 32 : index
        %get3A_191 = tpu.vector_load %arg15[%get3A_189, %get3A_190] {strides = array<i32>} : memref<512x64xf32, #tpu.memory_space<vmem>>, vector<16xf32>,
        %slice3A_192 = vector.extract_strided_slice %get3A_167 {offsets = [0], sizes = [1], strides = [1]} : vector<16xf32> to vector<1xf32>
        %squeeze3A_193 = vector.extract %slice3A_192[0] : f32 from vector<1xf32>
        %mul3A_194 = vector.broadcast %squeeze3A_193 : f32 to vector<16xf32>
        %mul3A_195 = arith.mulf %get3A_191, %mul3A_194 : vector<16xf32>
        %swap3A_196 = arith.index_cast %add3A_171 : i32 to index
        %swap3A_197 = arith.constant 32 : index
        %swap3A_198 = tpu.vector_load %arg15[%swap3A_196, %swap3A_197] {strides = array<i32>} : memref<512x64xf32, #tpu.memory_space<vmem>>, vector<16xf32>,
        tpu.vector_store %arg15[%swap3A_196, %swap3A_197], %mul3A_195 {strides = array<i32>} : memref<512x64xf32, #tpu.memory_space<vmem>>, vector<16xf32>,
        %get3A_199 = arith.index_cast %add3A_171 : i32 to index
        %get3A_200 = arith.constant 48 : index
        %get3A_201 = tpu.vector_load %arg15[%get3A_199, %get3A_200] {strides = array<i32>} : memref<512x64xf32, #tpu.memory_space<vmem>>, vector<16xf32>,
        %slice3A_202 = vector.extract_strided_slice %get3A_167 {offsets = [0], sizes = [1], strides = [1]} : vector<16xf32> to vector<1xf32>
        %squeeze3A_203 = vector.extract %slice3A_202[0] : f32 from vector<1xf32>
        %mul3A_204 = vector.broadcast %squeeze3A_203 : f32 to vector<16xf32>
        %mul3A_205 = arith.mulf %get3A_201, %mul3A_204 : vector<16xf32>
        %swap3A_206 = arith.index_cast %add3A_171 : i32 to index
        %swap3A_207 = arith.constant 48 : index
        %swap3A_208 = tpu.vector_load %arg15[%swap3A_206, %swap3A_207] {strides = array<i32>} : memref<512x64xf32, #tpu.memory_space<vmem>>, vector<16xf32>,
        tpu.vector_store %arg15[%swap3A_206, %swap3A_207], %mul3A_205 {strides = array<i32>} : memref<512x64xf32, #tpu.memory_space<vmem>>, vector<16xf32>,
        %mul3A_209 = arith.constant 16 : i32
        %mul3A_210 = arith.muli %scan3A_132, %mul3A_209 : i32
        %add3A_211 = arith.constant 1 : i32
        %add3A_212 = arith.addi %mul3A_210, %add3A_211 : i32
        %get3A_213 = arith.index_cast %add3A_212 : i32 to index
        %get3A_214 = arith.constant 0 : index
        %get3A_215 = tpu.vector_load %arg15[%get3A_213, %get3A_214] {strides = array<i32>} : memref<512x64xf32, #tpu.memory_space<vmem>>, vector<16xf32>,
        %slice3A_216 = vector.extract_strided_slice %get3A_167 {offsets = [1], sizes = [1], strides = [1]} : vector<16xf32> to vector<1xf32>
        %squeeze3A_217 = vector.extract %slice3A_216[0] : f32 from vector<1xf32>
        %mul3A_218 = vector.broadcast %squeeze3A_217 : f32 to vector<16xf32>
        %mul3A_219 = arith.mulf %get3A_215, %mul3A_218 : vector<16xf32>
        %swap3A_220 = arith.index_cast %add3A_212 : i32 to index
        %swap3A_221 = arith.constant 0 : index
        %swap3A_222 = tpu.vector_load %arg15[%swap3A_220, %swap3A_221] {strides = array<i32>} : memref<512x64xf32, #tpu.memory_space<vmem>>, vector<16xf32>,
        tpu.vector_store %arg15[%swap3A_220, %swap3A_221], %mul3A_219 {strides = array<i32>} : memref<512x64xf32, #tpu.memory_space<vmem>>, vector<16xf32>,
        %get3A_223 = arith.index_cast %add3A_212 : i32 to index
        %get3A_224 = arith.constant 16 : index
        %get3A_225 = tpu.vector_load %arg15[%get3A_223, %get3A_224] {strides = array<i32>} : memref<512x64xf32, #tpu.memory_space<vmem>>, vector<16xf32>,
        %slice3A_226 = vector.extract_strided_slice %get3A_167 {offsets = [1], sizes = [1], strides = [1]} : vector<16xf32> to vector<1xf32>
        %squeeze3A_227 = vector.extract %slice3A_226[0] : f32 from vector<1xf32>
        %mul3A_228 = vector.broadcast %squeeze3A_227 : f32 to vector<16xf32>
        %mul3A_229 = arith.mulf %get3A_225, %mul3A_228 : vector<16xf32>
        %swap3A_230 = arith.index_cast %add3A_212 : i32 to index
        %swap3A_231 = arith.constant 16 : index
        %swap3A_232 = tpu.vector_load %arg15[%swap3A_230, %swap3A_231] {strides = array<i32>} : memref<512x64xf32, #tpu.memory_space<vmem>>, vector<16xf32>,
        tpu.vector_store %arg15[%swap3A_230, %swap3A_231], %mul3A_229 {strides = array<i32>} : memref<512x64xf32, #tpu.memory_space<vmem>>, vector<16xf32>,
        %get3A_233 = arith.index_cast %add3A_212 : i32 to index
        %get3A_234 = arith.constant 32 : index
        %get3A_235 = tpu.vector_load %arg15[%get3A_233, %get3A_234] {strides = array<i32>} : memref<512x64xf32, #tpu.memory_space<vmem>>, vector<16xf32>,
        %slice3A_236 = vector.extract_strided_slice %get3A_167 {offsets = [1], sizes = [1], strides = [1]} : vector<16xf32> to vector<1xf32>
        %squeeze3A_237 = vector.extract %slice3A_236[0] : f32 from vector<1xf32>
        %mul3A_238 = vector.broadcast %squeeze3A_237 : f32 to vector<16xf32>
        %mul3A_239 = arith.mulf %get3A_235, %mul3A_238 : vector<16xf32>
        %swap3A_240 = arith.index_cast %add3A_212 : i32 to index
        %swap3A_241 = arith.constant 32 : index
        %swap3A_242 = tpu.vector_load %arg15[%swap3A_240, %swap3A_241] {strides = array<i32>} : memref<512x64xf32, #tpu.memory_space<vmem>>, vector<16xf32>,
        tpu.vector_store %arg15[%swap3A_240, %swap3A_241], %mul3A_239 {strides = array<i32>} : memref<512x64xf32, #tpu.memory_space<vmem>>, vector<16xf32>,
        %get3A_243 = arith.index_cast %add3A_212 : i32 to index
        %get3A_244 = arith.constant 48 : index
        %get3A_245 = tpu.vector_load %arg15[%get3A_243, %get3A_244] {strides = array<i32>} : memref<512x64xf32, #tpu.memory_space<vmem>>, vector<16xf32>,
        %slice3A_246 = vector.extract_strided_slice %get3A_167 {offsets = [1], sizes = [1], strides = [1]} : vector<16xf32> to vector<1xf32>
        %squeeze3A_247 = vector.extract %slice3A_246[0] : f32 from vector<1xf32>
        %mul3A_248 = vector.broadcast %squeeze3A_247 : f32 to vector<16xf32>
        %mul3A_249 = arith.mulf %get3A_245, %mul3A_248 : vector<16xf32>
        %swap3A_250 = arith.index_cast %add3A_212 : i32 to index
        %swap3A_251 = arith.constant 48 : index
        %swap3A_252 = tpu.vector_load %arg15[%swap3A_250, %swap3A_251] {strides = array<i32>} : memref<512x64xf32, #tpu.memory_space<vmem>>, vector<16xf32>,
        tpu.vector_store %arg15[%swap3A_250, %swap3A_251], %mul3A_249 {strides = array<i32>} : memref<512x64xf32, #tpu.memory_space<vmem>>, vector<16xf32>,
        %mul3A_253 = arith.constant 16 : i32
        %mul3A_254 = arith.muli %scan3A_132, %mul3A_253 : i32
        %add3A_255 = arith.constant 2 : i32
        %add3A_256 = arith.addi %mul3A_254, %add3A_255 : i32
        %get3A_257 = arith.index_cast %add3A_256 : i32 to index
        %get3A_258 = arith.constant 0 : index
        %get3A_259 = tpu.vector_load %arg15[%get3A_257, %get3A_258] {strides = array<i32>} : memref<512x64xf32, #tpu.memory_space<vmem>>, vector<16xf32>,
        %slice3A_260 = vector.extract_strided_slice %get3A_167 {offsets = [2], sizes = [1], strides = [1]} : vector<16xf32> to vector<1xf32>
        %squeeze3A_261 = vector.extract %slice3A_260[0] : f32 from vector<1xf32>
        %mul3A_262 = vector.broadcast %squeeze3A_261 : f32 to vector<16xf32>
        %mul3A_263 = arith.mulf %get3A_259, %mul3A_262 : vector<16xf32>
        %swap3A_264 = arith.index_cast %add3A_256 : i32 to index
        %swap3A_265 = arith.constant 0 : index
        %swap3A_266 = tpu.vector_load %arg15[%swap3A_264, %swap3A_265] {strides = array<i32>} : memref<512x64xf32, #tpu.memory_space<vmem>>, vector<16xf32>,
        tpu.vector_store %arg15[%swap3A_264, %swap3A_265], %mul3A_263 {strides = array<i32>} : memref<512x64xf32, #tpu.memory_space<vmem>>, vector<16xf32>,
        %get3A_267 = arith.index_cast %add3A_256 : i32 to index
        %get3A_268 = arith.constant 16 : index
        %get3A_269 = tpu.vector_load %arg15[%get3A_267, %get3A_268] {strides = array<i32>} : memref<512x64xf32, #tpu.memory_space<vmem>>, vector<16xf32>,
        %slice3A_270 = vector.extract_strided_slice %get3A_167 {offsets = [2], sizes = [1], strides = [1]} : vector<16xf32> to vector<1xf32>
        %squeeze3A_271 = vector.extract %slice3A_270[0] : f32 from vector<1xf32>
        %mul3A_272 = vector.broadcast %squeeze3A_271 : f32 to vector<16xf32>
        %mul3A_273 = arith.mulf %get3A_269, %mul3A_272 : vector<16xf32>
        %swap3A_274 = arith.index_cast %add3A_256 : i32 to index
        %swap3A_275 = arith.constant 16 : index
        %swap3A_276 = tpu.vector_load %arg15[%swap3A_274, %swap3A_275] {strides = array<i32>} : memref<512x64xf32, #tpu.memory_space<vmem>>, vector<16xf32>,
        tpu.vector_store %arg15[%swap3A_274, %swap3A_275], %mul3A_273 {strides = array<i32>} : memref<512x64xf32, #tpu.memory_space<vmem>>, vector<16xf32>,
        %get3A_277 = arith.index_cast %add3A_256 : i32 to index
        %get3A_278 = arith.constant 32 : index
        %get3A_279 = tpu.vector_load %arg15[%get3A_277, %get3A_278] {strides = array<i32>} : memref<512x64xf32, #tpu.memory_space<vmem>>, vector<16xf32>,
        %slice3A_280 = vector.extract_strided_slice %get3A_167 {offsets = [2], sizes = [1], strides = [1]} : vector<16xf32> to vector<1xf32>
        %squeeze3A_281 = vector.extract %slice3A_280[0] : f32 from vector<1xf32>
        %mul3A_282 = vector.broadcast %squeeze3A_281 : f32 to vector<16xf32>
        %mul3A_283 = arith.mulf %get3A_279, %mul3A_282 : vector<16xf32>
        %swap3A_284 = arith.index_cast %add3A_256 : i32 to index
        %swap3A_285 = arith.constant 32 : index
        %swap3A_286 = tpu.vector_load %arg15[%swap3A_284, %swap3A_285] {strides = array<i32>} : memref<512x64xf32, #tpu.memory_space<vmem>>, vector<16xf32>,
        tpu.vector_store %arg15[%swap3A_284, %swap3A_285], %mul3A_283 {strides = array<i32>} : memref<512x64xf32, #tpu.memory_space<vmem>>, vector<16xf32>,
        %get3A_287 = arith.index_cast %add3A_256 : i32 to index
        %get3A_288 = arith.constant 48 : index
        %get3A_289 = tpu.vector_load %arg15[%get3A_287, %get3A_288] {strides = array<i32>} : memref<512x64xf32, #tpu.memory_space<vmem>>, vector<16xf32>,
        %slice3A_290 = vector.extract_strided_slice %get3A_167 {offsets = [2], sizes = [1], strides = [1]} : vector<16xf32> to vector<1xf32>
        %squeeze3A_291 = vector.extract %slice3A_290[0] : f32 from vector<1xf32>
        %mul3A_292 = vector.broadcast %squeeze3A_291 : f32 to vector<16xf32>
        %mul3A_293 = arith.mulf %get3A_289, %mul3A_292 : vector<16xf32>
        %swap3A_294 = arith.index_cast %add3A_256 : i32 to index
        %swap3A_295 = arith.constant 48 : index
        %swap3A_296 = tpu.vector_load %arg15[%swap3A_294, %swap3A_295] {strides = array<i32>} : memref<512x64xf32, #tpu.memory_space<vmem>>, vector<16xf32>,
        tpu.vector_store %arg15[%swap3A_294, %swap3A_295], %mul3A_293 {strides = array<i32>} : memref<512x64xf32, #tpu.memory_space<vmem>>, vector<16xf32>,
        %mul3A_297 = arith.constant 16 : i32
        %mul3A_298 = arith.muli %scan3A_132, %mul3A_297 : i32
        %add3A_299 = arith.constant 3 : i32
        %add3A_300 = arith.addi %mul3A_298, %add3A_299 : i32
        %get3A_301 = arith.index_cast %add3A_300 : i32 to index
        %get3A_302 = arith.constant 0 : index
        %get3A_303 = tpu.vector_load %arg15[%get3A_301, %get3A_302] {strides = array<i32>} : memref<512x64xf32, #tpu.memory_space<vmem>>, vector<16xf32>,
        %slice3A_304 = vector.extract_strided_slice %get3A_167 {offsets = [3], sizes = [1], strides = [1]} : vector<16xf32> to vector<1xf32>
        %squeeze3A_305 = vector.extract %slice3A_304[0] : f32 from vector<1xf32>
        %mul3A_306 = vector.broadcast %squeeze3A_305 : f32 to vector<16xf32>
        %mul3A_307 = arith.mulf %get3A_303, %mul3A_306 : vector<16xf32>
        %swap3A_308 = arith.index_cast %add3A_300 : i32 to index
        %swap3A_309 = arith.constant 0 : index
        %swap3A_310 = tpu.vector_load %arg15[%swap3A_308, %swap3A_309] {strides = array<i32>} : memref<512x64xf32, #tpu.memory_space<vmem>>, vector<16xf32>,
        tpu.vector_store %arg15[%swap3A_308, %swap3A_309], %mul3A_307 {strides = array<i32>} : memref<512x64xf32, #tpu.memory_space<vmem>>, vector<16xf32>,
        %get3A_311 = arith.index_cast %add3A_300 : i32 to index
        %get3A_312 = arith.constant 16 : index
        %get3A_313 = tpu.vector_load %arg15[%get3A_311, %get3A_312] {strides = array<i32>} : memref<512x64xf32, #tpu.memory_space<vmem>>, vector<16xf32>,
        %slice3A_314 = vector.extract_strided_slice %get3A_167 {offsets = [3], sizes = [1], strides = [1]} : vector<16xf32> to vector<1xf32>
        %squeeze3A_315 = vector.extract %slice3A_314[0] : f32 from vector<1xf32>
        %mul3A_316 = vector.broadcast %squeeze3A_315 : f32 to vector<16xf32>
        %mul3A_317 = arith.mulf %get3A_313, %mul3A_316 : vector<16xf32>
        %swap3A_318 = arith.index_cast %add3A_300 : i32 to index
        %swap3A_319 = arith.constant 16 : index
        %swap3A_320 = tpu.vector_load %arg15[%swap3A_318, %swap3A_319] {strides = array<i32>} : memref<512x64xf32, #tpu.memory_space<vmem>>, vector<16xf32>,
        tpu.vector_store %arg15[%swap3A_318, %swap3A_319], %mul3A_317 {strides = array<i32>} : memref<512x64xf32, #tpu.memory_space<vmem>>, vector<16xf32>,
        %get3A_321 = arith.index_cast %add3A_300 : i32 to index
        %get3A_322 = arith.constant 32 : index
        %get3A_323 = tpu.vector_load %arg15[%get3A_321, %get3A_322] {strides = array<i32>} : memref<512x64xf32, #tpu.memory_space<vmem>>, vector<16xf32>,
        %slice3A_324 = vector.extract_strided_slice %get3A_167 {offsets = [3], sizes = [1], strides = [1]} : vector<16xf32> to vector<1xf32>
        %squeeze3A_325 = vector.extract %slice3A_324[0] : f32 from vector<1xf32>
        %mul3A_326 = vector.broadcast %squeeze3A_325 : f32 to vector<16xf32>
        %mul3A_327 = arith.mulf %get3A_323, %mul3A_326 : vector<16xf32>
        %swap3A_328 = arith.index_cast %add3A_300 : i32 to index
        %swap3A_329 = arith.constant 32 : index
        %swap3A_330 = tpu.vector_load %arg15[%swap3A_328, %swap3A_329] {strides = array<i32>} : memref<512x64xf32, #tpu.memory_space<vmem>>, vector<16xf32>,
        tpu.vector_store %arg15[%swap3A_328, %swap3A_329], %mul3A_327 {strides = array<i32>} : memref<512x64xf32, #tpu.memory_space<vmem>>, vector<16xf32>,
        %get3A_331 = arith.index_cast %add3A_300 : i32 to index
        %get3A_332 = arith.constant 48 : index
        %get3A_333 = tpu.vector_load %arg15[%get3A_331, %get3A_332] {strides = array<i32>} : memref<512x64xf32, #tpu.memory_space<vmem>>, vector<16xf32>,
        %slice3A_334 = vector.extract_strided_slice %get3A_167 {offsets = [3], sizes = [1], strides = [1]} : vector<16xf32> to vector<1xf32>
        %squeeze3A_335 = vector.extract %slice3A_334[0] : f32 from vector<1xf32>
        %mul3A_336 = vector.broadcast %squeeze3A_335 : f32 to vector<16xf32>
        %mul3A_337 = arith.mulf %get3A_333, %mul3A_336 : vector<16xf32>
        %swap3A_338 = arith.index_cast %add3A_300 : i32 to index
        %swap3A_339 = arith.constant 48 : index
        %swap3A_340 = tpu.vector_load %arg15[%swap3A_338, %swap3A_339] {strides = array<i32>} : memref<512x64xf32, #tpu.memory_space<vmem>>, vector<16xf32>,
        tpu.vector_store %arg15[%swap3A_338, %swap3A_339], %mul3A_337 {strides = array<i32>} : memref<512x64xf32, #tpu.memory_space<vmem>>, vector<16xf32>,
        %mul3A_341 = arith.constant 16 : i32
        %mul3A_342 = arith.muli %scan3A_132, %mul3A_341 : i32
        %add3A_343 = arith.constant 4 : i32
        %add3A_344 = arith.addi %mul3A_342, %add3A_343 : i32
        %get3A_345 = arith.index_cast %add3A_344 : i32 to index
        %get3A_346 = arith.constant 0 : index
        %get3A_347 = tpu.vector_load %arg15[%get3A_345, %get3A_346] {strides = array<i32>} : memref<512x64xf32, #tpu.memory_space<vmem>>, vector<16xf32>,
        %slice3A_348 = vector.extract_strided_slice %get3A_167 {offsets = [4], sizes = [1], strides = [1]} : vector<16xf32> to vector<1xf32>
        %squeeze3A_349 = vector.extract %slice3A_348[0] : f32 from vector<1xf32>
        %mul3A_350 = vector.broadcast %squeeze3A_349 : f32 to vector<16xf32>
        %mul3A_351 = arith.mulf %get3A_347, %mul3A_350 : vector<16xf32>
        %swap3A_352 = arith.index_cast %add3A_344 : i32 to index
        %swap3A_353 = arith.constant 0 : index
        %swap3A_354 = tpu.vector_load %arg15[%swap3A_352, %swap3A_353] {strides = array<i32>} : memref<512x64xf32, #tpu.memory_space<vmem>>, vector<16xf32>,
        tpu.vector_store %arg15[%swap3A_352, %swap3A_353], %mul3A_351 {strides = array<i32>} : memref<512x64xf32, #tpu.memory_space<vmem>>, vector<16xf32>,
        %get3A_355 = arith.index_cast %add3A_344 : i32 to index
        %get3A_356 = arith.constant 16 : index
        %get3A_357 = tpu.vector_load %arg15[%get3A_355, %get3A_356] {strides = array<i32>} : memref<512x64xf32, #tpu.memory_space<vmem>>, vector<16xf32>,
        %slice3A_358 = vector.extract_strided_slice %get3A_167 {offsets = [4], sizes = [1], strides = [1]} : vector<16xf32> to vector<1xf32>
        %squeeze3A_359 = vector.extract %slice3A_358[0] : f32 from vector<1xf32>
        %mul3A_360 = vector.broadcast %squeeze3A_359 : f32 to vector<16xf32>
        %mul3A_361 = arith.mulf %get3A_357, %mul3A_360 : vector<16xf32>
        %swap3A_362 = arith.index_cast %add3A_344 : i32 to index
        %swap3A_363 = arith.constant 16 : index
        %swap3A_364 = tpu.vector_load %arg15[%swap3A_362, %swap3A_363] {strides = array<i32>} : memref<512x64xf32, #tpu.memory_space<vmem>>, vector<16xf32>,
        tpu.vector_store %arg15[%swap3A_362, %swap3A_363], %mul3A_361 {strides = array<i32>} : memref<512x64xf32, #tpu.memory_space<vmem>>, vector<16xf32>,
        %get3A_365 = arith.index_cast %add3A_344 : i32 to index
        %get3A_366 = arith.constant 32 : index
        %get3A_367 = tpu.vector_load %arg15[%get3A_365, %get3A_366] {strides = array<i32>} : memref<512x64xf32, #tpu.memory_space<vmem>>, vector<16xf32>,
        %slice3A_368 = vector.extract_strided_slice %get3A_167 {offsets = [4], sizes = [1], strides = [1]} : vector<16xf32> to vector<1xf32>
        %squeeze3A_369 = vector.extract %slice3A_368[0] : f32 from vector<1xf32>
        %mul3A_370 = vector.broadcast %squeeze3A_369 : f32 to vector<16xf32>
        %mul3A_371 = arith.mulf %get3A_367, %mul3A_370 : vector<16xf32>
        %swap3A_372 = arith.index_cast %add3A_344 : i32 to index
        %swap3A_373 = arith.constant 32 : index
        %swap3A_374 = tpu.vector_load %arg15[%swap3A_372, %swap3A_373] {strides = array<i32>} : memref<512x64xf32, #tpu.memory_space<vmem>>, vector<16xf32>,
        tpu.vector_store %arg15[%swap3A_372, %swap3A_373], %mul3A_371 {strides = array<i32>} : memref<512x64xf32, #tpu.memory_space<vmem>>, vector<16xf32>,
        %get3A_375 = arith.index_cast %add3A_344 : i32 to index
        %get3A_376 = arith.constant 48 : index
        %get3A_377 = tpu.vector_load %arg15[%get3A_375, %get3A_376] {strides = array<i32>} : memref<512x64xf32, #tpu.memory_space<vmem>>, vector<16xf32>,
        %slice3A_378 = vector.extract_strided_slice %get3A_167 {offsets = [4], sizes = [1], strides = [1]} : vector<16xf32> to vector<1xf32>
        %squeeze3A_379 = vector.extract %slice3A_378[0] : f32 from vector<1xf32>
        %mul3A_380 = vector.broadcast %squeeze3A_379 : f32 to vector<16xf32>
        %mul3A_381 = arith.mulf %get3A_377, %mul3A_380 : vector<16xf32>
        %swap3A_382 = arith.index_cast %add3A_344 : i32 to index
        %swap3A_383 = arith.constant 48 : index
        %swap3A_384 = tpu.vector_load %arg15[%swap3A_382, %swap3A_383] {strides = array<i32>} : memref<512x64xf32, #tpu.memory_space<vmem>>, vector<16xf32>,
        tpu.vector_store %arg15[%swap3A_382, %swap3A_383], %mul3A_381 {strides = array<i32>} : memref<512x64xf32, #tpu.memory_space<vmem>>, vector<16xf32>,
        %mul3A_385 = arith.constant 16 : i32
        %mul3A_386 = arith.muli %scan3A_132, %mul3A_385 : i32
        %add3A_387 = arith.constant 5 : i32
        %add3A_388 = arith.addi %mul3A_386, %add3A_387 : i32
        %get3A_389 = arith.index_cast %add3A_388 : i32 to index
        %get3A_390 = arith.constant 0 : index
        %get3A_391 = tpu.vector_load %arg15[%get3A_389, %get3A_390] {strides = array<i32>} : memref<512x64xf32, #tpu.memory_space<vmem>>, vector<16xf32>,
        %slice3A_392 = vector.extract_strided_slice %get3A_167 {offsets = [5], sizes = [1], strides = [1]} : vector<16xf32> to vector<1xf32>
        %squeeze3A_393 = vector.extract %slice3A_392[0] : f32 from vector<1xf32>
        %mul3A_394 = vector.broadcast %squeeze3A_393 : f32 to vector<16xf32>
        %mul3A_395 = arith.mulf %get3A_391, %mul3A_394 : vector<16xf32>
        %swap3A_396 = arith.index_cast %add3A_388 : i32 to index
        %swap3A_397 = arith.constant 0 : index
        %swap3A_398 = tpu.vector_load %arg15[%swap3A_396, %swap3A_397] {strides = array<i32>} : memref<512x64xf32, #tpu.memory_space<vmem>>, vector<16xf32>,
        tpu.vector_store %arg15[%swap3A_396, %swap3A_397], %mul3A_395 {strides = array<i32>} : memref<512x64xf32, #tpu.memory_space<vmem>>, vector<16xf32>,
        %get3A_399 = arith.index_cast %add3A_388 : i32 to index
        %get3A_400 = arith.constant 16 : index
        %get3A_401 = tpu.vector_load %arg15[%get3A_399, %get3A_400] {strides = array<i32>} : memref<512x64xf32, #tpu.memory_space<vmem>>, vector<16xf32>,
        %slice3A_402 = vector.extract_strided_slice %get3A_167 {offsets = [5], sizes = [1], strides = [1]} : vector<16xf32> to vector<1xf32>
        %squeeze3A_403 = vector.extract %slice3A_402[0] : f32 from vector<1xf32>
        %mul3A_404 = vector.broadcast %squeeze3A_403 : f32 to vector<16xf32>
        %mul3A_405 = arith.mulf %get3A_401, %mul3A_404 : vector<16xf32>
        %swap3A_406 = arith.index_cast %add3A_388 : i32 to index
        %swap3A_407 = arith.constant 16 : index
        %swap3A_408 = tpu.vector_load %arg15[%swap3A_406, %swap3A_407] {strides = array<i32>} : memref<512x64xf32, #tpu.memory_space<vmem>>, vector<16xf32>,
        tpu.vector_store %arg15[%swap3A_406, %swap3A_407], %mul3A_405 {strides = array<i32>} : memref<512x64xf32, #tpu.memory_space<vmem>>, vector<16xf32>,
        %get3A_409 = arith.index_cast %add3A_388 : i32 to index
        %get3A_410 = arith.constant 32 : index
        %get3A_411 = tpu.vector_load %arg15[%get3A_409, %get3A_410] {strides = array<i32>} : memref<512x64xf32, #tpu.memory_space<vmem>>, vector<16xf32>,
        %slice3A_412 = vector.extract_strided_slice %get3A_167 {offsets = [5], sizes = [1], strides = [1]} : vector<16xf32> to vector<1xf32>
        %squeeze3A_413 = vector.extract %slice3A_412[0] : f32 from vector<1xf32>
        %mul3A_414 = vector.broadcast %squeeze3A_413 : f32 to vector<16xf32>
        %mul3A_415 = arith.mulf %get3A_411, %mul3A_414 : vector<16xf32>
        %swap3A_416 = arith.index_cast %add3A_388 : i32 to index
        %swap3A_417 = arith.constant 32 : index
        %swap3A_418 = tpu.vector_load %arg15[%swap3A_416, %swap3A_417] {strides = array<i32>} : memref<512x64xf32, #tpu.memory_space<vmem>>, vector<16xf32>,
        tpu.vector_store %arg15[%swap3A_416, %swap3A_417], %mul3A_415 {strides = array<i32>} : memref<512x64xf32, #tpu.memory_space<vmem>>, vector<16xf32>,
        %get3A_419 = arith.index_cast %add3A_388 : i32 to index
        %get3A_420 = arith.constant 48 : index
        %get3A_421 = tpu.vector_load %arg15[%get3A_419, %get3A_420] {strides = array<i32>} : memref<512x64xf32, #tpu.memory_space<vmem>>, vector<16xf32>,
        %slice3A_422 = vector.extract_strided_slice %get3A_167 {offsets = [5], sizes = [1], strides = [1]} : vector<16xf32> to vector<1xf32>
        %squeeze3A_423 = vector.extract %slice3A_422[0] : f32 from vector<1xf32>
        %mul3A_424 = vector.broadcast %squeeze3A_423 : f32 to vector<16xf32>
        %mul3A_425 = arith.mulf %get3A_421, %mul3A_424 : vector<16xf32>
        %swap3A_426 = arith.index_cast %add3A_388 : i32 to index
        %swap3A_427 = arith.constant 48 : index
        %swap3A_428 = tpu.vector_load %arg15[%swap3A_426, %swap3A_427] {strides = array<i32>} : memref<512x64xf32, #tpu.memory_space<vmem>>, vector<16xf32>,
        tpu.vector_store %arg15[%swap3A_426, %swap3A_427], %mul3A_425 {strides = array<i32>} : memref<512x64xf32, #tpu.memory_space<vmem>>, vector<16xf32>,
        %mul3A_429 = arith.constant 16 : i32
        %mul3A_430 = arith.muli %scan3A_132, %mul3A_429 : i32
        %add3A_431 = arith.constant 6 : i32
        %add3A_432 = arith.addi %mul3A_430, %add3A_431 : i32
        %get3A_433 = arith.index_cast %add3A_432 : i32 to index
        %get3A_434 = arith.constant 0 : index
        %get3A_435 = tpu.vector_load %arg15[%get3A_433, %get3A_434] {strides = array<i32>} : memref<512x64xf32, #tpu.memory_space<vmem>>, vector<16xf32>,
        %slice3A_436 = vector.extract_strided_slice %get3A_167 {offsets = [6], sizes = [1], strides = [1]} : vector<16xf32> to vector<1xf32>
        %squeeze3A_437 = vector.extract %slice3A_436[0] : f32 from vector<1xf32>
        %mul3A_438 = vector.broadcast %squeeze3A_437 : f32 to vector<16xf32>
        %mul3A_439 = arith.mulf %get3A_435, %mul3A_438 : vector<16xf32>
        %swap3A_440 = arith.index_cast %add3A_432 : i32 to index
        %swap3A_441 = arith.constant 0 : index
        %swap3A_442 = tpu.vector_load %arg15[%swap3A_440, %swap3A_441] {strides = array<i32>} : memref<512x64xf32, #tpu.memory_space<vmem>>, vector<16xf32>,
        tpu.vector_store %arg15[%swap3A_440, %swap3A_441], %mul3A_439 {strides = array<i32>} : memref<512x64xf32, #tpu.memory_space<vmem>>, vector<16xf32>,
        %get3A_443 = arith.index_cast %add3A_432 : i32 to index
        %get3A_444 = arith.constant 16 : index
        %get3A_445 = tpu.vector_load %arg15[%get3A_443, %get3A_444] {strides = array<i32>} : memref<512x64xf32, #tpu.memory_space<vmem>>, vector<16xf32>,
        %slice3A_446 = vector.extract_strided_slice %get3A_167 {offsets = [6], sizes = [1], strides = [1]} : vector<16xf32> to vector<1xf32>
        %squeeze3A_447 = vector.extract %slice3A_446[0] : f32 from vector<1xf32>
        %mul3A_448 = vector.broadcast %squeeze3A_447 : f32 to vector<16xf32>
        %mul3A_449 = arith.mulf %get3A_445, %mul3A_448 : vector<16xf32>
        %swap3A_450 = arith.index_cast %add3A_432 : i32 to index
        %swap3A_451 = arith.constant 16 : index
        %swap3A_452 = tpu.vector_load %arg15[%swap3A_450, %swap3A_451] {strides = array<i32>} : memref<512x64xf32, #tpu.memory_space<vmem>>, vector<16xf32>,
        tpu.vector_store %arg15[%swap3A_450, %swap3A_451], %mul3A_449 {strides = array<i32>} : memref<512x64xf32, #tpu.memory_space<vmem>>, vector<16xf32>,
        %get3A_453 = arith.index_cast %add3A_432 : i32 to index
        %get3A_454 = arith.constant 32 : index
        %get3A_455 = tpu.vector_load %arg15[%get3A_453, %get3A_454] {strides = array<i32>} : memref<512x64xf32, #tpu.memory_space<vmem>>, vector<16xf32>,
        %slice3A_456 = vector.extract_strided_slice %get3A_167 {offsets = [6], sizes = [1], strides = [1]} : vector<16xf32> to vector<1xf32>
        %squeeze3A_457 = vector.extract %slice3A_456[0] : f32 from vector<1xf32>
        %mul3A_458 = vector.broadcast %squeeze3A_457 : f32 to vector<16xf32>
        %mul3A_459 = arith.mulf %get3A_455, %mul3A_458 : vector<16xf32>
        %swap3A_460 = arith.index_cast %add3A_432 : i32 to index
        %swap3A_461 = arith.constant 32 : index
        %swap3A_462 = tpu.vector_load %arg15[%swap3A_460, %swap3A_461] {strides = array<i32>} : memref<512x64xf32, #tpu.memory_space<vmem>>, vector<16xf32>,
        tpu.vector_store %arg15[%swap3A_460, %swap3A_461], %mul3A_459 {strides = array<i32>} : memref<512x64xf32, #tpu.memory_space<vmem>>, vector<16xf32>,
        %get3A_463 = arith.index_cast %add3A_432 : i32 to index
        %get3A_464 = arith.constant 48 : index
        %get3A_465 = tpu.vector_load %arg15[%get3A_463, %get3A_464] {strides = array<i32>} : memref<512x64xf32, #tpu.memory_space<vmem>>, vector<16xf32>,
        %slice3A_466 = vector.extract_strided_slice %get3A_167 {offsets = [6], sizes = [1], strides = [1]} : vector<16xf32> to vector<1xf32>
        %squeeze3A_467 = vector.extract %slice3A_466[0] : f32 from vector<1xf32>
        %mul3A_468 = vector.broadcast %squeeze3A_467 : f32 to vector<16xf32>
        %mul3A_469 = arith.mulf %get3A_465, %mul3A_468 : vector<16xf32>
        %swap3A_470 = arith.index_cast %add3A_432 : i32 to index
        %swap3A_471 = arith.constant 48 : index
        %swap3A_472 = tpu.vector_load %arg15[%swap3A_470, %swap3A_471] {strides = array<i32>} : memref<512x64xf32, #tpu.memory_space<vmem>>, vector<16xf32>,
        tpu.vector_store %arg15[%swap3A_470, %swap3A_471], %mul3A_469 {strides = array<i32>} : memref<512x64xf32, #tpu.memory_space<vmem>>, vector<16xf32>,
        %mul3A_473 = arith.constant 16 : i32
        %mul3A_474 = arith.muli %scan3A_132, %mul3A_473 : i32
        %add3A_475 = arith.constant 7 : i32
        %add3A_476 = arith.addi %mul3A_474, %add3A_475 : i32
        %get3A_477 = arith.index_cast %add3A_476 : i32 to index
        %get3A_478 = arith.constant 0 : index
        %get3A_479 = tpu.vector_load %arg15[%get3A_477, %get3A_478] {strides = array<i32>} : memref<512x64xf32, #tpu.memory_space<vmem>>, vector<16xf32>,
        %slice3A_480 = vector.extract_strided_slice %get3A_167 {offsets = [7], sizes = [1], strides = [1]} : vector<16xf32> to vector<1xf32>
        %squeeze3A_481 = vector.extract %slice3A_480[0] : f32 from vector<1xf32>
        %mul3A_482 = vector.broadcast %squeeze3A_481 : f32 to vector<16xf32>
        %mul3A_483 = arith.mulf %get3A_479, %mul3A_482 : vector<16xf32>
        %swap3A_484 = arith.index_cast %add3A_476 : i32 to index
        %swap3A_485 = arith.constant 0 : index
        %swap3A_486 = tpu.vector_load %arg15[%swap3A_484, %swap3A_485] {strides = array<i32>} : memref<512x64xf32, #tpu.memory_space<vmem>>, vector<16xf32>,
        tpu.vector_store %arg15[%swap3A_484, %swap3A_485], %mul3A_483 {strides = array<i32>} : memref<512x64xf32, #tpu.memory_space<vmem>>, vector<16xf32>,
        %get3A_487 = arith.index_cast %add3A_476 : i32 to index
        %get3A_488 = arith.constant 16 : index
        %get3A_489 = tpu.vector_load %arg15[%get3A_487, %get3A_488] {strides = array<i32>} : memref<512x64xf32, #tpu.memory_space<vmem>>, vector<16xf32>,
        %slice3A_490 = vector.extract_strided_slice %get3A_167 {offsets = [7], sizes = [1], strides = [1]} : vector<16xf32> to vector<1xf32>
        %squeeze3A_491 = vector.extract %slice3A_490[0] : f32 from vector<1xf32>
        %mul3A_492 = vector.broadcast %squeeze3A_491 : f32 to vector<16xf32>
        %mul3A_493 = arith.mulf %get3A_489, %mul3A_492 : vector<16xf32>
        %swap3A_494 = arith.index_cast %add3A_476 : i32 to index
        %swap3A_495 = arith.constant 16 : index
        %swap3A_496 = tpu.vector_load %arg15[%swap3A_494, %swap3A_495] {strides = array<i32>} : memref<512x64xf32, #tpu.memory_space<vmem>>, vector<16xf32>,
        tpu.vector_store %arg15[%swap3A_494, %swap3A_495], %mul3A_493 {strides = array<i32>} : memref<512x64xf32, #tpu.memory_space<vmem>>, vector<16xf32>,
        %get3A_497 = arith.index_cast %add3A_476 : i32 to index
        %get3A_498 = arith.constant 32 : index
        %get3A_499 = tpu.vector_load %arg15[%get3A_497, %get3A_498] {strides = array<i32>} : memref<512x64xf32, #tpu.memory_space<vmem>>, vector<16xf32>,
        %slice3A_500 = vector.extract_strided_slice %get3A_167 {offsets = [7], sizes = [1], strides = [1]} : vector<16xf32> to vector<1xf32>
        %squeeze3A_501 = vector.extract %slice3A_500[0] : f32 from vector<1xf32>
        %mul3A_502 = vector.broadcast %squeeze3A_501 : f32 to vector<16xf32>
        %mul3A_503 = arith.mulf %get3A_499, %mul3A_502 : vector<16xf32>
        %swap3A_504 = arith.index_cast %add3A_476 : i32 to index
        %swap3A_505 = arith.constant 32 : index
        %swap3A_506 = tpu.vector_load %arg15[%swap3A_504, %swap3A_505] {strides = array<i32>} : memref<512x64xf32, #tpu.memory_space<vmem>>, vector<16xf32>,
        tpu.vector_store %arg15[%swap3A_504, %swap3A_505], %mul3A_503 {strides = array<i32>} : memref<512x64xf32, #tpu.memory_space<vmem>>, vector<16xf32>,
        %get3A_507 = arith.index_cast %add3A_476 : i32 to index
        %get3A_508 = arith.constant 48 : index
        %get3A_509 = tpu.vector_load %arg15[%get3A_507, %get3A_508] {strides = array<i32>} : memref<512x64xf32, #tpu.memory_space<vmem>>, vector<16xf32>,
        %slice3A_510 = vector.extract_strided_slice %get3A_167 {offsets = [7], sizes = [1], strides = [1]} : vector<16xf32> to vector<1xf32>
        %squeeze3A_511 = vector.extract %slice3A_510[0] : f32 from vector<1xf32>
        %mul3A_512 = vector.broadcast %squeeze3A_511 : f32 to vector<16xf32>
        %mul3A_513 = arith.mulf %get3A_509, %mul3A_512 : vector<16xf32>
        %swap3A_514 = arith.index_cast %add3A_476 : i32 to index
        %swap3A_515 = arith.constant 48 : index
        %swap3A_516 = tpu.vector_load %arg15[%swap3A_514, %swap3A_515] {strides = array<i32>} : memref<512x64xf32, #tpu.memory_space<vmem>>, vector<16xf32>,
        tpu.vector_store %arg15[%swap3A_514, %swap3A_515], %mul3A_513 {strides = array<i32>} : memref<512x64xf32, #tpu.memory_space<vmem>>, vector<16xf32>,
        %mul3A_517 = arith.constant 16 : i32
        %mul3A_518 = arith.muli %scan3A_132, %mul3A_517 : i32
        %add3A_519 = arith.constant 8 : i32
        %add3A_520 = arith.addi %mul3A_518, %add3A_519 : i32
        %get3A_521 = arith.index_cast %add3A_520 : i32 to index
        %get3A_522 = arith.constant 0 : index
        %get3A_523 = tpu.vector_load %arg15[%get3A_521, %get3A_522] {strides = array<i32>} : memref<512x64xf32, #tpu.memory_space<vmem>>, vector<16xf32>,
        %slice3A_524 = vector.extract_strided_slice %get3A_167 {offsets = [8], sizes = [1], strides = [1]} : vector<16xf32> to vector<1xf32>
        %squeeze3A_525 = vector.extract %slice3A_524[0] : f32 from vector<1xf32>
        %mul3A_526 = vector.broadcast %squeeze3A_525 : f32 to vector<16xf32>
        %mul3A_527 = arith.mulf %get3A_523, %mul3A_526 : vector<16xf32>
        %swap3A_528 = arith.index_cast %add3A_520 : i32 to index
        %swap3A_529 = arith.constant 0 : index
        %swap3A_530 = tpu.vector_load %arg15[%swap3A_528, %swap3A_529] {strides = array<i32>} : memref<512x64xf32, #tpu.memory_space<vmem>>, vector<16xf32>,
        tpu.vector_store %arg15[%swap3A_528, %swap3A_529], %mul3A_527 {strides = array<i32>} : memref<512x64xf32, #tpu.memory_space<vmem>>, vector<16xf32>,
        %get3A_531 = arith.index_cast %add3A_520 : i32 to index
        %get3A_532 = arith.constant 16 : index
        %get3A_533 = tpu.vector_load %arg15[%get3A_531, %get3A_532] {strides = array<i32>} : memref<512x64xf32, #tpu.memory_space<vmem>>, vector<16xf32>,
        %slice3A_534 = vector.extract_strided_slice %get3A_167 {offsets = [8], sizes = [1], strides = [1]} : vector<16xf32> to vector<1xf32>
        %squeeze3A_535 = vector.extract %slice3A_534[0] : f32 from vector<1xf32>
        %mul3A_536 = vector.broadcast %squeeze3A_535 : f32 to vector<16xf32>
        %mul3A_537 = arith.mulf %get3A_533, %mul3A_536 : vector<16xf32>
        %swap3A_538 = arith.index_cast %add3A_520 : i32 to index
        %swap3A_539 = arith.constant 16 : index
        %swap3A_540 = tpu.vector_load %arg15[%swap3A_538, %swap3A_539] {strides = array<i32>} : memref<512x64xf32, #tpu.memory_space<vmem>>, vector<16xf32>,
        tpu.vector_store %arg15[%swap3A_538, %swap3A_539], %mul3A_537 {strides = array<i32>} : memref<512x64xf32, #tpu.memory_space<vmem>>, vector<16xf32>,
        %get3A_541 = arith.index_cast %add3A_520 : i32 to index
        %get3A_542 = arith.constant 32 : index
        %get3A_543 = tpu.vector_load %arg15[%get3A_541, %get3A_542] {strides = array<i32>} : memref<512x64xf32, #tpu.memory_space<vmem>>, vector<16xf32>,
        %slice3A_544 = vector.extract_strided_slice %get3A_167 {offsets = [8], sizes = [1], strides = [1]} : vector<16xf32> to vector<1xf32>
        %squeeze3A_545 = vector.extract %slice3A_544[0] : f32 from vector<1xf32>
        %mul3A_546 = vector.broadcast %squeeze3A_545 : f32 to vector<16xf32>
        %mul3A_547 = arith.mulf %get3A_543, %mul3A_546 : vector<16xf32>
        %swap3A_548 = arith.index_cast %add3A_520 : i32 to index
        %swap3A_549 = arith.constant 32 : index
        %swap3A_550 = tpu.vector_load %arg15[%swap3A_548, %swap3A_549] {strides = array<i32>} : memref<512x64xf32, #tpu.memory_space<vmem>>, vector<16xf32>,
        tpu.vector_store %arg15[%swap3A_548, %swap3A_549], %mul3A_547 {strides = array<i32>} : memref<512x64xf32, #tpu.memory_space<vmem>>, vector<16xf32>,
        %get3A_551 = arith.index_cast %add3A_520 : i32 to index
        %get3A_552 = arith.constant 48 : index
        %get3A_553 = tpu.vector_load %arg15[%get3A_551, %get3A_552] {strides = array<i32>} : memref<512x64xf32, #tpu.memory_space<vmem>>, vector<16xf32>,
        %slice3A_554 = vector.extract_strided_slice %get3A_167 {offsets = [8], sizes = [1], strides = [1]} : vector<16xf32> to vector<1xf32>
        %squeeze3A_555 = vector.extract %slice3A_554[0] : f32 from vector<1xf32>
        %mul3A_556 = vector.broadcast %squeeze3A_555 : f32 to vector<16xf32>
        %mul3A_557 = arith.mulf %get3A_553, %mul3A_556 : vector<16xf32>
        %swap3A_558 = arith.index_cast %add3A_520 : i32 to index
        %swap3A_559 = arith.constant 48 : index
        %swap3A_560 = tpu.vector_load %arg15[%swap3A_558, %swap3A_559] {strides = array<i32>} : memref<512x64xf32, #tpu.memory_space<vmem>>, vector<16xf32>,
        tpu.vector_store %arg15[%swap3A_558, %swap3A_559], %mul3A_557 {strides = array<i32>} : memref<512x64xf32, #tpu.memory_space<vmem>>, vector<16xf32>,
        %mul3A_561 = arith.constant 16 : i32
        %mul3A_562 = arith.muli %scan3A_132, %mul3A_561 : i32
        %add3A_563 = arith.constant 9 : i32
        %add3A_564 = arith.addi %mul3A_562, %add3A_563 : i32
        %get3A_565 = arith.index_cast %add3A_564 : i32 to index
        %get3A_566 = arith.constant 0 : index
        %get3A_567 = tpu.vector_load %arg15[%get3A_565, %get3A_566] {strides = array<i32>} : memref<512x64xf32, #tpu.memory_space<vmem>>, vector<16xf32>,
        %slice3A_568 = vector.extract_strided_slice %get3A_167 {offsets = [9], sizes = [1], strides = [1]} : vector<16xf32> to vector<1xf32>
        %squeeze3A_569 = vector.extract %slice3A_568[0] : f32 from vector<1xf32>
        %mul3A_570 = vector.broadcast %squeeze3A_569 : f32 to vector<16xf32>
        %mul3A_571 = arith.mulf %get3A_567, %mul3A_570 : vector<16xf32>
        %swap3A_572 = arith.index_cast %add3A_564 : i32 to index
        %swap3A_573 = arith.constant 0 : index
        %swap3A_574 = tpu.vector_load %arg15[%swap3A_572, %swap3A_573] {strides = array<i32>} : memref<512x64xf32, #tpu.memory_space<vmem>>, vector<16xf32>,
        tpu.vector_store %arg15[%swap3A_572, %swap3A_573], %mul3A_571 {strides = array<i32>} : memref<512x64xf32, #tpu.memory_space<vmem>>, vector<16xf32>,
        %get3A_575 = arith.index_cast %add3A_564 : i32 to index
        %get3A_576 = arith.constant 16 : index
        %get3A_577 = tpu.vector_load %arg15[%get3A_575, %get3A_576] {strides = array<i32>} : memref<512x64xf32, #tpu.memory_space<vmem>>, vector<16xf32>,
        %slice3A_578 = vector.extract_strided_slice %get3A_167 {offsets = [9], sizes = [1], strides = [1]} : vector<16xf32> to vector<1xf32>
        %squeeze3A_579 = vector.extract %slice3A_578[0] : f32 from vector<1xf32>
        %mul3A_580 = vector.broadcast %squeeze3A_579 : f32 to vector<16xf32>
        %mul3A_581 = arith.mulf %get3A_577, %mul3A_580 : vector<16xf32>
        %swap3A_582 = arith.index_cast %add3A_564 : i32 to index
        %swap3A_583 = arith.constant 16 : index
        %swap3A_584 = tpu.vector_load %arg15[%swap3A_582, %swap3A_583] {strides = array<i32>} : memref<512x64xf32, #tpu.memory_space<vmem>>, vector<16xf32>,
        tpu.vector_store %arg15[%swap3A_582, %swap3A_583], %mul3A_581 {strides = array<i32>} : memref<512x64xf32, #tpu.memory_space<vmem>>, vector<16xf32>,
        %get3A_585 = arith.index_cast %add3A_564 : i32 to index
        %get3A_586 = arith.constant 32 : index
        %get3A_587 = tpu.vector_load %arg15[%get3A_585, %get3A_586] {strides = array<i32>} : memref<512x64xf32, #tpu.memory_space<vmem>>, vector<16xf32>,
        %slice3A_588 = vector.extract_strided_slice %get3A_167 {offsets = [9], sizes = [1], strides = [1]} : vector<16xf32> to vector<1xf32>
        %squeeze3A_589 = vector.extract %slice3A_588[0] : f32 from vector<1xf32>
        %mul3A_590 = vector.broadcast %squeeze3A_589 : f32 to vector<16xf32>
        %mul3A_591 = arith.mulf %get3A_587, %mul3A_590 : vector<16xf32>
        %swap3A_592 = arith.index_cast %add3A_564 : i32 to index
        %swap3A_593 = arith.constant 32 : index
        %swap3A_594 = tpu.vector_load %arg15[%swap3A_592, %swap3A_593] {strides = array<i32>} : memref<512x64xf32, #tpu.memory_space<vmem>>, vector<16xf32>,
        tpu.vector_store %arg15[%swap3A_592, %swap3A_593], %mul3A_591 {strides = array<i32>} : memref<512x64xf32, #tpu.memory_space<vmem>>, vector<16xf32>,
        %get3A_595 = arith.index_cast %add3A_564 : i32 to index
        %get3A_596 = arith.constant 48 : index
        %get3A_597 = tpu.vector_load %arg15[%get3A_595, %get3A_596] {strides = array<i32>} : memref<512x64xf32, #tpu.memory_space<vmem>>, vector<16xf32>,
        %slice3A_598 = vector.extract_strided_slice %get3A_167 {offsets = [9], sizes = [1], strides = [1]} : vector<16xf32> to vector<1xf32>
        %squeeze3A_599 = vector.extract %slice3A_598[0] : f32 from vector<1xf32>
        %mul3A_600 = vector.broadcast %squeeze3A_599 : f32 to vector<16xf32>
        %mul3A_601 = arith.mulf %get3A_597, %mul3A_600 : vector<16xf32>
        %swap3A_602 = arith.index_cast %add3A_564 : i32 to index
        %swap3A_603 = arith.constant 48 : index
        %swap3A_604 = tpu.vector_load %arg15[%swap3A_602, %swap3A_603] {strides = array<i32>} : memref<512x64xf32, #tpu.memory_space<vmem>>, vector<16xf32>,
        tpu.vector_store %arg15[%swap3A_602, %swap3A_603], %mul3A_601 {strides = array<i32>} : memref<512x64xf32, #tpu.memory_space<vmem>>, vector<16xf32>,
        %mul3A_605 = arith.constant 16 : i32
        %mul3A_606 = arith.muli %scan3A_132, %mul3A_605 : i32
        %add3A_607 = arith.constant 10 : i32
        %add3A_608 = arith.addi %mul3A_606, %add3A_607 : i32
        %get3A_609 = arith.index_cast %add3A_608 : i32 to index
        %get3A_610 = arith.constant 0 : index
        %get3A_611 = tpu.vector_load %arg15[%get3A_609, %get3A_610] {strides = array<i32>} : memref<512x64xf32, #tpu.memory_space<vmem>>, vector<16xf32>,
        %slice3A_612 = vector.extract_strided_slice %get3A_167 {offsets = [10], sizes = [1], strides = [1]} : vector<16xf32> to vector<1xf32>
        %squeeze3A_613 = vector.extract %slice3A_612[0] : f32 from vector<1xf32>
        %mul3A_614 = vector.broadcast %squeeze3A_613 : f32 to vector<16xf32>
        %mul3A_615 = arith.mulf %get3A_611, %mul3A_614 : vector<16xf32>
        %swap3A_616 = arith.index_cast %add3A_608 : i32 to index
        %swap3A_617 = arith.constant 0 : index
        %swap3A_618 = tpu.vector_load %arg15[%swap3A_616, %swap3A_617] {strides = array<i32>} : memref<512x64xf32, #tpu.memory_space<vmem>>, vector<16xf32>,
        tpu.vector_store %arg15[%swap3A_616, %swap3A_617], %mul3A_615 {strides = array<i32>} : memref<512x64xf32, #tpu.memory_space<vmem>>, vector<16xf32>,
        %get3A_619 = arith.index_cast %add3A_608 : i32 to index
        %get3A_620 = arith.constant 16 : index
        %get3A_621 = tpu.vector_load %arg15[%get3A_619, %get3A_620] {strides = array<i32>} : memref<512x64xf32, #tpu.memory_space<vmem>>, vector<16xf32>,
        %slice3A_622 = vector.extract_strided_slice %get3A_167 {offsets = [10], sizes = [1], strides = [1]} : vector<16xf32> to vector<1xf32>
        %squeeze3A_623 = vector.extract %slice3A_622[0] : f32 from vector<1xf32>
        %mul3A_624 = vector.broadcast %squeeze3A_623 : f32 to vector<16xf32>
        %mul3A_625 = arith.mulf %get3A_621, %mul3A_624 : vector<16xf32>
        %swap3A_626 = arith.index_cast %add3A_608 : i32 to index
        %swap3A_627 = arith.constant 16 : index
        %swap3A_628 = tpu.vector_load %arg15[%swap3A_626, %swap3A_627] {strides = array<i32>} : memref<512x64xf32, #tpu.memory_space<vmem>>, vector<16xf32>,
        tpu.vector_store %arg15[%swap3A_626, %swap3A_627], %mul3A_625 {strides = array<i32>} : memref<512x64xf32, #tpu.memory_space<vmem>>, vector<16xf32>,
        %get3A_629 = arith.index_cast %add3A_608 : i32 to index
        %get3A_630 = arith.constant 32 : index
        %get3A_631 = tpu.vector_load %arg15[%get3A_629, %get3A_630] {strides = array<i32>} : memref<512x64xf32, #tpu.memory_space<vmem>>, vector<16xf32>,
        %slice3A_632 = vector.extract_strided_slice %get3A_167 {offsets = [10], sizes = [1], strides = [1]} : vector<16xf32> to vector<1xf32>
        %squeeze3A_633 = vector.extract %slice3A_632[0] : f32 from vector<1xf32>
        %mul3A_634 = vector.broadcast %squeeze3A_633 : f32 to vector<16xf32>
        %mul3A_635 = arith.mulf %get3A_631, %mul3A_634 : vector<16xf32>
        %swap3A_636 = arith.index_cast %add3A_608 : i32 to index
        %swap3A_637 = arith.constant 32 : index
        %swap3A_638 = tpu.vector_load %arg15[%swap3A_636, %swap3A_637] {strides = array<i32>} : memref<512x64xf32, #tpu.memory_space<vmem>>, vector<16xf32>,
        tpu.vector_store %arg15[%swap3A_636, %swap3A_637], %mul3A_635 {strides = array<i32>} : memref<512x64xf32, #tpu.memory_space<vmem>>, vector<16xf32>,
        %get3A_639 = arith.index_cast %add3A_608 : i32 to index
        %get3A_640 = arith.constant 48 : index
        %get3A_641 = tpu.vector_load %arg15[%get3A_639, %get3A_640] {strides = array<i32>} : memref<512x64xf32, #tpu.memory_space<vmem>>, vector<16xf32>,
        %slice3A_642 = vector.extract_strided_slice %get3A_167 {offsets = [10], sizes = [1], strides = [1]} : vector<16xf32> to vector<1xf32>
        %squeeze3A_643 = vector.extract %slice3A_642[0] : f32 from vector<1xf32>
        %mul3A_644 = vector.broadcast %squeeze3A_643 : f32 to vector<16xf32>
        %mul3A_645 = arith.mulf %get3A_641, %mul3A_644 : vector<16xf32>
        %swap3A_646 = arith.index_cast %add3A_608 : i32 to index
        %swap3A_647 = arith.constant 48 : index
        %swap3A_648 = tpu.vector_load %arg15[%swap3A_646, %swap3A_647] {strides = array<i32>} : memref<512x64xf32, #tpu.memory_space<vmem>>, vector<16xf32>,
        tpu.vector_store %arg15[%swap3A_646, %swap3A_647], %mul3A_645 {strides = array<i32>} : memref<512x64xf32, #tpu.memory_space<vmem>>, vector<16xf32>,
        %mul3A_649 = arith.constant 16 : i32
        %mul3A_650 = arith.muli %scan3A_132, %mul3A_649 : i32
        %add3A_651 = arith.constant 11 : i32
        %add3A_652 = arith.addi %mul3A_650, %add3A_651 : i32
        %get3A_653 = arith.index_cast %add3A_652 : i32 to index
        %get3A_654 = arith.constant 0 : index
        %get3A_655 = tpu.vector_load %arg15[%get3A_653, %get3A_654] {strides = array<i32>} : memref<512x64xf32, #tpu.memory_space<vmem>>, vector<16xf32>,
        %slice3A_656 = vector.extract_strided_slice %get3A_167 {offsets = [11], sizes = [1], strides = [1]} : vector<16xf32> to vector<1xf32>
        %squeeze3A_657 = vector.extract %slice3A_656[0] : f32 from vector<1xf32>
        %mul3A_658 = vector.broadcast %squeeze3A_657 : f32 to vector<16xf32>
        %mul3A_659 = arith.mulf %get3A_655, %mul3A_658 : vector<16xf32>
        %swap3A_660 = arith.index_cast %add3A_652 : i32 to index
        %swap3A_661 = arith.constant 0 : index
        %swap3A_662 = tpu.vector_load %arg15[%swap3A_660, %swap3A_661] {strides = array<i32>} : memref<512x64xf32, #tpu.memory_space<vmem>>, vector<16xf32>,
        tpu.vector_store %arg15[%swap3A_660, %swap3A_661], %mul3A_659 {strides = array<i32>} : memref<512x64xf32, #tpu.memory_space<vmem>>, vector<16xf32>,
        %get3A_663 = arith.index_cast %add3A_652 : i32 to index
        %get3A_664 = arith.constant 16 : index
        %get3A_665 = tpu.vector_load %arg15[%get3A_663, %get3A_664] {strides = array<i32>} : memref<512x64xf32, #tpu.memory_space<vmem>>, vector<16xf32>,
        %slice3A_666 = vector.extract_strided_slice %get3A_167 {offsets = [11], sizes = [1], strides = [1]} : vector<16xf32> to vector<1xf32>
        %squeeze3A_667 = vector.extract %slice3A_666[0] : f32 from vector<1xf32>
        %mul3A_668 = vector.broadcast %squeeze3A_667 : f32 to vector<16xf32>
        %mul3A_669 = arith.mulf %get3A_665, %mul3A_668 : vector<16xf32>
        %swap3A_670 = arith.index_cast %add3A_652 : i32 to index
        %swap3A_671 = arith.constant 16 : index
        %swap3A_672 = tpu.vector_load %arg15[%swap3A_670, %swap3A_671] {strides = array<i32>} : memref<512x64xf32, #tpu.memory_space<vmem>>, vector<16xf32>,
        tpu.vector_store %arg15[%swap3A_670, %swap3A_671], %mul3A_669 {strides = array<i32>} : memref<512x64xf32, #tpu.memory_space<vmem>>, vector<16xf32>,
        %get3A_673 = arith.index_cast %add3A_652 : i32 to index
        %get3A_674 = arith.constant 32 : index
        %get3A_675 = tpu.vector_load %arg15[%get3A_673, %get3A_674] {strides = array<i32>} : memref<512x64xf32, #tpu.memory_space<vmem>>, vector<16xf32>,
        %slice3A_676 = vector.extract_strided_slice %get3A_167 {offsets = [11], sizes = [1], strides = [1]} : vector<16xf32> to vector<1xf32>
        %squeeze3A_677 = vector.extract %slice3A_676[0] : f32 from vector<1xf32>
        %mul3A_678 = vector.broadcast %squeeze3A_677 : f32 to vector<16xf32>
        %mul3A_679 = arith.mulf %get3A_675, %mul3A_678 : vector<16xf32>
        %swap3A_680 = arith.index_cast %add3A_652 : i32 to index
        %swap3A_681 = arith.constant 32 : index
        %swap3A_682 = tpu.vector_load %arg15[%swap3A_680, %swap3A_681] {strides = array<i32>} : memref<512x64xf32, #tpu.memory_space<vmem>>, vector<16xf32>,
        tpu.vector_store %arg15[%swap3A_680, %swap3A_681], %mul3A_679 {strides = array<i32>} : memref<512x64xf32, #tpu.memory_space<vmem>>, vector<16xf32>,
        %get3A_683 = arith.index_cast %add3A_652 : i32 to index
        %get3A_684 = arith.constant 48 : index
        %get3A_685 = tpu.vector_load %arg15[%get3A_683, %get3A_684] {strides = array<i32>} : memref<512x64xf32, #tpu.memory_space<vmem>>, vector<16xf32>,
        %slice3A_686 = vector.extract_strided_slice %get3A_167 {offsets = [11], sizes = [1], strides = [1]} : vector<16xf32> to vector<1xf32>
        %squeeze3A_687 = vector.extract %slice3A_686[0] : f32 from vector<1xf32>
        %mul3A_688 = vector.broadcast %squeeze3A_687 : f32 to vector<16xf32>
        %mul3A_689 = arith.mulf %get3A_685, %mul3A_688 : vector<16xf32>
        %swap3A_690 = arith.index_cast %add3A_652 : i32 to index
        %swap3A_691 = arith.constant 48 : index
        %swap3A_692 = tpu.vector_load %arg15[%swap3A_690, %swap3A_691] {strides = array<i32>} : memref<512x64xf32, #tpu.memory_space<vmem>>, vector<16xf32>,
        tpu.vector_store %arg15[%swap3A_690, %swap3A_691], %mul3A_689 {strides = array<i32>} : memref<512x64xf32, #tpu.memory_space<vmem>>, vector<16xf32>,
        %mul3A_693 = arith.constant 16 : i32
        %mul3A_694 = arith.muli %scan3A_132, %mul3A_693 : i32
        %add3A_695 = arith.constant 12 : i32
        %add3A_696 = arith.addi %mul3A_694, %add3A_695 : i32
        %get3A_697 = arith.index_cast %add3A_696 : i32 to index
        %get3A_698 = arith.constant 0 : index
        %get3A_699 = tpu.vector_load %arg15[%get3A_697, %get3A_698] {strides = array<i32>} : memref<512x64xf32, #tpu.memory_space<vmem>>, vector<16xf32>,
        %slice3A_700 = vector.extract_strided_slice %get3A_167 {offsets = [12], sizes = [1], strides = [1]} : vector<16xf32> to vector<1xf32>
        %squeeze3A_701 = vector.extract %slice3A_700[0] : f32 from vector<1xf32>
        %mul3A_702 = vector.broadcast %squeeze3A_701 : f32 to vector<16xf32>
        %mul3A_703 = arith.mulf %get3A_699, %mul3A_702 : vector<16xf32>
        %swap3A_704 = arith.index_cast %add3A_696 : i32 to index
        %swap3A_705 = arith.constant 0 : index
        %swap3A_706 = tpu.vector_load %arg15[%swap3A_704, %swap3A_705] {strides = array<i32>} : memref<512x64xf32, #tpu.memory_space<vmem>>, vector<16xf32>,
        tpu.vector_store %arg15[%swap3A_704, %swap3A_705], %mul3A_703 {strides = array<i32>} : memref<512x64xf32, #tpu.memory_space<vmem>>, vector<16xf32>,
        %get3A_707 = arith.index_cast %add3A_696 : i32 to index
        %get3A_708 = arith.constant 16 : index
        %get3A_709 = tpu.vector_load %arg15[%get3A_707, %get3A_708] {strides = array<i32>} : memref<512x64xf32, #tpu.memory_space<vmem>>, vector<16xf32>,
        %slice3A_710 = vector.extract_strided_slice %get3A_167 {offsets = [12], sizes = [1], strides = [1]} : vector<16xf32> to vector<1xf32>
        %squeeze3A_711 = vector.extract %slice3A_710[0] : f32 from vector<1xf32>
        %mul3A_712 = vector.broadcast %squeeze3A_711 : f32 to vector<16xf32>
        %mul3A_713 = arith.mulf %get3A_709, %mul3A_712 : vector<16xf32>
        %swap3A_714 = arith.index_cast %add3A_696 : i32 to index
        %swap3A_715 = arith.constant 16 : index
        %swap3A_716 = tpu.vector_load %arg15[%swap3A_714, %swap3A_715] {strides = array<i32>} : memref<512x64xf32, #tpu.memory_space<vmem>>, vector<16xf32>,
        tpu.vector_store %arg15[%swap3A_714, %swap3A_715], %mul3A_713 {strides = array<i32>} : memref<512x64xf32, #tpu.memory_space<vmem>>, vector<16xf32>,
        %get3A_717 = arith.index_cast %add3A_696 : i32 to index
        %get3A_718 = arith.constant 32 : index
        %get3A_719 = tpu.vector_load %arg15[%get3A_717, %get3A_718] {strides = array<i32>} : memref<512x64xf32, #tpu.memory_space<vmem>>, vector<16xf32>,
        %slice3A_720 = vector.extract_strided_slice %get3A_167 {offsets = [12], sizes = [1], strides = [1]} : vector<16xf32> to vector<1xf32>
        %squeeze3A_721 = vector.extract %slice3A_720[0] : f32 from vector<1xf32>
        %mul3A_722 = vector.broadcast %squeeze3A_721 : f32 to vector<16xf32>
        %mul3A_723 = arith.mulf %get3A_719, %mul3A_722 : vector<16xf32>
        %swap3A_724 = arith.index_cast %add3A_696 : i32 to index
        %swap3A_725 = arith.constant 32 : index
        %swap3A_726 = tpu.vector_load %arg15[%swap3A_724, %swap3A_725] {strides = array<i32>} : memref<512x64xf32, #tpu.memory_space<vmem>>, vector<16xf32>,
        tpu.vector_store %arg15[%swap3A_724, %swap3A_725], %mul3A_723 {strides = array<i32>} : memref<512x64xf32, #tpu.memory_space<vmem>>, vector<16xf32>,
        %get3A_727 = arith.index_cast %add3A_696 : i32 to index
        %get3A_728 = arith.constant 48 : index
        %get3A_729 = tpu.vector_load %arg15[%get3A_727, %get3A_728] {strides = array<i32>} : memref<512x64xf32, #tpu.memory_space<vmem>>, vector<16xf32>,
        %slice3A_730 = vector.extract_strided_slice %get3A_167 {offsets = [12], sizes = [1], strides = [1]} : vector<16xf32> to vector<1xf32>
        %squeeze3A_731 = vector.extract %slice3A_730[0] : f32 from vector<1xf32>
        %mul3A_732 = vector.broadcast %squeeze3A_731 : f32 to vector<16xf32>
        %mul3A_733 = arith.mulf %get3A_729, %mul3A_732 : vector<16xf32>
        %swap3A_734 = arith.index_cast %add3A_696 : i32 to index
        %swap3A_735 = arith.constant 48 : index
        %swap3A_736 = tpu.vector_load %arg15[%swap3A_734, %swap3A_735] {strides = array<i32>} : memref<512x64xf32, #tpu.memory_space<vmem>>, vector<16xf32>,
        tpu.vector_store %arg15[%swap3A_734, %swap3A_735], %mul3A_733 {strides = array<i32>} : memref<512x64xf32, #tpu.memory_space<vmem>>, vector<16xf32>,
        %mul3A_737 = arith.constant 16 : i32
        %mul3A_738 = arith.muli %scan3A_132, %mul3A_737 : i32
        %add3A_739 = arith.constant 13 : i32
        %add3A_740 = arith.addi %mul3A_738, %add3A_739 : i32
        %get3A_741 = arith.index_cast %add3A_740 : i32 to index
        %get3A_742 = arith.constant 0 : index
        %get3A_743 = tpu.vector_load %arg15[%get3A_741, %get3A_742] {strides = array<i32>} : memref<512x64xf32, #tpu.memory_space<vmem>>, vector<16xf32>,
        %slice3A_744 = vector.extract_strided_slice %get3A_167 {offsets = [13], sizes = [1], strides = [1]} : vector<16xf32> to vector<1xf32>
        %squeeze3A_745 = vector.extract %slice3A_744[0] : f32 from vector<1xf32>
        %mul3A_746 = vector.broadcast %squeeze3A_745 : f32 to vector<16xf32>
        %mul3A_747 = arith.mulf %get3A_743, %mul3A_746 : vector<16xf32>
        %swap3A_748 = arith.index_cast %add3A_740 : i32 to index
        %swap3A_749 = arith.constant 0 : index
        %swap3A_750 = tpu.vector_load %arg15[%swap3A_748, %swap3A_749] {strides = array<i32>} : memref<512x64xf32, #tpu.memory_space<vmem>>, vector<16xf32>,
        tpu.vector_store %arg15[%swap3A_748, %swap3A_749], %mul3A_747 {strides = array<i32>} : memref<512x64xf32, #tpu.memory_space<vmem>>, vector<16xf32>,
        %get3A_751 = arith.index_cast %add3A_740 : i32 to index
        %get3A_752 = arith.constant 16 : index
        %get3A_753 = tpu.vector_load %arg15[%get3A_751, %get3A_752] {strides = array<i32>} : memref<512x64xf32, #tpu.memory_space<vmem>>, vector<16xf32>,
        %slice3A_754 = vector.extract_strided_slice %get3A_167 {offsets = [13], sizes = [1], strides = [1]} : vector<16xf32> to vector<1xf32>
        %squeeze3A_755 = vector.extract %slice3A_754[0] : f32 from vector<1xf32>
        %mul3A_756 = vector.broadcast %squeeze3A_755 : f32 to vector<16xf32>
        %mul3A_757 = arith.mulf %get3A_753, %mul3A_756 : vector<16xf32>
        %swap3A_758 = arith.index_cast %add3A_740 : i32 to index
        %swap3A_759 = arith.constant 16 : index
        %swap3A_760 = tpu.vector_load %arg15[%swap3A_758, %swap3A_759] {strides = array<i32>} : memref<512x64xf32, #tpu.memory_space<vmem>>, vector<16xf32>,
        tpu.vector_store %arg15[%swap3A_758, %swap3A_759], %mul3A_757 {strides = array<i32>} : memref<512x64xf32, #tpu.memory_space<vmem>>, vector<16xf32>,
        %get3A_761 = arith.index_cast %add3A_740 : i32 to index
        %get3A_762 = arith.constant 32 : index
        %get3A_763 = tpu.vector_load %arg15[%get3A_761, %get3A_762] {strides = array<i32>} : memref<512x64xf32, #tpu.memory_space<vmem>>, vector<16xf32>,
        %slice3A_764 = vector.extract_strided_slice %get3A_167 {offsets = [13], sizes = [1], strides = [1]} : vector<16xf32> to vector<1xf32>
        %squeeze3A_765 = vector.extract %slice3A_764[0] : f32 from vector<1xf32>
        %mul3A_766 = vector.broadcast %squeeze3A_765 : f32 to vector<16xf32>
        %mul3A_767 = arith.mulf %get3A_763, %mul3A_766 : vector<16xf32>
        %swap3A_768 = arith.index_cast %add3A_740 : i32 to index
        %swap3A_769 = arith.constant 32 : index
        %swap3A_770 = tpu.vector_load %arg15[%swap3A_768, %swap3A_769] {strides = array<i32>} : memref<512x64xf32, #tpu.memory_space<vmem>>, vector<16xf32>,
        tpu.vector_store %arg15[%swap3A_768, %swap3A_769], %mul3A_767 {strides = array<i32>} : memref<512x64xf32, #tpu.memory_space<vmem>>, vector<16xf32>,
        %get3A_771 = arith.index_cast %add3A_740 : i32 to index
        %get3A_772 = arith.constant 48 : index
        %get3A_773 = tpu.vector_load %arg15[%get3A_771, %get3A_772] {strides = array<i32>} : memref<512x64xf32, #tpu.memory_space<vmem>>, vector<16xf32>,
        %slice3A_774 = vector.extract_strided_slice %get3A_167 {offsets = [13], sizes = [1], strides = [1]} : vector<16xf32> to vector<1xf32>
        %squeeze3A_775 = vector.extract %slice3A_774[0] : f32 from vector<1xf32>
        %mul3A_776 = vector.broadcast %squeeze3A_775 : f32 to vector<16xf32>
        %mul3A_777 = arith.mulf %get3A_773, %mul3A_776 : vector<16xf32>
        %swap3A_778 = arith.index_cast %add3A_740 : i32 to index
        %swap3A_779 = arith.constant 48 : index
        %swap3A_780 = tpu.vector_load %arg15[%swap3A_778, %swap3A_779] {strides = array<i32>} : memref<512x64xf32, #tpu.memory_space<vmem>>, vector<16xf32>,
        tpu.vector_store %arg15[%swap3A_778, %swap3A_779], %mul3A_777 {strides = array<i32>} : memref<512x64xf32, #tpu.memory_space<vmem>>, vector<16xf32>,
        %mul3A_781 = arith.constant 16 : i32
        %mul3A_782 = arith.muli %scan3A_132, %mul3A_781 : i32
        %add3A_783 = arith.constant 14 : i32
        %add3A_784 = arith.addi %mul3A_782, %add3A_783 : i32
        %get3A_785 = arith.index_cast %add3A_784 : i32 to index
        %get3A_786 = arith.constant 0 : index
        %get3A_787 = tpu.vector_load %arg15[%get3A_785, %get3A_786] {strides = array<i32>} : memref<512x64xf32, #tpu.memory_space<vmem>>, vector<16xf32>,
        %slice3A_788 = vector.extract_strided_slice %get3A_167 {offsets = [14], sizes = [1], strides = [1]} : vector<16xf32> to vector<1xf32>
        %squeeze3A_789 = vector.extract %slice3A_788[0] : f32 from vector<1xf32>
        %mul3A_790 = vector.broadcast %squeeze3A_789 : f32 to vector<16xf32>
        %mul3A_791 = arith.mulf %get3A_787, %mul3A_790 : vector<16xf32>
        %swap3A_792 = arith.index_cast %add3A_784 : i32 to index
        %swap3A_793 = arith.constant 0 : index
        %swap3A_794 = tpu.vector_load %arg15[%swap3A_792, %swap3A_793] {strides = array<i32>} : memref<512x64xf32, #tpu.memory_space<vmem>>, vector<16xf32>,
        tpu.vector_store %arg15[%swap3A_792, %swap3A_793], %mul3A_791 {strides = array<i32>} : memref<512x64xf32, #tpu.memory_space<vmem>>, vector<16xf32>,
        %get3A_795 = arith.index_cast %add3A_784 : i32 to index
        %get3A_796 = arith.constant 16 : index
        %get3A_797 = tpu.vector_load %arg15[%get3A_795, %get3A_796] {strides = array<i32>} : memref<512x64xf32, #tpu.memory_space<vmem>>, vector<16xf32>,
        %slice3A_798 = vector.extract_strided_slice %get3A_167 {offsets = [14], sizes = [1], strides = [1]} : vector<16xf32> to vector<1xf32>
        %squeeze3A_799 = vector.extract %slice3A_798[0] : f32 from vector<1xf32>
        %mul3A_800 = vector.broadcast %squeeze3A_799 : f32 to vector<16xf32>
        %mul3A_801 = arith.mulf %get3A_797, %mul3A_800 : vector<16xf32>
        %swap3A_802 = arith.index_cast %add3A_784 : i32 to index
        %swap3A_803 = arith.constant 16 : index
        %swap3A_804 = tpu.vector_load %arg15[%swap3A_802, %swap3A_803] {strides = array<i32>} : memref<512x64xf32, #tpu.memory_space<vmem>>, vector<16xf32>,
        tpu.vector_store %arg15[%swap3A_802, %swap3A_803], %mul3A_801 {strides = array<i32>} : memref<512x64xf32, #tpu.memory_space<vmem>>, vector<16xf32>,
        %get3A_805 = arith.index_cast %add3A_784 : i32 to index
        %get3A_806 = arith.constant 32 : index
        %get3A_807 = tpu.vector_load %arg15[%get3A_805, %get3A_806] {strides = array<i32>} : memref<512x64xf32, #tpu.memory_space<vmem>>, vector<16xf32>,
        %slice3A_808 = vector.extract_strided_slice %get3A_167 {offsets = [14], sizes = [1], strides = [1]} : vector<16xf32> to vector<1xf32>
        %squeeze3A_809 = vector.extract %slice3A_808[0] : f32 from vector<1xf32>
        %mul3A_810 = vector.broadcast %squeeze3A_809 : f32 to vector<16xf32>
        %mul3A_811 = arith.mulf %get3A_807, %mul3A_810 : vector<16xf32>
        %swap3A_812 = arith.index_cast %add3A_784 : i32 to index
        %swap3A_813 = arith.constant 32 : index
        %swap3A_814 = tpu.vector_load %arg15[%swap3A_812, %swap3A_813] {strides = array<i32>} : memref<512x64xf32, #tpu.memory_space<vmem>>, vector<16xf32>,
        tpu.vector_store %arg15[%swap3A_812, %swap3A_813], %mul3A_811 {strides = array<i32>} : memref<512x64xf32, #tpu.memory_space<vmem>>, vector<16xf32>,
        %get3A_815 = arith.index_cast %add3A_784 : i32 to index
        %get3A_816 = arith.constant 48 : index
        %get3A_817 = tpu.vector_load %arg15[%get3A_815, %get3A_816] {strides = array<i32>} : memref<512x64xf32, #tpu.memory_space<vmem>>, vector<16xf32>,
        %slice3A_818 = vector.extract_strided_slice %get3A_167 {offsets = [14], sizes = [1], strides = [1]} : vector<16xf32> to vector<1xf32>
        %squeeze3A_819 = vector.extract %slice3A_818[0] : f32 from vector<1xf32>
        %mul3A_820 = vector.broadcast %squeeze3A_819 : f32 to vector<16xf32>
        %mul3A_821 = arith.mulf %get3A_817, %mul3A_820 : vector<16xf32>
        %swap3A_822 = arith.index_cast %add3A_784 : i32 to index
        %swap3A_823 = arith.constant 48 : index
        %swap3A_824 = tpu.vector_load %arg15[%swap3A_822, %swap3A_823] {strides = array<i32>} : memref<512x64xf32, #tpu.memory_space<vmem>>, vector<16xf32>,
        tpu.vector_store %arg15[%swap3A_822, %swap3A_823], %mul3A_821 {strides = array<i32>} : memref<512x64xf32, #tpu.memory_space<vmem>>, vector<16xf32>,
        %mul3A_825 = arith.constant 16 : i32
        %mul3A_826 = arith.muli %scan3A_132, %mul3A_825 : i32
        %add3A_827 = arith.constant 15 : i32
        %add3A_828 = arith.addi %mul3A_826, %add3A_827 : i32
        %get3A_829 = arith.index_cast %add3A_828 : i32 to index
        %get3A_830 = arith.constant 0 : index
        %get3A_831 = tpu.vector_load %arg15[%get3A_829, %get3A_830] {strides = array<i32>} : memref<512x64xf32, #tpu.memory_space<vmem>>, vector<16xf32>,
        %slice3A_832 = vector.extract_strided_slice %get3A_167 {offsets = [15], sizes = [1], strides = [1]} : vector<16xf32> to vector<1xf32>
        %squeeze3A_833 = vector.extract %slice3A_832[0] : f32 from vector<1xf32>
        %mul3A_834 = vector.broadcast %squeeze3A_833 : f32 to vector<16xf32>
        %mul3A_835 = arith.mulf %get3A_831, %mul3A_834 : vector<16xf32>
        %swap3A_836 = arith.index_cast %add3A_828 : i32 to index
        %swap3A_837 = arith.constant 0 : index
        %swap3A_838 = tpu.vector_load %arg15[%swap3A_836, %swap3A_837] {strides = array<i32>} : memref<512x64xf32, #tpu.memory_space<vmem>>, vector<16xf32>,
        tpu.vector_store %arg15[%swap3A_836, %swap3A_837], %mul3A_835 {strides = array<i32>} : memref<512x64xf32, #tpu.memory_space<vmem>>, vector<16xf32>,
        %get3A_839 = arith.index_cast %add3A_828 : i32 to index
        %get3A_840 = arith.constant 16 : index
        %get3A_841 = tpu.vector_load %arg15[%get3A_839, %get3A_840] {strides = array<i32>} : memref<512x64xf32, #tpu.memory_space<vmem>>, vector<16xf32>,
        %slice3A_842 = vector.extract_strided_slice %get3A_167 {offsets = [15], sizes = [1], strides = [1]} : vector<16xf32> to vector<1xf32>
        %squeeze3A_843 = vector.extract %slice3A_842[0] : f32 from vector<1xf32>
        %mul3A_844 = vector.broadcast %squeeze3A_843 : f32 to vector<16xf32>
        %mul3A_845 = arith.mulf %get3A_841, %mul3A_844 : vector<16xf32>
        %swap3A_846 = arith.index_cast %add3A_828 : i32 to index
        %swap3A_847 = arith.constant 16 : index
        %swap3A_848 = tpu.vector_load %arg15[%swap3A_846, %swap3A_847] {strides = array<i32>} : memref<512x64xf32, #tpu.memory_space<vmem>>, vector<16xf32>,
        tpu.vector_store %arg15[%swap3A_846, %swap3A_847], %mul3A_845 {strides = array<i32>} : memref<512x64xf32, #tpu.memory_space<vmem>>, vector<16xf32>,
        %get3A_849 = arith.index_cast %add3A_828 : i32 to index
        %get3A_850 = arith.constant 32 : index
        %get3A_851 = tpu.vector_load %arg15[%get3A_849, %get3A_850] {strides = array<i32>} : memref<512x64xf32, #tpu.memory_space<vmem>>, vector<16xf32>,
        %slice3A_852 = vector.extract_strided_slice %get3A_167 {offsets = [15], sizes = [1], strides = [1]} : vector<16xf32> to vector<1xf32>
        %squeeze3A_853 = vector.extract %slice3A_852[0] : f32 from vector<1xf32>
        %mul3A_854 = vector.broadcast %squeeze3A_853 : f32 to vector<16xf32>
        %mul3A_855 = arith.mulf %get3A_851, %mul3A_854 : vector<16xf32>
        %swap3A_856 = arith.index_cast %add3A_828 : i32 to index
        %swap3A_857 = arith.constant 32 : index
        %swap3A_858 = tpu.vector_load %arg15[%swap3A_856, %swap3A_857] {strides = array<i32>} : memref<512x64xf32, #tpu.memory_space<vmem>>, vector<16xf32>,
        tpu.vector_store %arg15[%swap3A_856, %swap3A_857], %mul3A_855 {strides = array<i32>} : memref<512x64xf32, #tpu.memory_space<vmem>>, vector<16xf32>,
        %get3A_859 = arith.index_cast %add3A_828 : i32 to index
        %get3A_860 = arith.constant 48 : index
        %get3A_861 = tpu.vector_load %arg15[%get3A_859, %get3A_860] {strides = array<i32>} : memref<512x64xf32, #tpu.memory_space<vmem>>, vector<16xf32>,
        %slice3A_862 = vector.extract_strided_slice %get3A_167 {offsets = [15], sizes = [1], strides = [1]} : vector<16xf32> to vector<1xf32>
        %squeeze3A_863 = vector.extract %slice3A_862[0] : f32 from vector<1xf32>
        %mul3A_864 = vector.broadcast %squeeze3A_863 : f32 to vector<16xf32>
        %mul3A_865 = arith.mulf %get3A_861, %mul3A_864 : vector<16xf32>
        %swap3A_866 = arith.index_cast %add3A_828 : i32 to index
        %swap3A_867 = arith.constant 48 : index
        %swap3A_868 = tpu.vector_load %arg15[%swap3A_866, %swap3A_867] {strides = array<i32>} : memref<512x64xf32, #tpu.memory_space<vmem>>, vector<16xf32>,
        tpu.vector_store %arg15[%swap3A_866, %swap3A_867], %mul3A_865 {strides = array<i32>} : memref<512x64xf32, #tpu.memory_space<vmem>>, vector<16xf32>,
      }
      %scan3A_128 = arith.constant 32 : i32
      %run_scoped3A = arith.constant 0 : i32
      "tpu.region"() ({
        %run_scoped3A_132 = tpu.sem_alloc : memref<!tpu.dma_semaphore, #tpu.memory_space<semaphore_mem>>
        %dma_start3A_133 = arith.constant 0 : i32
        %dma_start3A_134 = arith.constant 0 : i32
        %dma_start3A_135 = tpu.memref_slice %arg15[%dma_start3A_133, %dma_start3A_134] : memref<512x64xf32, #tpu.memory_space<vmem>> -> memref<128x64xf32, #tpu.memory_space<vmem>>
        %dma_start3A_136 = arith.constant 0 : i32
        %dma_start3A_137 = tpu.memref_slice %arg13[%run_scoped3A, %dma_start3A_136] : memref<4x128xi32, #tpu.memory_space<vmem>> -> memref<1x128xi32, #tpu.memory_space<vmem>>
        %dma_start3A_138 = tpu.memref_squeeze %dma_start3A_137 : memref<1x128xi32, #tpu.memory_space<vmem>> -> memref<128xi32, #tpu.memory_space<vmem>>
        %dma_start3A_139 = arith.constant 0 : i32
        %dma_start3A_140 = arith.constant 0 : i32
        %dma_start3A_141 = tpu.memref_slice %arg16[%dma_start3A_139, %dma_start3A_140] : memref<6400x64xf32, #tpu.memory_space<vmem_shared>> -> memref<6400x64xf32, #tpu.memory_space<vmem_shared>>
        tpu.enqueue_indirect_dma source(%dma_start3A_135 : memref<128x64xf32, #tpu.memory_space<vmem>>) target(%dma_start3A_141 : memref<6400x64xf32, #tpu.memory_space<vmem_shared>>) offsets(%dma_start3A_138 : memref<128xi32, #tpu.memory_space<vmem>>) semaphore(%run_scoped3A_132 : memref<!tpu.dma_semaphore, #tpu.memory_space<semaphore_mem>>) {add = true}
        %dma_wait3A_142 = arith.constant 0 : i32
        %dma_wait3A_143 = arith.constant 0 : i32
        %dma_wait3A_144 = tpu.memref_slice %arg15[%dma_wait3A_142, %dma_wait3A_143] : memref<512x64xf32, #tpu.memory_space<vmem>> -> memref<128x64xf32, #tpu.memory_space<vmem>>
        %dma_wait3A_145 = arith.constant 0 : i32
        %dma_wait3A_146 = tpu.memref_slice %arg13[%run_scoped3A, %dma_wait3A_145] : memref<4x128xi32, #tpu.memory_space<vmem>> -> memref<1x128xi32, #tpu.memory_space<vmem>>
        %dma_wait3A_147 = tpu.memref_squeeze %dma_wait3A_146 : memref<1x128xi32, #tpu.memory_space<vmem>> -> memref<128xi32, #tpu.memory_space<vmem>>
        %dma_wait3A_148 = arith.constant 0 : i32
        %dma_wait3A_149 = arith.constant 0 : i32
        %dma_wait3A_150 = tpu.memref_slice %arg16[%dma_wait3A_148, %dma_wait3A_149] : memref<6400x64xf32, #tpu.memory_space<vmem_shared>> -> memref<6400x64xf32, #tpu.memory_space<vmem_shared>>
        tpu.wait_indirect_dma semaphore(%run_scoped3A_132 : memref<!tpu.dma_semaphore, #tpu.memory_space<semaphore_mem>>) src(%dma_wait3A_144 : memref<128x64xf32, #tpu.memory_space<vmem>>) dst(%dma_wait3A_150 : memref<6400x64xf32, #tpu.memory_space<vmem_shared>>)
        tpu.yield
      }) : () -> ()
      %run_scoped3A_129 = arith.constant 1 : i32
      "tpu.region"() ({
        %run_scoped3A_132 = tpu.sem_alloc : memref<!tpu.dma_semaphore, #tpu.memory_space<semaphore_mem>>
        %dma_start3A_133 = arith.constant 128 : i32
        %dma_start3A_134 = arith.constant 0 : i32
        %dma_start3A_135 = tpu.memref_slice %arg15[%dma_start3A_133, %dma_start3A_134] : memref<512x64xf32, #tpu.memory_space<vmem>> -> memref<128x64xf32, #tpu.memory_space<vmem>>
        %dma_start3A_136 = arith.constant 0 : i32
        %dma_start3A_137 = tpu.memref_slice %arg13[%run_scoped3A_129, %dma_start3A_136] : memref<4x128xi32, #tpu.memory_space<vmem>> -> memref<1x128xi32, #tpu.memory_space<vmem>>
        %dma_start3A_138 = tpu.memref_squeeze %dma_start3A_137 : memref<1x128xi32, #tpu.memory_space<vmem>> -> memref<128xi32, #tpu.memory_space<vmem>>
        %dma_start3A_139 = arith.constant 0 : i32
        %dma_start3A_140 = arith.constant 0 : i32
        %dma_start3A_141 = tpu.memref_slice %arg16[%dma_start3A_139, %dma_start3A_140] : memref<6400x64xf32, #tpu.memory_space<vmem_shared>> -> memref<6400x64xf32, #tpu.memory_space<vmem_shared>>
        tpu.enqueue_indirect_dma source(%dma_start3A_135 : memref<128x64xf32, #tpu.memory_space<vmem>>) target(%dma_start3A_141 : memref<6400x64xf32, #tpu.memory_space<vmem_shared>>) offsets(%dma_start3A_138 : memref<128xi32, #tpu.memory_space<vmem>>) semaphore(%run_scoped3A_132 : memref<!tpu.dma_semaphore, #tpu.memory_space<semaphore_mem>>) {add = true}
        %dma_wait3A_142 = arith.constant 128 : i32
        %dma_wait3A_143 = arith.constant 0 : i32
        %dma_wait3A_144 = tpu.memref_slice %arg15[%dma_wait3A_142, %dma_wait3A_143] : memref<512x64xf32, #tpu.memory_space<vmem>> -> memref<128x64xf32, #tpu.memory_space<vmem>>
        %dma_wait3A_145 = arith.constant 0 : i32
        %dma_wait3A_146 = tpu.memref_slice %arg13[%run_scoped3A_129, %dma_wait3A_145] : memref<4x128xi32, #tpu.memory_space<vmem>> -> memref<1x128xi32, #tpu.memory_space<vmem>>
        %dma_wait3A_147 = tpu.memref_squeeze %dma_wait3A_146 : memref<1x128xi32, #tpu.memory_space<vmem>> -> memref<128xi32, #tpu.memory_space<vmem>>
        %dma_wait3A_148 = arith.constant 0 : i32
        %dma_wait3A_149 = arith.constant 0 : i32
        %dma_wait3A_150 = tpu.memref_slice %arg16[%dma_wait3A_148, %dma_wait3A_149] : memref<6400x64xf32, #tpu.memory_space<vmem_shared>> -> memref<6400x64xf32, #tpu.memory_space<vmem_shared>>
        tpu.wait_indirect_dma semaphore(%run_scoped3A_132 : memref<!tpu.dma_semaphore, #tpu.memory_space<semaphore_mem>>) src(%dma_wait3A_144 : memref<128x64xf32, #tpu.memory_space<vmem>>) dst(%dma_wait3A_150 : memref<6400x64xf32, #tpu.memory_space<vmem_shared>>)
        tpu.yield
      }) : () -> ()
      %run_scoped3A_130 = arith.constant 2 : i32
      "tpu.region"() ({
        %run_scoped3A_132 = tpu.sem_alloc : memref<!tpu.dma_semaphore, #tpu.memory_space<semaphore_mem>>
        %dma_start3A_133 = arith.constant 256 : i32
        %dma_start3A_134 = arith.constant 0 : i32
        %dma_start3A_135 = tpu.memref_slice %arg15[%dma_start3A_133, %dma_start3A_134] : memref<512x64xf32, #tpu.memory_space<vmem>> -> memref<128x64xf32, #tpu.memory_space<vmem>>
        %dma_start3A_136 = arith.constant 0 : i32
        %dma_start3A_137 = tpu.memref_slice %arg13[%run_scoped3A_130, %dma_start3A_136] : memref<4x128xi32, #tpu.memory_space<vmem>> -> memref<1x128xi32, #tpu.memory_space<vmem>>
        %dma_start3A_138 = tpu.memref_squeeze %dma_start3A_137 : memref<1x128xi32, #tpu.memory_space<vmem>> -> memref<128xi32, #tpu.memory_space<vmem>>
        %dma_start3A_139 = arith.constant 0 : i32
        %dma_start3A_140 = arith.constant 0 : i32
        %dma_start3A_141 = tpu.memref_slice %arg16[%dma_start3A_139, %dma_start3A_140] : memref<6400x64xf32, #tpu.memory_space<vmem_shared>> -> memref<6400x64xf32, #tpu.memory_space<vmem_shared>>
        tpu.enqueue_indirect_dma source(%dma_start3A_135 : memref<128x64xf32, #tpu.memory_space<vmem>>) target(%dma_start3A_141 : memref<6400x64xf32, #tpu.memory_space<vmem_shared>>) offsets(%dma_start3A_138 : memref<128xi32, #tpu.memory_space<vmem>>) semaphore(%run_scoped3A_132 : memref<!tpu.dma_semaphore, #tpu.memory_space<semaphore_mem>>) {add = true}
        %dma_wait3A_142 = arith.constant 256 : i32
        %dma_wait3A_143 = arith.constant 0 : i32
        %dma_wait3A_144 = tpu.memref_slice %arg15[%dma_wait3A_142, %dma_wait3A_143] : memref<512x64xf32, #tpu.memory_space<vmem>> -> memref<128x64xf32, #tpu.memory_space<vmem>>
        %dma_wait3A_145 = arith.constant 0 : i32
        %dma_wait3A_146 = tpu.memref_slice %arg13[%run_scoped3A_130, %dma_wait3A_145] : memref<4x128xi32, #tpu.memory_space<vmem>> -> memref<1x128xi32, #tpu.memory_space<vmem>>
        %dma_wait3A_147 = tpu.memref_squeeze %dma_wait3A_146 : memref<1x128xi32, #tpu.memory_space<vmem>> -> memref<128xi32, #tpu.memory_space<vmem>>
        %dma_wait3A_148 = arith.constant 0 : i32
        %dma_wait3A_149 = arith.constant 0 : i32
        %dma_wait3A_150 = tpu.memref_slice %arg16[%dma_wait3A_148, %dma_wait3A_149] : memref<6400x64xf32, #tpu.memory_space<vmem_shared>> -> memref<6400x64xf32, #tpu.memory_space<vmem_shared>>
        tpu.wait_indirect_dma semaphore(%run_scoped3A_132 : memref<!tpu.dma_semaphore, #tpu.memory_space<semaphore_mem>>) src(%dma_wait3A_144 : memref<128x64xf32, #tpu.memory_space<vmem>>) dst(%dma_wait3A_150 : memref<6400x64xf32, #tpu.memory_space<vmem_shared>>)
        tpu.yield
      }) : () -> ()
      %run_scoped3A_131 = arith.constant 3 : i32
      "tpu.region"() ({
        %run_scoped3A_132 = tpu.sem_alloc : memref<!tpu.dma_semaphore, #tpu.memory_space<semaphore_mem>>
        %dma_start3A_133 = arith.constant 384 : i32
        %dma_start3A_134 = arith.constant 0 : i32
        %dma_start3A_135 = tpu.memref_slice %arg15[%dma_start3A_133, %dma_start3A_134] : memref<512x64xf32, #tpu.memory_space<vmem>> -> memref<128x64xf32, #tpu.memory_space<vmem>>
        %dma_start3A_136 = arith.constant 0 : i32
        %dma_start3A_137 = tpu.memref_slice %arg13[%run_scoped3A_131, %dma_start3A_136] : memref<4x128xi32, #tpu.memory_space<vmem>> -> memref<1x128xi32, #tpu.memory_space<vmem>>
        %dma_start3A_138 = tpu.memref_squeeze %dma_start3A_137 : memref<1x128xi32, #tpu.memory_space<vmem>> -> memref<128xi32, #tpu.memory_space<vmem>>
        %dma_start3A_139 = arith.constant 0 : i32
        %dma_start3A_140 = arith.constant 0 : i32
        %dma_start3A_141 = tpu.memref_slice %arg16[%dma_start3A_139, %dma_start3A_140] : memref<6400x64xf32, #tpu.memory_space<vmem_shared>> -> memref<6400x64xf32, #tpu.memory_space<vmem_shared>>
        tpu.enqueue_indirect_dma source(%dma_start3A_135 : memref<128x64xf32, #tpu.memory_space<vmem>>) target(%dma_start3A_141 : memref<6400x64xf32, #tpu.memory_space<vmem_shared>>) offsets(%dma_start3A_138 : memref<128xi32, #tpu.memory_space<vmem>>) semaphore(%run_scoped3A_132 : memref<!tpu.dma_semaphore, #tpu.memory_space<semaphore_mem>>) {add = true}
        %dma_wait3A_142 = arith.constant 384 : i32
        %dma_wait3A_143 = arith.constant 0 : i32
        %dma_wait3A_144 = tpu.memref_slice %arg15[%dma_wait3A_142, %dma_wait3A_143] : memref<512x64xf32, #tpu.memory_space<vmem>> -> memref<128x64xf32, #tpu.memory_space<vmem>>
        %dma_wait3A_145 = arith.constant 0 : i32
        %dma_wait3A_146 = tpu.memref_slice %arg13[%run_scoped3A_131, %dma_wait3A_145] : memref<4x128xi32, #tpu.memory_space<vmem>> -> memref<1x128xi32, #tpu.memory_space<vmem>>
        %dma_wait3A_147 = tpu.memref_squeeze %dma_wait3A_146 : memref<1x128xi32, #tpu.memory_space<vmem>> -> memref<128xi32, #tpu.memory_space<vmem>>
        %dma_wait3A_148 = arith.constant 0 : i32
        %dma_wait3A_149 = arith.constant 0 : i32
        %dma_wait3A_150 = tpu.memref_slice %arg16[%dma_wait3A_148, %dma_wait3A_149] : memref<6400x64xf32, #tpu.memory_space<vmem_shared>> -> memref<6400x64xf32, #tpu.memory_space<vmem_shared>>
        tpu.wait_indirect_dma semaphore(%run_scoped3A_132 : memref<!tpu.dma_semaphore, #tpu.memory_space<semaphore_mem>>) src(%dma_wait3A_144 : memref<128x64xf32, #tpu.memory_space<vmem>>) dst(%dma_wait3A_150 : memref<6400x64xf32, #tpu.memory_space<vmem_shared>>)
        tpu.yield
      }) : () -> ()
    }
    %scan3A_27 = arith.constant 50 : i32
    %barrier3A_28 = arith.constant 0 : index
    tpu.barrier barrier_id(%barrier3A_28)
    %mul3A_29 = arith.constant 400 : i32
    %mul3A_30 = arith.muli %arg1, %mul3A_29 : i32
    "tpu.region"() ({
      %run_scoped3A = tpu.sem_alloc : memref<!tpu.dma_semaphore, #tpu.memory_space<semaphore_mem>>
      %dma_start3A = arith.constant 0 : i32
      %dma_start3A_35 = arith.constant 0 : i32
      %dma_start3A_36 = tpu.memref_slice %arg15[%dma_start3A, %dma_start3A_35] : memref<512x64xf32, #tpu.memory_space<vmem>> -> memref<400x64xf32, #tpu.memory_space<vmem>>
      %dma_start3A_37 = arith.constant 0 : i32
      %dma_start3A_38 = tpu.memref_slice %arg16[%mul3A_30, %dma_start3A_37] : memref<6400x64xf32, #tpu.memory_space<vmem_shared>> -> memref<400x64xf32, #tpu.memory_space<vmem_shared>>
      %dma_start3A_39 = arith.constant 0 : i32
      %dma_start3A_40 = arith.constant 0 : i32
      %dma_start3A_41 = tpu.memref_slice %arg15[%dma_start3A_39, %dma_start3A_40] : memref<512x64xf32, #tpu.memory_space<vmem>> -> memref<400x64xf32, #tpu.memory_space<vmem>>
      %dma_start3A_42 = arith.constant 0 : i32
      %dma_start3A_43 = tpu.memref_slice %arg16[%mul3A_30, %dma_start3A_42] : memref<6400x64xf32, #tpu.memory_space<vmem_shared>> -> memref<400x64xf32, #tpu.memory_space<vmem_shared>>
      tpu.enqueue_dma source(%dma_start3A_43 : memref<400x64xf32, #tpu.memory_space<vmem_shared>>) target(%dma_start3A_41 : memref<400x64xf32, #tpu.memory_space<vmem>>) target_semaphore(%run_scoped3A : memref<!tpu.dma_semaphore, #tpu.memory_space<semaphore_mem>>)
      %dma_wait3A = arith.constant 0 : i32
      %dma_wait3A_44 = arith.constant 0 : i32
      %dma_wait3A_45 = tpu.memref_slice %arg15[%dma_wait3A, %dma_wait3A_44] : memref<512x64xf32, #tpu.memory_space<vmem>> -> memref<400x64xf32, #tpu.memory_space<vmem>>
      %dma_wait3A_46 = arith.constant 0 : i32
      %dma_wait3A_47 = tpu.memref_slice %arg16[%mul3A_30, %dma_wait3A_46] : memref<6400x64xf32, #tpu.memory_space<vmem_shared>> -> memref<400x64xf32, #tpu.memory_space<vmem_shared>>
      %dma_wait3A_48 = arith.constant 0 : i32
      %dma_wait3A_49 = arith.constant 0 : i32
      %dma_wait3A_50 = tpu.memref_slice %arg15[%dma_wait3A_48, %dma_wait3A_49] : memref<512x64xf32, #tpu.memory_space<vmem>> -> memref<400x64xf32, #tpu.memory_space<vmem>>
      %dma_wait3A_51 = arith.constant 0 : i32
      %dma_wait3A_52 = tpu.memref_slice %arg16[%mul3A_30, %dma_wait3A_51] : memref<6400x64xf32, #tpu.memory_space<vmem_shared>> -> memref<400x64xf32, #tpu.memory_space<vmem_shared>>
      tpu.wait_dma2 semaphore(%run_scoped3A : memref<!tpu.dma_semaphore, #tpu.memory_space<semaphore_mem>>) src(%dma_wait3A_52 : memref<400x64xf32, #tpu.memory_space<vmem_shared>>) dst(%dma_wait3A_50 : memref<400x64xf32, #tpu.memory_space<vmem>>)
      tpu.yield
    }) : () -> ()
    %mul3A_31 = arith.constant 400 : i32
    %mul3A_32 = arith.muli %arg1, %mul3A_31 : i32
    "tpu.region"() ({
      %run_scoped3A = tpu.sem_alloc : memref<!tpu.dma_semaphore, #tpu.memory_space<semaphore_mem>>
      %dma_start3A = arith.constant 0 : i32
      %dma_start3A_35 = arith.constant 0 : i32
      %dma_start3A_36 = tpu.memref_slice %arg15[%dma_start3A, %dma_start3A_35] : memref<512x64xf32, #tpu.memory_space<vmem>> -> memref<400x64xf32, #tpu.memory_space<vmem>>
      %dma_start3A_37 = arith.constant 0 : i32
      %dma_start3A_38 = arith.constant 0 : i32
      %dma_start3A_39 = tpu.memref_slice %arg7[%arg0, %dma_start3A_37, %dma_start3A_38] : memref<2x6400x64xf32, #tpu.memory_space<hbm>> -> memref<1x6400x64xf32, #tpu.memory_space<hbm>>
      %dma_start3A_40 = tpu.memref_squeeze %dma_start3A_39 : memref<1x6400x64xf32, #tpu.memory_space<hbm>> -> memref<6400x64xf32, #tpu.memory_space<hbm>>
      %dma_start3A_41 = arith.constant 0 : i32
      %dma_start3A_42 = tpu.memref_slice %dma_start3A_40[%mul3A_32, %dma_start3A_41] : memref<6400x64xf32, #tpu.memory_space<hbm>> -> memref<400x64xf32, #tpu.memory_space<hbm>>
      %dma_start3A_43 = arith.constant 0 : i32
      %dma_start3A_44 = arith.constant 0 : i32
      %dma_start3A_45 = tpu.memref_slice %arg7[%arg0, %dma_start3A_43, %dma_start3A_44] : memref<2x6400x64xf32, #tpu.memory_space<hbm>> -> memref<1x6400x64xf32, #tpu.memory_space<hbm>>
      %dma_start3A_46 = tpu.memref_squeeze %dma_start3A_45 : memref<1x6400x64xf32, #tpu.memory_space<hbm>> -> memref<6400x64xf32, #tpu.memory_space<hbm>>
      %dma_start3A_47 = arith.constant 0 : i32
      %dma_start3A_48 = tpu.memref_slice %dma_start3A_46[%mul3A_32, %dma_start3A_47] : memref<6400x64xf32, #tpu.memory_space<hbm>> -> memref<400x64xf32, #tpu.memory_space<hbm>>
      %dma_start3A_49 = arith.constant 0 : i32
      %dma_start3A_50 = arith.constant 0 : i32
      %dma_start3A_51 = tpu.memref_slice %arg15[%dma_start3A_49, %dma_start3A_50] : memref<512x64xf32, #tpu.memory_space<vmem>> -> memref<400x64xf32, #tpu.memory_space<vmem>>
      tpu.enqueue_dma source(%dma_start3A_51 : memref<400x64xf32, #tpu.memory_space<vmem>>) target(%dma_start3A_48 : memref<400x64xf32, #tpu.memory_space<hbm>>) target_semaphore(%run_scoped3A : memref<!tpu.dma_semaphore, #tpu.memory_space<semaphore_mem>>)
      %dma_wait3A = arith.constant 0 : i32
      %dma_wait3A_52 = arith.constant 0 : i32
      %dma_wait3A_53 = tpu.memref_slice %arg15[%dma_wait3A, %dma_wait3A_52] : memref<512x64xf32, #tpu.memory_space<vmem>> -> memref<400x64xf32, #tpu.memory_space<vmem>>
      %dma_wait3A_54 = arith.constant 0 : i32
      %dma_wait3A_55 = arith.constant 0 : i32
      %dma_wait3A_56 = tpu.memref_slice %arg7[%arg0, %dma_wait3A_54, %dma_wait3A_55] : memref<2x6400x64xf32, #tpu.memory_space<hbm>> -> memref<1x6400x64xf32, #tpu.memory_space<hbm>>
      %dma_wait3A_57 = tpu.memref_squeeze %dma_wait3A_56 : memref<1x6400x64xf32, #tpu.memory_space<hbm>> -> memref<6400x64xf32, #tpu.memory_space<hbm>>
      %dma_wait3A_58 = arith.constant 0 : i32
      %dma_wait3A_59 = tpu.memref_slice %dma_wait3A_57[%mul3A_32, %dma_wait3A_58] : memref<6400x64xf32, #tpu.memory_space<hbm>> -> memref<400x64xf32, #tpu.memory_space<hbm>>
      %dma_wait3A_60 = arith.constant 0 : i32
      %dma_wait3A_61 = arith.constant 0 : i32
      %dma_wait3A_62 = tpu.memref_slice %arg7[%arg0, %dma_wait3A_60, %dma_wait3A_61] : memref<2x6400x64xf32, #tpu.memory_space<hbm>> -> memref<1x6400x64xf32, #tpu.memory_space<hbm>>
      %dma_wait3A_63 = tpu.memref_squeeze %dma_wait3A_62 : memref<1x6400x64xf32, #tpu.memory_space<hbm>> -> memref<6400x64xf32, #tpu.memory_space<hbm>>
      %dma_wait3A_64 = arith.constant 0 : i32
      %dma_wait3A_65 = tpu.memref_slice %dma_wait3A_63[%mul3A_32, %dma_wait3A_64] : memref<6400x64xf32, #tpu.memory_space<hbm>> -> memref<400x64xf32, #tpu.memory_space<hbm>>
      %dma_wait3A_66 = arith.constant 0 : i32
      %dma_wait3A_67 = arith.constant 0 : i32
      %dma_wait3A_68 = tpu.memref_slice %arg15[%dma_wait3A_66, %dma_wait3A_67] : memref<512x64xf32, #tpu.memory_space<vmem>> -> memref<400x64xf32, #tpu.memory_space<vmem>>
      tpu.wait_dma2 semaphore(%run_scoped3A : memref<!tpu.dma_semaphore, #tpu.memory_space<semaphore_mem>>) src(%dma_wait3A_68 : memref<400x64xf32, #tpu.memory_space<vmem>>) dst(%dma_wait3A_65 : memref<400x64xf32, #tpu.memory_space<hbm>>)
      tpu.yield
    }) : () -> ()
    %eq3A = arith.constant 0 : i32
    %eq3A_33 = arith.cmpi eq, %add3A, %eq3A : i32
    %convert_element_type3A = arith.extui %eq3A_33 : i1 to i32
    %cond3A = arith.constant 0 : i32
    %cond3A_34 = arith.cmpi ne, %convert_element_type3A, %cond3A : i32
    scf.if %cond3A_34 {
      %scan3A_35 = arith.constant 0 : i32
      %scan3A_36 = arith.constant 0 : i32
      %scan3A_37 = arith.constant 384 : i32
      %scan3A_38 = arith.addi %scan3A_36, %scan3A_37 : i32
      %scan3A_39 = arith.constant 1 : i32
      scf.for %scan3A_41 = %scan3A_36 to %scan3A_38 step %scan3A_39  : i32 {
        %mul3A_42 = arith.constant 16 : i32
        %mul3A_43 = arith.muli %scan3A_41, %mul3A_42 : i32
        %get3A = arith.index_cast %mul3A_43 : i32 to index
        %get3A_44 = tpu.vector_load %arg10[%get3A] {strides = array<i32>} : memref<6144xi32, #tpu.memory_space<vmem>>, vector<16xi32>,
        %gather3A = tpu.vector_load_idx %arg9[%get3A_44] : memref<50048xi32, #tpu.memory_space<vmem>>[vector<16xi32>], vector<16xi32>,
        %mul3A_45 = arith.constant 16 : i32
        %mul3A_46 = arith.muli %scan3A_41, %mul3A_45 : i32
        %swap3A = arith.index_cast %mul3A_46 : i32 to index
        %swap3A_47 = tpu.vector_load %arg10[%swap3A] {strides = array<i32>} : memref<6144xi32, #tpu.memory_space<vmem>>, vector<16xi32>,
        tpu.vector_store %arg10[%swap3A], %gather3A {strides = array<i32>} : memref<6144xi32, #tpu.memory_space<vmem>>, vector<16xi32>,
      }
      %scan3A_40 = arith.constant 384 : i32
      "tpu.region"() ({
        %run_scoped3A = tpu.sem_alloc : memref<!tpu.dma_semaphore, #tpu.memory_space<semaphore_mem>>
        tpu.enqueue_dma source(%arg10 : memref<6144xi32, #tpu.memory_space<vmem>>) target(%arg8 : memref<6144xi32, #tpu.memory_space<hbm>>) target_semaphore(%run_scoped3A : memref<!tpu.dma_semaphore, #tpu.memory_space<semaphore_mem>>)
        tpu.wait_dma2 semaphore(%run_scoped3A : memref<!tpu.dma_semaphore, #tpu.memory_space<semaphore_mem>>) src(%arg10 : memref<6144xi32, #tpu.memory_space<vmem>>) dst(%arg8 : memref<6144xi32, #tpu.memory_space<hbm>>)
        tpu.yield
      }) : () -> ()
    } else {
    }
    return
  }
}

#map = affine_map<(d0, d1) -> (0, 0)>
#map1 = affine_map<(d0, d1) -> (0, 0, 0)>
module attributes {stable_mosaic.version = 14 : i64} {
  func.func @_assemble_kernel(%arg0: i32, %arg1: i32, %arg2: memref<50000x64xf32, #tpu.memory_space<hbm>>, %arg3: memref<64x96xi32, #tpu.memory_space<hbm>>, %arg4: memref<64x96xi32, #tpu.memory_space<hbm>>, %arg5: memref<2x6400x64xf32, #tpu.memory_space<hbm>>, %arg6: memref<6144x64xf32, #tpu.memory_space<hbm>>, %arg7: memref<2x96xi32, #tpu.memory_space<vmem>>, %arg8: memref<2x96xi32, #tpu.memory_space<vmem>>, %arg9: memref<192x64xf32, #tpu.memory_space<vmem>>, %arg10: memref<192x64xf32, #tpu.memory_space<vmem>>, %arg11: memref<192x64xf32, #tpu.memory_space<vmem>>, %arg12: memref<!tpu.dma_semaphore, #tpu.memory_space<semaphore_mem>>) attributes {dimension_semantics = [#tpu.dimension_semantics<core_parallel>, #tpu.dimension_semantics<subcore_parallel>], iteration_bounds = array<i64: 2, 16>, scalar_prefetch = 0 : i64, scratch_operands = 6 : i64, tpu.core_type = #tpu.core_type<sc_vector_subcore>, window_params = [{transform_indices = #map}, {transform_indices = #map}, {transform_indices = #map}, {transform_indices = #map1}, {transform_indices = #map}]} {
    %mul3A = arith.constant 2 : i32
    %mul3A_0 = arith.muli %arg1, %mul3A : i32
    %add3A = arith.addi %mul3A_0, %arg0 : i32
    %mul3A_1 = arith.constant 2 : i32
    %mul3A_2 = arith.muli %add3A, %mul3A_1 : i32
    "tpu.region"() ({
      %run_scoped3A = tpu.sem_alloc : memref<!tpu.dma_semaphore, #tpu.memory_space<semaphore_mem>>
      %dma_start3A_168 = arith.constant 0 : i32
      %dma_start3A_169 = tpu.memref_slice %arg3[%mul3A_2, %dma_start3A_168] : memref<64x96xi32, #tpu.memory_space<hbm>> -> memref<2x96xi32, #tpu.memory_space<hbm>>
      %dma_start3A_170 = arith.constant 0 : i32
      %dma_start3A_171 = tpu.memref_slice %arg3[%mul3A_2, %dma_start3A_170] : memref<64x96xi32, #tpu.memory_space<hbm>> -> memref<2x96xi32, #tpu.memory_space<hbm>>
      tpu.enqueue_dma source(%dma_start3A_171 : memref<2x96xi32, #tpu.memory_space<hbm>>) target(%arg7 : memref<2x96xi32, #tpu.memory_space<vmem>>) target_semaphore(%run_scoped3A : memref<!tpu.dma_semaphore, #tpu.memory_space<semaphore_mem>>)
      %dma_wait3A_172 = arith.constant 0 : i32
      %dma_wait3A_173 = tpu.memref_slice %arg3[%mul3A_2, %dma_wait3A_172] : memref<64x96xi32, #tpu.memory_space<hbm>> -> memref<2x96xi32, #tpu.memory_space<hbm>>
      %dma_wait3A_174 = arith.constant 0 : i32
      %dma_wait3A_175 = tpu.memref_slice %arg3[%mul3A_2, %dma_wait3A_174] : memref<64x96xi32, #tpu.memory_space<hbm>> -> memref<2x96xi32, #tpu.memory_space<hbm>>
      tpu.wait_dma2 semaphore(%run_scoped3A : memref<!tpu.dma_semaphore, #tpu.memory_space<semaphore_mem>>) src(%dma_wait3A_175 : memref<2x96xi32, #tpu.memory_space<hbm>>) dst(%arg7 : memref<2x96xi32, #tpu.memory_space<vmem>>)
      tpu.yield
    }) : () -> ()
    "tpu.region"() ({
      %run_scoped3A = tpu.sem_alloc : memref<!tpu.dma_semaphore, #tpu.memory_space<semaphore_mem>>
      %dma_start3A_168 = arith.constant 0 : i32
      %dma_start3A_169 = tpu.memref_slice %arg4[%mul3A_2, %dma_start3A_168] : memref<64x96xi32, #tpu.memory_space<hbm>> -> memref<2x96xi32, #tpu.memory_space<hbm>>
      %dma_start3A_170 = arith.constant 0 : i32
      %dma_start3A_171 = tpu.memref_slice %arg4[%mul3A_2, %dma_start3A_170] : memref<64x96xi32, #tpu.memory_space<hbm>> -> memref<2x96xi32, #tpu.memory_space<hbm>>
      tpu.enqueue_dma source(%dma_start3A_171 : memref<2x96xi32, #tpu.memory_space<hbm>>) target(%arg8 : memref<2x96xi32, #tpu.memory_space<vmem>>) target_semaphore(%run_scoped3A : memref<!tpu.dma_semaphore, #tpu.memory_space<semaphore_mem>>)
      %dma_wait3A_172 = arith.constant 0 : i32
      %dma_wait3A_173 = tpu.memref_slice %arg4[%mul3A_2, %dma_wait3A_172] : memref<64x96xi32, #tpu.memory_space<hbm>> -> memref<2x96xi32, #tpu.memory_space<hbm>>
      %dma_wait3A_174 = arith.constant 0 : i32
      %dma_wait3A_175 = tpu.memref_slice %arg4[%mul3A_2, %dma_wait3A_174] : memref<64x96xi32, #tpu.memory_space<hbm>> -> memref<2x96xi32, #tpu.memory_space<hbm>>
      tpu.wait_dma2 semaphore(%run_scoped3A : memref<!tpu.dma_semaphore, #tpu.memory_space<semaphore_mem>>) src(%dma_wait3A_175 : memref<2x96xi32, #tpu.memory_space<hbm>>) dst(%arg8 : memref<2x96xi32, #tpu.memory_space<vmem>>)
      tpu.yield
    }) : () -> ()
    %dma_start3A = arith.constant 0 : i32
    %dma_start3A_3 = arith.constant 0 : i32
    %dma_start3A_4 = arith.constant 0 : i32
    %dma_start3A_5 = tpu.memref_slice %arg9[%dma_start3A_3, %dma_start3A_4] : memref<192x64xf32, #tpu.memory_space<vmem>> -> memref<96x64xf32, #tpu.memory_space<vmem>>
    %dma_start3A_6 = arith.constant 0 : i32
    %dma_start3A_7 = tpu.memref_slice %arg7[%dma_start3A, %dma_start3A_6] : memref<2x96xi32, #tpu.memory_space<vmem>> -> memref<1x96xi32, #tpu.memory_space<vmem>>
    %dma_start3A_8 = tpu.memref_squeeze %dma_start3A_7 : memref<1x96xi32, #tpu.memory_space<vmem>> -> memref<96xi32, #tpu.memory_space<vmem>>
    %dma_start3A_9 = arith.constant 0 : i32
    %dma_start3A_10 = arith.constant 0 : i32
    %dma_start3A_11 = tpu.memref_slice %arg2[%dma_start3A_9, %dma_start3A_10] : memref<50000x64xf32, #tpu.memory_space<hbm>> -> memref<50000x64xf32, #tpu.memory_space<hbm>>
    tpu.enqueue_indirect_dma source(%dma_start3A_11 : memref<50000x64xf32, #tpu.memory_space<hbm>>) target(%dma_start3A_5 : memref<96x64xf32, #tpu.memory_space<vmem>>) offsets(%dma_start3A_8 : memref<96xi32, #tpu.memory_space<vmem>>) semaphore(%arg12 : memref<!tpu.dma_semaphore, #tpu.memory_space<semaphore_mem>>)
    %dma_start3A_12 = arith.constant 0 : i32
    %dma_start3A_13 = arith.constant 0 : i32
    %dma_start3A_14 = arith.constant 0 : i32
    %dma_start3A_15 = arith.constant 0 : i32
    %dma_start3A_16 = tpu.memref_slice %arg10[%dma_start3A_14, %dma_start3A_15] : memref<192x64xf32, #tpu.memory_space<vmem>> -> memref<96x64xf32, #tpu.memory_space<vmem>>
    %dma_start3A_17 = arith.constant 0 : i32
    %dma_start3A_18 = tpu.memref_slice %arg8[%dma_start3A_13, %dma_start3A_17] : memref<2x96xi32, #tpu.memory_space<vmem>> -> memref<1x96xi32, #tpu.memory_space<vmem>>
    %dma_start3A_19 = tpu.memref_squeeze %dma_start3A_18 : memref<1x96xi32, #tpu.memory_space<vmem>> -> memref<96xi32, #tpu.memory_space<vmem>>
    %dma_start3A_20 = arith.constant 0 : i32
    %dma_start3A_21 = arith.constant 0 : i32
    %dma_start3A_22 = tpu.memref_slice %arg5[%dma_start3A_12, %dma_start3A_20, %dma_start3A_21] : memref<2x6400x64xf32, #tpu.memory_space<hbm>> -> memref<1x6400x64xf32, #tpu.memory_space<hbm>>
    %dma_start3A_23 = tpu.memref_squeeze %dma_start3A_22 : memref<1x6400x64xf32, #tpu.memory_space<hbm>> -> memref<6400x64xf32, #tpu.memory_space<hbm>>
    %dma_start3A_24 = arith.constant 0 : i32
    %dma_start3A_25 = arith.constant 0 : i32
    %dma_start3A_26 = tpu.memref_slice %dma_start3A_23[%dma_start3A_24, %dma_start3A_25] : memref<6400x64xf32, #tpu.memory_space<hbm>> -> memref<6400x64xf32, #tpu.memory_space<hbm>>
    tpu.enqueue_indirect_dma source(%dma_start3A_26 : memref<6400x64xf32, #tpu.memory_space<hbm>>) target(%dma_start3A_16 : memref<96x64xf32, #tpu.memory_space<vmem>>) offsets(%dma_start3A_19 : memref<96xi32, #tpu.memory_space<vmem>>) semaphore(%arg12 : memref<!tpu.dma_semaphore, #tpu.memory_space<semaphore_mem>>)
    %dma_start3A_27 = arith.constant 1 : i32
    %dma_start3A_28 = arith.constant 0 : i32
    %dma_start3A_29 = arith.constant 0 : i32
    %dma_start3A_30 = arith.constant 0 : i32
    %dma_start3A_31 = tpu.memref_slice %arg11[%dma_start3A_29, %dma_start3A_30] : memref<192x64xf32, #tpu.memory_space<vmem>> -> memref<96x64xf32, #tpu.memory_space<vmem>>
    %dma_start3A_32 = arith.constant 0 : i32
    %dma_start3A_33 = tpu.memref_slice %arg8[%dma_start3A_28, %dma_start3A_32] : memref<2x96xi32, #tpu.memory_space<vmem>> -> memref<1x96xi32, #tpu.memory_space<vmem>>
    %dma_start3A_34 = tpu.memref_squeeze %dma_start3A_33 : memref<1x96xi32, #tpu.memory_space<vmem>> -> memref<96xi32, #tpu.memory_space<vmem>>
    %dma_start3A_35 = arith.constant 0 : i32
    %dma_start3A_36 = arith.constant 0 : i32
    %dma_start3A_37 = tpu.memref_slice %arg5[%dma_start3A_27, %dma_start3A_35, %dma_start3A_36] : memref<2x6400x64xf32, #tpu.memory_space<hbm>> -> memref<1x6400x64xf32, #tpu.memory_space<hbm>>
    %dma_start3A_38 = tpu.memref_squeeze %dma_start3A_37 : memref<1x6400x64xf32, #tpu.memory_space<hbm>> -> memref<6400x64xf32, #tpu.memory_space<hbm>>
    %dma_start3A_39 = arith.constant 0 : i32
    %dma_start3A_40 = arith.constant 0 : i32
    %dma_start3A_41 = tpu.memref_slice %dma_start3A_38[%dma_start3A_39, %dma_start3A_40] : memref<6400x64xf32, #tpu.memory_space<hbm>> -> memref<6400x64xf32, #tpu.memory_space<hbm>>
    tpu.enqueue_indirect_dma source(%dma_start3A_41 : memref<6400x64xf32, #tpu.memory_space<hbm>>) target(%dma_start3A_31 : memref<96x64xf32, #tpu.memory_space<vmem>>) offsets(%dma_start3A_34 : memref<96xi32, #tpu.memory_space<vmem>>) semaphore(%arg12 : memref<!tpu.dma_semaphore, #tpu.memory_space<semaphore_mem>>)
    %dma_start3A_42 = arith.constant 1 : i32
    %dma_start3A_43 = arith.constant 96 : i32
    %dma_start3A_44 = arith.constant 0 : i32
    %dma_start3A_45 = tpu.memref_slice %arg9[%dma_start3A_43, %dma_start3A_44] : memref<192x64xf32, #tpu.memory_space<vmem>> -> memref<96x64xf32, #tpu.memory_space<vmem>>
    %dma_start3A_46 = arith.constant 0 : i32
    %dma_start3A_47 = tpu.memref_slice %arg7[%dma_start3A_42, %dma_start3A_46] : memref<2x96xi32, #tpu.memory_space<vmem>> -> memref<1x96xi32, #tpu.memory_space<vmem>>
    %dma_start3A_48 = tpu.memref_squeeze %dma_start3A_47 : memref<1x96xi32, #tpu.memory_space<vmem>> -> memref<96xi32, #tpu.memory_space<vmem>>
    %dma_start3A_49 = arith.constant 0 : i32
    %dma_start3A_50 = arith.constant 0 : i32
    %dma_start3A_51 = tpu.memref_slice %arg2[%dma_start3A_49, %dma_start3A_50] : memref<50000x64xf32, #tpu.memory_space<hbm>> -> memref<50000x64xf32, #tpu.memory_space<hbm>>
    tpu.enqueue_indirect_dma source(%dma_start3A_51 : memref<50000x64xf32, #tpu.memory_space<hbm>>) target(%dma_start3A_45 : memref<96x64xf32, #tpu.memory_space<vmem>>) offsets(%dma_start3A_48 : memref<96xi32, #tpu.memory_space<vmem>>) semaphore(%arg12 : memref<!tpu.dma_semaphore, #tpu.memory_space<semaphore_mem>>)
    %dma_start3A_52 = arith.constant 0 : i32
    %dma_start3A_53 = arith.constant 1 : i32
    %dma_start3A_54 = arith.constant 96 : i32
    %dma_start3A_55 = arith.constant 0 : i32
    %dma_start3A_56 = tpu.memref_slice %arg10[%dma_start3A_54, %dma_start3A_55] : memref<192x64xf32, #tpu.memory_space<vmem>> -> memref<96x64xf32, #tpu.memory_space<vmem>>
    %dma_start3A_57 = arith.constant 0 : i32
    %dma_start3A_58 = tpu.memref_slice %arg8[%dma_start3A_53, %dma_start3A_57] : memref<2x96xi32, #tpu.memory_space<vmem>> -> memref<1x96xi32, #tpu.memory_space<vmem>>
    %dma_start3A_59 = tpu.memref_squeeze %dma_start3A_58 : memref<1x96xi32, #tpu.memory_space<vmem>> -> memref<96xi32, #tpu.memory_space<vmem>>
    %dma_start3A_60 = arith.constant 0 : i32
    %dma_start3A_61 = arith.constant 0 : i32
    %dma_start3A_62 = tpu.memref_slice %arg5[%dma_start3A_52, %dma_start3A_60, %dma_start3A_61] : memref<2x6400x64xf32, #tpu.memory_space<hbm>> -> memref<1x6400x64xf32, #tpu.memory_space<hbm>>
    %dma_start3A_63 = tpu.memref_squeeze %dma_start3A_62 : memref<1x6400x64xf32, #tpu.memory_space<hbm>> -> memref<6400x64xf32, #tpu.memory_space<hbm>>
    %dma_start3A_64 = arith.constant 0 : i32
    %dma_start3A_65 = arith.constant 0 : i32
    %dma_start3A_66 = tpu.memref_slice %dma_start3A_63[%dma_start3A_64, %dma_start3A_65] : memref<6400x64xf32, #tpu.memory_space<hbm>> -> memref<6400x64xf32, #tpu.memory_space<hbm>>
    tpu.enqueue_indirect_dma source(%dma_start3A_66 : memref<6400x64xf32, #tpu.memory_space<hbm>>) target(%dma_start3A_56 : memref<96x64xf32, #tpu.memory_space<vmem>>) offsets(%dma_start3A_59 : memref<96xi32, #tpu.memory_space<vmem>>) semaphore(%arg12 : memref<!tpu.dma_semaphore, #tpu.memory_space<semaphore_mem>>)
    %dma_start3A_67 = arith.constant 1 : i32
    %dma_start3A_68 = arith.constant 1 : i32
    %dma_start3A_69 = arith.constant 96 : i32
    %dma_start3A_70 = arith.constant 0 : i32
    %dma_start3A_71 = tpu.memref_slice %arg11[%dma_start3A_69, %dma_start3A_70] : memref<192x64xf32, #tpu.memory_space<vmem>> -> memref<96x64xf32, #tpu.memory_space<vmem>>
    %dma_start3A_72 = arith.constant 0 : i32
    %dma_start3A_73 = tpu.memref_slice %arg8[%dma_start3A_68, %dma_start3A_72] : memref<2x96xi32, #tpu.memory_space<vmem>> -> memref<1x96xi32, #tpu.memory_space<vmem>>
    %dma_start3A_74 = tpu.memref_squeeze %dma_start3A_73 : memref<1x96xi32, #tpu.memory_space<vmem>> -> memref<96xi32, #tpu.memory_space<vmem>>
    %dma_start3A_75 = arith.constant 0 : i32
    %dma_start3A_76 = arith.constant 0 : i32
    %dma_start3A_77 = tpu.memref_slice %arg5[%dma_start3A_67, %dma_start3A_75, %dma_start3A_76] : memref<2x6400x64xf32, #tpu.memory_space<hbm>> -> memref<1x6400x64xf32, #tpu.memory_space<hbm>>
    %dma_start3A_78 = tpu.memref_squeeze %dma_start3A_77 : memref<1x6400x64xf32, #tpu.memory_space<hbm>> -> memref<6400x64xf32, #tpu.memory_space<hbm>>
    %dma_start3A_79 = arith.constant 0 : i32
    %dma_start3A_80 = arith.constant 0 : i32
    %dma_start3A_81 = tpu.memref_slice %dma_start3A_78[%dma_start3A_79, %dma_start3A_80] : memref<6400x64xf32, #tpu.memory_space<hbm>> -> memref<6400x64xf32, #tpu.memory_space<hbm>>
    tpu.enqueue_indirect_dma source(%dma_start3A_81 : memref<6400x64xf32, #tpu.memory_space<hbm>>) target(%dma_start3A_71 : memref<96x64xf32, #tpu.memory_space<vmem>>) offsets(%dma_start3A_74 : memref<96xi32, #tpu.memory_space<vmem>>) semaphore(%arg12 : memref<!tpu.dma_semaphore, #tpu.memory_space<semaphore_mem>>)
    %dma_wait3A = arith.constant 0 : i32
    %dma_wait3A_82 = arith.constant 0 : i32
    %dma_wait3A_83 = arith.constant 0 : i32
    %dma_wait3A_84 = tpu.memref_slice %arg9[%dma_wait3A_82, %dma_wait3A_83] : memref<192x64xf32, #tpu.memory_space<vmem>> -> memref<96x64xf32, #tpu.memory_space<vmem>>
    %dma_wait3A_85 = arith.constant 0 : i32
    %dma_wait3A_86 = tpu.memref_slice %arg7[%dma_wait3A, %dma_wait3A_85] : memref<2x96xi32, #tpu.memory_space<vmem>> -> memref<1x96xi32, #tpu.memory_space<vmem>>
    %dma_wait3A_87 = tpu.memref_squeeze %dma_wait3A_86 : memref<1x96xi32, #tpu.memory_space<vmem>> -> memref<96xi32, #tpu.memory_space<vmem>>
    %dma_wait3A_88 = arith.constant 0 : i32
    %dma_wait3A_89 = arith.constant 0 : i32
    %dma_wait3A_90 = tpu.memref_slice %arg2[%dma_wait3A_88, %dma_wait3A_89] : memref<50000x64xf32, #tpu.memory_space<hbm>> -> memref<50000x64xf32, #tpu.memory_space<hbm>>
    tpu.wait_indirect_dma semaphore(%arg12 : memref<!tpu.dma_semaphore, #tpu.memory_space<semaphore_mem>>) src(%dma_wait3A_90 : memref<50000x64xf32, #tpu.memory_space<hbm>>) dst(%dma_wait3A_84 : memref<96x64xf32, #tpu.memory_space<vmem>>)
    %dma_wait3A_91 = arith.constant 0 : i32
    %dma_wait3A_92 = arith.constant 0 : i32
    %dma_wait3A_93 = arith.constant 0 : i32
    %dma_wait3A_94 = arith.constant 0 : i32
    %dma_wait3A_95 = tpu.memref_slice %arg10[%dma_wait3A_93, %dma_wait3A_94] : memref<192x64xf32, #tpu.memory_space<vmem>> -> memref<96x64xf32, #tpu.memory_space<vmem>>
    %dma_wait3A_96 = arith.constant 0 : i32
    %dma_wait3A_97 = tpu.memref_slice %arg8[%dma_wait3A_92, %dma_wait3A_96] : memref<2x96xi32, #tpu.memory_space<vmem>> -> memref<1x96xi32, #tpu.memory_space<vmem>>
    %dma_wait3A_98 = tpu.memref_squeeze %dma_wait3A_97 : memref<1x96xi32, #tpu.memory_space<vmem>> -> memref<96xi32, #tpu.memory_space<vmem>>
    %dma_wait3A_99 = arith.constant 0 : i32
    %dma_wait3A_100 = arith.constant 0 : i32
    %dma_wait3A_101 = tpu.memref_slice %arg5[%dma_wait3A_91, %dma_wait3A_99, %dma_wait3A_100] : memref<2x6400x64xf32, #tpu.memory_space<hbm>> -> memref<1x6400x64xf32, #tpu.memory_space<hbm>>
    %dma_wait3A_102 = tpu.memref_squeeze %dma_wait3A_101 : memref<1x6400x64xf32, #tpu.memory_space<hbm>> -> memref<6400x64xf32, #tpu.memory_space<hbm>>
    %dma_wait3A_103 = arith.constant 0 : i32
    %dma_wait3A_104 = arith.constant 0 : i32
    %dma_wait3A_105 = tpu.memref_slice %dma_wait3A_102[%dma_wait3A_103, %dma_wait3A_104] : memref<6400x64xf32, #tpu.memory_space<hbm>> -> memref<6400x64xf32, #tpu.memory_space<hbm>>
    tpu.wait_indirect_dma semaphore(%arg12 : memref<!tpu.dma_semaphore, #tpu.memory_space<semaphore_mem>>) src(%dma_wait3A_105 : memref<6400x64xf32, #tpu.memory_space<hbm>>) dst(%dma_wait3A_95 : memref<96x64xf32, #tpu.memory_space<vmem>>)
    %dma_wait3A_106 = arith.constant 1 : i32
    %dma_wait3A_107 = arith.constant 0 : i32
    %dma_wait3A_108 = arith.constant 0 : i32
    %dma_wait3A_109 = arith.constant 0 : i32
    %dma_wait3A_110 = tpu.memref_slice %arg11[%dma_wait3A_108, %dma_wait3A_109] : memref<192x64xf32, #tpu.memory_space<vmem>> -> memref<96x64xf32, #tpu.memory_space<vmem>>
    %dma_wait3A_111 = arith.constant 0 : i32
    %dma_wait3A_112 = tpu.memref_slice %arg8[%dma_wait3A_107, %dma_wait3A_111] : memref<2x96xi32, #tpu.memory_space<vmem>> -> memref<1x96xi32, #tpu.memory_space<vmem>>
    %dma_wait3A_113 = tpu.memref_squeeze %dma_wait3A_112 : memref<1x96xi32, #tpu.memory_space<vmem>> -> memref<96xi32, #tpu.memory_space<vmem>>
    %dma_wait3A_114 = arith.constant 0 : i32
    %dma_wait3A_115 = arith.constant 0 : i32
    %dma_wait3A_116 = tpu.memref_slice %arg5[%dma_wait3A_106, %dma_wait3A_114, %dma_wait3A_115] : memref<2x6400x64xf32, #tpu.memory_space<hbm>> -> memref<1x6400x64xf32, #tpu.memory_space<hbm>>
    %dma_wait3A_117 = tpu.memref_squeeze %dma_wait3A_116 : memref<1x6400x64xf32, #tpu.memory_space<hbm>> -> memref<6400x64xf32, #tpu.memory_space<hbm>>
    %dma_wait3A_118 = arith.constant 0 : i32
    %dma_wait3A_119 = arith.constant 0 : i32
    %dma_wait3A_120 = tpu.memref_slice %dma_wait3A_117[%dma_wait3A_118, %dma_wait3A_119] : memref<6400x64xf32, #tpu.memory_space<hbm>> -> memref<6400x64xf32, #tpu.memory_space<hbm>>
    tpu.wait_indirect_dma semaphore(%arg12 : memref<!tpu.dma_semaphore, #tpu.memory_space<semaphore_mem>>) src(%dma_wait3A_120 : memref<6400x64xf32, #tpu.memory_space<hbm>>) dst(%dma_wait3A_110 : memref<96x64xf32, #tpu.memory_space<vmem>>)
    %dma_wait3A_121 = arith.constant 1 : i32
    %dma_wait3A_122 = arith.constant 96 : i32
    %dma_wait3A_123 = arith.constant 0 : i32
    %dma_wait3A_124 = tpu.memref_slice %arg9[%dma_wait3A_122, %dma_wait3A_123] : memref<192x64xf32, #tpu.memory_space<vmem>> -> memref<96x64xf32, #tpu.memory_space<vmem>>
    %dma_wait3A_125 = arith.constant 0 : i32
    %dma_wait3A_126 = tpu.memref_slice %arg7[%dma_wait3A_121, %dma_wait3A_125] : memref<2x96xi32, #tpu.memory_space<vmem>> -> memref<1x96xi32, #tpu.memory_space<vmem>>
    %dma_wait3A_127 = tpu.memref_squeeze %dma_wait3A_126 : memref<1x96xi32, #tpu.memory_space<vmem>> -> memref<96xi32, #tpu.memory_space<vmem>>
    %dma_wait3A_128 = arith.constant 0 : i32
    %dma_wait3A_129 = arith.constant 0 : i32
    %dma_wait3A_130 = tpu.memref_slice %arg2[%dma_wait3A_128, %dma_wait3A_129] : memref<50000x64xf32, #tpu.memory_space<hbm>> -> memref<50000x64xf32, #tpu.memory_space<hbm>>
    tpu.wait_indirect_dma semaphore(%arg12 : memref<!tpu.dma_semaphore, #tpu.memory_space<semaphore_mem>>) src(%dma_wait3A_130 : memref<50000x64xf32, #tpu.memory_space<hbm>>) dst(%dma_wait3A_124 : memref<96x64xf32, #tpu.memory_space<vmem>>)
    %dma_wait3A_131 = arith.constant 0 : i32
    %dma_wait3A_132 = arith.constant 1 : i32
    %dma_wait3A_133 = arith.constant 96 : i32
    %dma_wait3A_134 = arith.constant 0 : i32
    %dma_wait3A_135 = tpu.memref_slice %arg10[%dma_wait3A_133, %dma_wait3A_134] : memref<192x64xf32, #tpu.memory_space<vmem>> -> memref<96x64xf32, #tpu.memory_space<vmem>>
    %dma_wait3A_136 = arith.constant 0 : i32
    %dma_wait3A_137 = tpu.memref_slice %arg8[%dma_wait3A_132, %dma_wait3A_136] : memref<2x96xi32, #tpu.memory_space<vmem>> -> memref<1x96xi32, #tpu.memory_space<vmem>>
    %dma_wait3A_138 = tpu.memref_squeeze %dma_wait3A_137 : memref<1x96xi32, #tpu.memory_space<vmem>> -> memref<96xi32, #tpu.memory_space<vmem>>
    %dma_wait3A_139 = arith.constant 0 : i32
    %dma_wait3A_140 = arith.constant 0 : i32
    %dma_wait3A_141 = tpu.memref_slice %arg5[%dma_wait3A_131, %dma_wait3A_139, %dma_wait3A_140] : memref<2x6400x64xf32, #tpu.memory_space<hbm>> -> memref<1x6400x64xf32, #tpu.memory_space<hbm>>
    %dma_wait3A_142 = tpu.memref_squeeze %dma_wait3A_141 : memref<1x6400x64xf32, #tpu.memory_space<hbm>> -> memref<6400x64xf32, #tpu.memory_space<hbm>>
    %dma_wait3A_143 = arith.constant 0 : i32
    %dma_wait3A_144 = arith.constant 0 : i32
    %dma_wait3A_145 = tpu.memref_slice %dma_wait3A_142[%dma_wait3A_143, %dma_wait3A_144] : memref<6400x64xf32, #tpu.memory_space<hbm>> -> memref<6400x64xf32, #tpu.memory_space<hbm>>
    tpu.wait_indirect_dma semaphore(%arg12 : memref<!tpu.dma_semaphore, #tpu.memory_space<semaphore_mem>>) src(%dma_wait3A_145 : memref<6400x64xf32, #tpu.memory_space<hbm>>) dst(%dma_wait3A_135 : memref<96x64xf32, #tpu.memory_space<vmem>>)
    %dma_wait3A_146 = arith.constant 1 : i32
    %dma_wait3A_147 = arith.constant 1 : i32
    %dma_wait3A_148 = arith.constant 96 : i32
    %dma_wait3A_149 = arith.constant 0 : i32
    %dma_wait3A_150 = tpu.memref_slice %arg11[%dma_wait3A_148, %dma_wait3A_149] : memref<192x64xf32, #tpu.memory_space<vmem>> -> memref<96x64xf32, #tpu.memory_space<vmem>>
    %dma_wait3A_151 = arith.constant 0 : i32
    %dma_wait3A_152 = tpu.memref_slice %arg8[%dma_wait3A_147, %dma_wait3A_151] : memref<2x96xi32, #tpu.memory_space<vmem>> -> memref<1x96xi32, #tpu.memory_space<vmem>>
    %dma_wait3A_153 = tpu.memref_squeeze %dma_wait3A_152 : memref<1x96xi32, #tpu.memory_space<vmem>> -> memref<96xi32, #tpu.memory_space<vmem>>
    %dma_wait3A_154 = arith.constant 0 : i32
    %dma_wait3A_155 = arith.constant 0 : i32
    %dma_wait3A_156 = tpu.memref_slice %arg5[%dma_wait3A_146, %dma_wait3A_154, %dma_wait3A_155] : memref<2x6400x64xf32, #tpu.memory_space<hbm>> -> memref<1x6400x64xf32, #tpu.memory_space<hbm>>
    %dma_wait3A_157 = tpu.memref_squeeze %dma_wait3A_156 : memref<1x6400x64xf32, #tpu.memory_space<hbm>> -> memref<6400x64xf32, #tpu.memory_space<hbm>>
    %dma_wait3A_158 = arith.constant 0 : i32
    %dma_wait3A_159 = arith.constant 0 : i32
    %dma_wait3A_160 = tpu.memref_slice %dma_wait3A_157[%dma_wait3A_158, %dma_wait3A_159] : memref<6400x64xf32, #tpu.memory_space<hbm>> -> memref<6400x64xf32, #tpu.memory_space<hbm>>
    tpu.wait_indirect_dma semaphore(%arg12 : memref<!tpu.dma_semaphore, #tpu.memory_space<semaphore_mem>>) src(%dma_wait3A_160 : memref<6400x64xf32, #tpu.memory_space<hbm>>) dst(%dma_wait3A_150 : memref<96x64xf32, #tpu.memory_space<vmem>>)
    %scan3A = arith.constant 0 : i32
    %scan3A_161 = arith.constant 0 : i32
    %scan3A_162 = arith.constant 192 : i32
    %scan3A_163 = arith.addi %scan3A_161, %scan3A_162 : i32
    %scan3A_164 = arith.constant 1 : i32
    scf.for %scan3A_168 = %scan3A_161 to %scan3A_163 step %scan3A_164  : i32 {
      %get3A = arith.index_cast %scan3A_168 : i32 to index
      %get3A_169 = arith.constant 0 : index
      %get3A_170 = tpu.vector_load %arg9[%get3A, %get3A_169] {strides = array<i32>} : memref<192x64xf32, #tpu.memory_space<vmem>>, vector<16xf32>,
      %get3A_171 = arith.index_cast %scan3A_168 : i32 to index
      %get3A_172 = arith.constant 0 : index
      %get3A_173 = tpu.vector_load %arg10[%get3A_171, %get3A_172] {strides = array<i32>} : memref<192x64xf32, #tpu.memory_space<vmem>>, vector<16xf32>,
      %get3A_174 = arith.index_cast %scan3A_168 : i32 to index
      %get3A_175 = arith.constant 0 : index
      %get3A_176 = tpu.vector_load %arg11[%get3A_174, %get3A_175] {strides = array<i32>} : memref<192x64xf32, #tpu.memory_space<vmem>>, vector<16xf32>,
      %add3A_177 = arith.addf %get3A_173, %get3A_176 : vector<16xf32>
      %mul3A_178 = arith.constant 3.000000e+00 : f32
      %mul3A_179 = vector.broadcast %mul3A_178 : f32 to vector<16xf32>
      %mul3A_180 = arith.mulf %mul3A_179, %add3A_177 : vector<16xf32>
      %add3A_181 = arith.addf %get3A_170, %mul3A_180 : vector<16xf32>
      %mul3A_182 = arith.constant 2.500000e-01 : f32
      %mul3A_183 = vector.broadcast %mul3A_182 : f32 to vector<16xf32>
      %mul3A_184 = arith.mulf %add3A_181, %mul3A_183 : vector<16xf32>
      %swap3A = arith.index_cast %scan3A_168 : i32 to index
      %swap3A_185 = arith.constant 0 : index
      %swap3A_186 = tpu.vector_load %arg9[%swap3A, %swap3A_185] {strides = array<i32>} : memref<192x64xf32, #tpu.memory_space<vmem>>, vector<16xf32>,
      tpu.vector_store %arg9[%swap3A, %swap3A_185], %mul3A_184 {strides = array<i32>} : memref<192x64xf32, #tpu.memory_space<vmem>>, vector<16xf32>,
      %get3A_187 = arith.index_cast %scan3A_168 : i32 to index
      %get3A_188 = arith.constant 16 : index
      %get3A_189 = tpu.vector_load %arg9[%get3A_187, %get3A_188] {strides = array<i32>} : memref<192x64xf32, #tpu.memory_space<vmem>>, vector<16xf32>,
      %get3A_190 = arith.index_cast %scan3A_168 : i32 to index
      %get3A_191 = arith.constant 16 : index
      %get3A_192 = tpu.vector_load %arg10[%get3A_190, %get3A_191] {strides = array<i32>} : memref<192x64xf32, #tpu.memory_space<vmem>>, vector<16xf32>,
      %get3A_193 = arith.index_cast %scan3A_168 : i32 to index
      %get3A_194 = arith.constant 16 : index
      %get3A_195 = tpu.vector_load %arg11[%get3A_193, %get3A_194] {strides = array<i32>} : memref<192x64xf32, #tpu.memory_space<vmem>>, vector<16xf32>,
      %add3A_196 = arith.addf %get3A_192, %get3A_195 : vector<16xf32>
      %mul3A_197 = arith.constant 3.000000e+00 : f32
      %mul3A_198 = vector.broadcast %mul3A_197 : f32 to vector<16xf32>
      %mul3A_199 = arith.mulf %mul3A_198, %add3A_196 : vector<16xf32>
      %add3A_200 = arith.addf %get3A_189, %mul3A_199 : vector<16xf32>
      %mul3A_201 = arith.constant 2.500000e-01 : f32
      %mul3A_202 = vector.broadcast %mul3A_201 : f32 to vector<16xf32>
      %mul3A_203 = arith.mulf %add3A_200, %mul3A_202 : vector<16xf32>
      %swap3A_204 = arith.index_cast %scan3A_168 : i32 to index
      %swap3A_205 = arith.constant 16 : index
      %swap3A_206 = tpu.vector_load %arg9[%swap3A_204, %swap3A_205] {strides = array<i32>} : memref<192x64xf32, #tpu.memory_space<vmem>>, vector<16xf32>,
      tpu.vector_store %arg9[%swap3A_204, %swap3A_205], %mul3A_203 {strides = array<i32>} : memref<192x64xf32, #tpu.memory_space<vmem>>, vector<16xf32>,
      %get3A_207 = arith.index_cast %scan3A_168 : i32 to index
      %get3A_208 = arith.constant 32 : index
      %get3A_209 = tpu.vector_load %arg9[%get3A_207, %get3A_208] {strides = array<i32>} : memref<192x64xf32, #tpu.memory_space<vmem>>, vector<16xf32>,
      %get3A_210 = arith.index_cast %scan3A_168 : i32 to index
      %get3A_211 = arith.constant 32 : index
      %get3A_212 = tpu.vector_load %arg10[%get3A_210, %get3A_211] {strides = array<i32>} : memref<192x64xf32, #tpu.memory_space<vmem>>, vector<16xf32>,
      %get3A_213 = arith.index_cast %scan3A_168 : i32 to index
      %get3A_214 = arith.constant 32 : index
      %get3A_215 = tpu.vector_load %arg11[%get3A_213, %get3A_214] {strides = array<i32>} : memref<192x64xf32, #tpu.memory_space<vmem>>, vector<16xf32>,
      %add3A_216 = arith.addf %get3A_212, %get3A_215 : vector<16xf32>
      %mul3A_217 = arith.constant 3.000000e+00 : f32
      %mul3A_218 = vector.broadcast %mul3A_217 : f32 to vector<16xf32>
      %mul3A_219 = arith.mulf %mul3A_218, %add3A_216 : vector<16xf32>
      %add3A_220 = arith.addf %get3A_209, %mul3A_219 : vector<16xf32>
      %mul3A_221 = arith.constant 2.500000e-01 : f32
      %mul3A_222 = vector.broadcast %mul3A_221 : f32 to vector<16xf32>
      %mul3A_223 = arith.mulf %add3A_220, %mul3A_222 : vector<16xf32>
      %swap3A_224 = arith.index_cast %scan3A_168 : i32 to index
      %swap3A_225 = arith.constant 32 : index
      %swap3A_226 = tpu.vector_load %arg9[%swap3A_224, %swap3A_225] {strides = array<i32>} : memref<192x64xf32, #tpu.memory_space<vmem>>, vector<16xf32>,
      tpu.vector_store %arg9[%swap3A_224, %swap3A_225], %mul3A_223 {strides = array<i32>} : memref<192x64xf32, #tpu.memory_space<vmem>>, vector<16xf32>,
      %get3A_227 = arith.index_cast %scan3A_168 : i32 to index
      %get3A_228 = arith.constant 48 : index
      %get3A_229 = tpu.vector_load %arg9[%get3A_227, %get3A_228] {strides = array<i32>} : memref<192x64xf32, #tpu.memory_space<vmem>>, vector<16xf32>,
      %get3A_230 = arith.index_cast %scan3A_168 : i32 to index
      %get3A_231 = arith.constant 48 : index
      %get3A_232 = tpu.vector_load %arg10[%get3A_230, %get3A_231] {strides = array<i32>} : memref<192x64xf32, #tpu.memory_space<vmem>>, vector<16xf32>,
      %get3A_233 = arith.index_cast %scan3A_168 : i32 to index
      %get3A_234 = arith.constant 48 : index
      %get3A_235 = tpu.vector_load %arg11[%get3A_233, %get3A_234] {strides = array<i32>} : memref<192x64xf32, #tpu.memory_space<vmem>>, vector<16xf32>,
      %add3A_236 = arith.addf %get3A_232, %get3A_235 : vector<16xf32>
      %mul3A_237 = arith.constant 3.000000e+00 : f32
      %mul3A_238 = vector.broadcast %mul3A_237 : f32 to vector<16xf32>
      %mul3A_239 = arith.mulf %mul3A_238, %add3A_236 : vector<16xf32>
      %add3A_240 = arith.addf %get3A_229, %mul3A_239 : vector<16xf32>
      %mul3A_241 = arith.constant 2.500000e-01 : f32
      %mul3A_242 = vector.broadcast %mul3A_241 : f32 to vector<16xf32>
      %mul3A_243 = arith.mulf %add3A_240, %mul3A_242 : vector<16xf32>
      %swap3A_244 = arith.index_cast %scan3A_168 : i32 to index
      %swap3A_245 = arith.constant 48 : index
      %swap3A_246 = tpu.vector_load %arg9[%swap3A_244, %swap3A_245] {strides = array<i32>} : memref<192x64xf32, #tpu.memory_space<vmem>>, vector<16xf32>,
      tpu.vector_store %arg9[%swap3A_244, %swap3A_245], %mul3A_243 {strides = array<i32>} : memref<192x64xf32, #tpu.memory_space<vmem>>, vector<16xf32>,
    }
    %scan3A_165 = arith.constant 192 : i32
    %mul3A_166 = arith.constant 192 : i32
    %mul3A_167 = arith.muli %add3A, %mul3A_166 : i32
    "tpu.region"() ({
      %run_scoped3A = tpu.sem_alloc : memref<!tpu.dma_semaphore, #tpu.memory_space<semaphore_mem>>
      %dma_start3A_168 = arith.constant 0 : i32
      %dma_start3A_169 = tpu.memref_slice %arg6[%mul3A_167, %dma_start3A_168] : memref<6144x64xf32, #tpu.memory_space<hbm>> -> memref<192x64xf32, #tpu.memory_space<hbm>>
      %dma_start3A_170 = arith.constant 0 : i32
      %dma_start3A_171 = tpu.memref_slice %arg6[%mul3A_167, %dma_start3A_170] : memref<6144x64xf32, #tpu.memory_space<hbm>> -> memref<192x64xf32, #tpu.memory_space<hbm>>
      tpu.enqueue_dma source(%arg9 : memref<192x64xf32, #tpu.memory_space<vmem>>) target(%dma_start3A_171 : memref<192x64xf32, #tpu.memory_space<hbm>>) target_semaphore(%run_scoped3A : memref<!tpu.dma_semaphore, #tpu.memory_space<semaphore_mem>>)
      %dma_wait3A_172 = arith.constant 0 : i32
      %dma_wait3A_173 = tpu.memref_slice %arg6[%mul3A_167, %dma_wait3A_172] : memref<6144x64xf32, #tpu.memory_space<hbm>> -> memref<192x64xf32, #tpu.memory_space<hbm>>
      %dma_wait3A_174 = arith.constant 0 : i32
      %dma_wait3A_175 = tpu.memref_slice %arg6[%mul3A_167, %dma_wait3A_174] : memref<6144x64xf32, #tpu.memory_space<hbm>> -> memref<192x64xf32, #tpu.memory_space<hbm>>
      tpu.wait_dma2 semaphore(%run_scoped3A : memref<!tpu.dma_semaphore, #tpu.memory_space<semaphore_mem>>) src(%arg9 : memref<192x64xf32, #tpu.memory_space<vmem>>) dst(%dma_wait3A_175 : memref<192x64xf32, #tpu.memory_space<hbm>>)
      tpu.yield
    }) : () -> ()
    return
  }
}

</mosaic_0001>

<sc_bundles>
// kernel: kernel.4.cloned.1.call-start
scs
__scs_entry_jumppad:
0x0: {  	(pc) =	sbr.rel $0x88, $3  }
0x1: {  	(tag) =	ssettag $0x0;
	lr =	simm.s32 $0x1  }
0x2: {  	[smem:$0x3F99] =	sst lr;
	_ =	strace $0xD0000000  }
0x3: {  	_ = 	snop  }
0x4: {  	_ = 	snop  }
0x5: {  	_ = 	snop  }
0x6: {  	_ = 	snop  }
0x7: {  	_ = 	snop  }
__scs_overlays_trampoline_lowered:
0x8: {  	[smem:$0x3FA8] =	sst s0  }
0x9: {  	[smem:$0x3FA9] =	sst s1  }
0xa: {  	[smem:$0x3FAA] =	sst s2  }
0xb: {  	[smem:$0x3FAB] =	sst s3  }
0xc: {  	[smem:$0x3FAC] =	sst s4  }
0xd: {  	[smem:$0x3FAD] =	sst s5  }
0xe: {  	[smem:$0x3FAE] =	sst s6  }
0xf: {  	[smem:$0x3FAF] =	sst s7  }
0x10: {  	[smem:$0x3FB0] =	sst s8  }
0x11: {  	[smem:$0x3FB1] =	sst s9;
	s0 =	simm.s32 @!p0 $0x0  }
0x12: {  	s1 =	sld [smem:$0x3F97];
	s0 =	simm.s32 @p0 $0x1  }
0x13: {  	[smem:$0x3FB2] =	sst s0;
	s0 =	simm.s32 @!p1 $0x0  }
0x14: {  	s2 =	sld [smem:$0x3F96];
	s0 =	simm.s32 @p1 $0x1  }
0x15: {  	[smem:$0x3FB3] =	sst s0;
	s0 =	simm.s32 @!p2 $0x0  }
0x16: {  	s3 =	sld [smem:$0x3FDB];
	s0 =	simm.s32 @p2 $0x1  }
0x17: {  	s4 =	simm.s32 $0x1BF5;
	[smem:$0x3FB5] =	sst s0  }
0x18: {  	s0 =	sld [smem:$0x3F98];
	_ =	swait.ge [sflag:s4], $0x0  }
0x19: {  	s7 =	sld [smem:$0x3F99]  }
0x1a: {  	s8 =	sadd.s32 $0xFFFFE003, lr  }
0x1b: {  	s9 =	sadd.s32 $0xFFFFFEF7, lr;
	s5 =	simm.s32 $0xFFFFFFFF;
	p2 =	slt.u32 s8, $0xFFFFF086  }
0x1c: {  	p1 =	slt.u32 s9, $0xF7A;
	s5 =	simm.s32 @!p2 $0x0  }
0x1d: {  	s5 =	simm.s32 @p1 $0x1;
	p0 =	seq.s32 s7, s2  }
0x1e: {  	s7 =	smul.u32 @!p0 $0xF7A, s2;
	p2 =	seq.s32 @!p0 s5, $0x0  }
0x1f: {  	s9 =	smul.u32 $0xF7A, s1;
	s8 =	simm.s32 @!p0 $0x1BF5;
	p2 =	por !p2, p0  }
0x20: {  	[sflag:s8] =	ssyncset.s32 @!p0 $0xFFFFF086;
	s6 =	sadd.s32 @!p0 s3, s7;
	s7 =	simm.s32 @!p0 $0x108  }
0x21: {  	s3 =	sadd.s32 s3, s9;
	s6 =	sadd.s32 @!p0 $0x88, s6;
	s7 =	simm.s32 @p2 $0x1082  }
0x22: {  	[simem:s7], [sflag:s8] =	dma.local @!p0 [hbm:s6], $0xF7A  }
0x23: {  	s9 =	sor.u32 $0xD0000000, s2;
	s6 =	simm.s32 $0x108;
	_ =	swait.ge @!p0 [sflag:s8], $0x0  }
0x24: {  	s3 =	sadd.s32 $0x88, s3;
	s6 =	simm.s32 @!p1 $0x1082;
	[sflag:s4] =	ssyncset.s32 $0xFFFFF086  }
0x25: {  	[simem:s6], [sflag:s4] =	dma.local [hbm:s3], $0xF7A  }
0x26: {  	[smem:$0x3F99] =	sst s1;
	(tag) =	ssettag s2;
	_ =	strace s9  }
0x27: {  	s1 =	sld [smem:$0x3FA9]  }
0x28: {  	s2 =	sld [smem:$0x3FAA]  }
0x29: {  	s4 =	sld [smem:$0x3FAC]  }
0x2a: {  	p0 =	seq.s32 s5, $0x0;
	s5 =	sld [smem:$0x3FAD]  }
0x2b: {  	s6 =	sld [smem:$0x3FAE]  }
0x2c: {  	s7 =	sld [smem:$0x3FAF]  }
0x2d: {  	s3 =	simm.s32 $0x108;
	s8 =	sld [smem:$0x3FB0]  }
0x2e: {  	s3 =	simm.s32 @!p0 $0x1082;
	s9 =	sld [smem:$0x3FB1]  }
0x2f: {  	lr =	sadd.s32 s0, s3;
	s0 =	sld [smem:$0x3FA8]  }
0x30: {  	s3 =	sld [smem:$0x3FAB]  }
0x31: {  	[smem:$0x3FB4] =	sst s10  }
0x32: {  	s10 =	sld [smem:$0x3FB2];
	_ =	sdelay $0x3  }
0x33: {  	p0 =	seq.s32 s10, $0x1;
	s10 =	sld [smem:$0x3FB4];
	_ =	sdelay $0x3  }
0x34: {  	[smem:$0x3FB4] =	sst s10  }
0x35: {  	s10 =	sld [smem:$0x3FB3];
	_ =	sdelay $0x3  }
0x36: {  	p1 =	seq.s32 s10, $0x1;
	s10 =	sld [smem:$0x3FB4];
	_ =	sdelay $0x3  }
0x37: {  	[smem:$0x3FB4] =	sst s10  }
0x38: {  	s10 =	sld [smem:$0x3FB5]  }
0x39: {  	_ = 	snop;
	(pc) =	sbr.ind lr, $3  }
0x3a: {  	_ = 	snop  }
0x3b: {  	_ = 	snop  }
0x3c: {  	p2 =	seq.s32 s10, $0x1;
	s10 =	sld [smem:$0x3FB4]  }
0x3d: {  	_ =	shalt  }
0x3e: {  	_ =	shalt  }
0x3f: {  	_ =	shalt  }
0x40: {  	_ =	shalt  }
0x41: {  	_ =	shalt  }
0x42: {  	_ =	shalt  }
0x43: {  	_ =	shalt  }
0x44: {  	_ =	shalt  }
0x45: {  	_ =	shalt  }
0x46: {  	_ =	shalt  }
0x47: {  	_ =	shalt  }
0x48: {  	_ =	shalt  }
0x49: {  	_ =	shalt  }
0x4a: {  	_ =	shalt  }
0x4b: {  	_ =	shalt  }
0x4c: {  	_ =	shalt  }
0x4d: {  	_ =	shalt  }
0x4e: {  	_ =	shalt  }
0x4f: {  	_ =	shalt  }
0x50: {  	_ =	shalt  }
0x51: {  	_ =	shalt  }
0x52: {  	_ =	shalt  }
0x53: {  	_ =	shalt  }
0x54: {  	_ =	shalt  }
0x55: {  	_ =	shalt  }
0x56: {  	_ =	shalt  }
0x57: {  	_ =	shalt  }
0x58: {  	_ =	shalt  }
0x59: {  	_ =	shalt  }
0x5a: {  	_ =	shalt  }
0x5b: {  	_ =	shalt  }
0x5c: {  	_ =	shalt  }
0x5d: {  	_ =	shalt  }
0x5e: {  	_ =	shalt  }
0x5f: {  	_ =	shalt  }
0x60: {  	_ =	shalt  }
0x61: {  	_ =	shalt  }
0x62: {  	_ =	shalt  }
0x63: {  	_ =	shalt  }
0x64: {  	_ =	shalt  }
0x65: {  	_ =	shalt  }
0x66: {  	_ =	shalt  }
0x67: {  	_ =	shalt  }
0x68: {  	_ =	shalt  }
0x69: {  	_ =	shalt  }
0x6a: {  	_ =	shalt  }
0x6b: {  	_ =	shalt  }
0x6c: {  	_ =	shalt  }
0x6d: {  	_ =	shalt  }
0x6e: {  	_ =	shalt  }
0x6f: {  	_ =	shalt  }
0x70: {  	_ =	shalt  }
0x71: {  	_ =	shalt  }
0x72: {  	_ =	shalt  }
0x73: {  	_ =	shalt  }
0x74: {  	_ =	shalt  }
0x75: {  	_ =	shalt  }
0x76: {  	_ =	shalt  }
0x77: {  	_ =	shalt  }
0x78: {  	_ =	shalt  }
0x79: {  	_ =	shalt  }
0x7a: {  	_ =	shalt  }
0x7b: {  	_ =	shalt  }
0x7c: {  	_ =	shalt  }
0x7d: {  	_ =	shalt  }
0x7e: {  	_ =	shalt  }
0x7f: {  	_ =	shalt  }
0x80: {  	_ =	shalt  }
0x81: {  	_ =	shalt  }
0x82: {  	_ =	shalt  }
0x83: {  	_ =	shalt  }
0x84: {  	_ =	shalt  }
0x85: {  	_ =	shalt  }
0x86: {  	_ =	shalt  }
0x87: {  	_ =	shalt  }
.Lfunc_end0:
.L_simem_size_0:
called_computation_lowered:
.L_overlay_start_0:
0x88: {  	s2 =	sld [smem:$0x3FD9]  }
0x89: {  	s3 =	sld [smem:$0x3FFE];
	_ =	sdelay $0x1  }
0x8a: {  	s1 =	srdreg.scid  }
0x8b: {  	s0 =	sand.u32 $0x1, s1  }
0x8c: {  	s14 =	sshll.u32 s0, $0xA;
	s2 =	sadd.s32 s3, s2  }
0x8d: {  	s2 =	sadd.s32 s2, s14  }
0x8e: {  	[smem:$0x3FC0] =	sst s2  }
0x8f: {  	_ = 	snop  }
0x90: {  	s2 =	sld [smem:$0x3FD0];
	_ =	sdelay $0x2  }
0x91: {  	s15 =	simm.s32 $0xA;
	s4 =	simm.s32 $0x10  }
0x92: {  	[smem:s4], [sflag:s15] =	dma.local [hbm:s2], $0x1  }
0x93: {  	_ =	swait.eq [sflag:s15], $0x1  }
0x94: {  	[sflag:s15] =	ssyncset.done $0x0  }
0x95: {  	s16 =	sld [smem:$0x10];
	[sflag:s15] =	ssyncadd.s32 $0xFFFFFFFF  }
0x96: {  	s17 =	sld [smem:$0x11];
	(tm) =	ssettm $0x1  }
0x97: {  	s18 =	sld [smem:$0x3FFB];
	_ =	sdelay $0x3  }
0x98: {  	_ =	strace s18  }
0x99: {  	s4 =	sld [smem:$0x3FFC];
	_ =	sdelay $0x3  }
0x9a: {  	_ =	strace s4  }
0x9b: {  	s4 =	sld [smem:$0x3FFD];
	_ =	sdelay $0x3  }
0x9c: {  	_ =	strace s4  }
0x9d: {  	_ =	strace $0x8FFFFFFF  }
0x9e: {  	s19 =	sld [smem:$0x3FDB];
	_ =	sdelay $0x1  }
0x9f: {  	s5 =	simm.s32 $_scs_section_size  }
0xa0: {  	s6 =	simm.s32 $_size__tile_overlayer_lowered;
	s7 =	simm.s32 $_tile_overlayer_lowered  }
0xa1: {  	s22 =	simm.s32 $0x1BFF;
	s21 =	sshll.u32 s7, $0x1;
	s4 =	sadd.s32 s5, s19  }
0xa2: {  	s8 =	simm.s32 $0x0;
	s20 =	sshll.u32 s6, $0x1;
	s6 =	sadd.s32 s21, s4  }
0xa3: {  	[timem:s8], [sflag:s22] =	dma.local [hbm:s6], s20  }
0xa4: {  	_ =	swait.ge [sflag:s22], s20  }
0xa5: {  	s5 =	ssub.s32 $0x0, s20;
	[sflag:s22] =	ssyncset.done $0x0  }
0xa6: {  	[sflag:s22] =	ssyncadd.s32 s5;
	_ =	sdelay $0x1  }
0xa7: {  	s23 =	simm.s32 $0x1B8B  }
0xa8: {  	_ =	swait.ge [sflag:s23], $0x1  }
0xa9: {  	[sflag:s23] =	ssyncset.done $0x0  }
0xaa: {  	s25 =	simm.s32 $0x1B8E;
	s24 =	sld [smem:$0x3FFE];
	[sflag:s23] =	ssyncadd.s32 $0xFFFFFFFF  }
0xab: {  	s26 =	simm.s32 $execute0_lowered;
	[smem:$0x3FD2] =	sst s25  }
0xac: {  	s6 =	sshll.u32 s26, $0x1;
	_ =	strace $0x80000046;
	[dreg:$0x1] =	wrdreg $0xFFFFFFFF  }
0xad: {  	s28 =	simm.s32 $_size_execute0_lowered;
	s4 =	sadd.s32 s4, s6;
	[dreg:$0x0] =	wrdreg $0x0  }
0xae: {  	s6 =	sshll.u32 s28, $0x1;
	[dreg:$0x2] =	wrdreg s4  }
0xaf: {  	[dreg:$0x3] =	wrdreg s6  }
0xb0: {  	[dreg:$0x4] =	wrdreg $0xC0  }
0xb1: {  	_ =	task [dreg:s8], $0x5FFFF  }
0xb2: {  	[dreg:$0x1] =	wrdreg $0xFFFFFFFF  }
0xb3: {  	[dreg:$0x0] =	wrdreg $0x60  }
0xb4: {  	[dreg:$0x2] =	wrdreg s24  }
0xb5: {  	[dreg:$0x3] =	wrdreg s17  }
0xb6: {  	[dreg:$0x4] =	wrdreg s16  }
0xb7: {  	[dreg:$0x5] =	wrdreg $0x163800  }
0xb8: {  	[dreg:$0x6] =	wrdreg $0x9  }
0xb9: {  	_ =	task.clear_ibuf [dreg:s8], $0x7FFFF;
	_ =	strace $0x90000046  }
0xba: {  	s29 =	simm.s32 $0x9;
	_ =	strace $0x80000048  }
0xbb: {  	_ =	swait.ge [sflag:s29], $0x1  }
0xbc: {  	[sflag:s29] =	ssyncadd.s32 $0xFFFFFFFF  }
0xbd: {  	_ =	strace $0x90000048  }
0xbe: {  	_ =	sfence  }
0xbf: {  	s30 =	sld [smem:$0x0];
	_ =	sdelay $0x2  }
0xc0: {  	s31 =	sshll.u32 s1, $0xD;
	s1 =	sshrl.u32 s1, $0x2  }
0xc1: {  	s3 =	sand.u32 $0x4000, s31;
	s1 =	sadd.s32 s1, s30  }
0xc2: {  	s0 =	sor.u32 s3, s0;
	s1 =	sshll.u32 s1, $0x11  }
0xc3: {  	s0 =	sor.u32 s1, s0  }
0xc4: {  	s0 =	sadd.s32 $0x8F2B, s0  }
0xc5: {  	[sflag:s0] =	ssyncadd.remote.s32 $0x1  }
0xc6: {  	_ =	sfence.sel $0xFFFF  }
0xc7: {  	[dreg:$0x0] =	wrdreg $0xFFFFFFFF;
	(pc) =	sbr.abs _section_cstart, $3  }
0xc8: {  	[dreg:$0x1] =	wrdreg $0xFFFFFFFF  }
0xc9: {  	_ =	task.clear_ibuf [dreg:s8], $0x2FFFF;
	_ =	strace $0x9FFFFFFF  }
0xca: {  	(tm) =	ssettm $0x7FFFFFFF  }
0xcb: {  	_ =	shalt  }
tec
execute0_lowered:
.L_overlay_start_1:
0x0: {  	(tag) =	ssettag $0x1  }
0x1: {  	s0 =	rddreg [dreg:$0x0]  }
0x2: {  	s3 =	rddreg [dreg:$0x3];
	s4 =	simm.s32 $0x0;
	s1 =	srdreg.scid  }
0x3: {  	s11 =	stileid.u32;
	s14 =	simm.s32 $0x2;
	s15 =	simm.s32 $0xE380  }
0x4: {  	s16 =	simm.s32 $0xDB80;
	s17 =	simm.s32 $0xDD80;
	s18 =	simm.s32 $0xE180  }
0x5: {  	s19 =	simm.s32 $0x80;
	s20 =	simm.s32 $0xDE00;
	s21 =	simm.s32 $0x10380  }
0x6: {  	s22 =	simm.s32 $0xDE80;
	s23 =	simm.s32 $0x12380;
	s28 =	simm.s32 $0x1  }
0x7: {  	s29 =	simm.s32 $0xDF80;
	s30 =	simm.s32 $0xE000;
	s31 =	simm.s32 $0xE080  }
0x8: {  	[smem:$0x7FF] =	sst s4;
	s5 =	sadd.s32 $0x1C00, s0;
	s6 =	sadd.s32 $0x7C800, s0  }
0x9: {  	s8 =	sadd.s32 $0x63800, s0;
	s1 =	sand.u32 $0x1, s1;
	s9 =	sadd.s32 $0x95800, s0  }
0xa: {  	s10 =	sshll.u32 s11, $0x1;
	s12 =	smul.u32 $0x6400, s11;
	_ =	strace $0x80000047  }
0xb: {  	s2 =	smul.u32 $0xC800, s1;
	s7 =	ssub.s32 $0x2, s1;
	s1 =	sor.u32 s1, s10  }
0xc: {  	s25 =	sshrl.u32 s7, $0x1;
	s10 =	sadd.s32 s12, s3;
	s11 =	smul.u32 $0x6400, s1  }
.Ltmp0:
0xd: {  	s26 =	sshrl.u32 s12, $0x3;
	p0 =	sne.s32 s1, $0x0;
	(pc) =	sbr.rel .LBB2_1-.Ltmp0, $4  }
0xe: {  	s0 =	sadd.s32 s2, s0;
	s2 =	ssub.s32 s7, s25;
	s25 =	simm.s32 $0xDF00  }
0xf: {  	[dreg:$0x5] =	wrdreg s10;
	s0 =	sadd.s32 $0xAE800, s0;
	s2 =	smax.u32 s2, $0x1  }
0x10: {  	s7 =	simm.s32 $0x0;
	[dreg:$0x6] =	wrdreg s2;
	s0 =	sadd.s32 s26, s0  }
0x11: {  	v0 =	vimm.s32 $0xFFFFFFFF;
	v1 =	vlaneseq.u32;
	v2 =	vimm.f32 $0.0e+00;
	s26 =	simm.s32 $0x14380;
	[dreg:$0x7] =	wrdreg s0;
	s0 =	simm.s32 $0xE100  }
.LBB2_17:
0x12: {  	s7 =	sadd.s32 $0x1, s7;
	s1 =	rddreg [dreg:$0x6]  }
0x13: {  	p1 =	sne.s32 s7, s1  }
.Ltmp1:
0x14: {  	_ = 	snop;
	(pc) =	sbr.rel @!p1 .LBB2_18-.Ltmp1, $1  }
0x15: {  	_ =	sdelay $0x3  }
.LBB2_1:
0x16: {  	[dreg:$0x8] =	wrdreg s7  }
0x17: {  	s1 =	rddreg [dreg:$0x1];
	s2 =	simm.s32 $0xC380  }
0x18: {  	[tilespmem:s2], [sflag:$0x2] =	stream.linear.gather [hbm4b:s1+s4], $0x1800, $0x38;
	[tilespmem:$0x1C780] =	vst v63  }
0x19: {  	_ =	swait.ge [sflag:s14], $0x1800  }
0x1a: {  	[sflag:s14] =	ssyncset.done $0x0  }
0x1b: {  	s1 =	simm.s32 $0x0;
	[sflag:s14] =	ssyncadd.s32 $0xFFFFE800  }
.LBB2_2:
0x1c: {  	p1 =	sne.s32 s1, $0x30DC0  }
.Ltmp2:
0x1d: {  	_ = 	snop;
	(pc) =	sbr.rel @p1 .LBB2_2-.Ltmp2, $3  }
0x1e: {  	_ =	sdelay $0x1  }
0x1f: {  	s2 =	sshra.s32 s1, $0x2  }
0x20: {  	s1 =	sadd.s32 $0x40, s1;
	[tilespmem:s2+$0x0] =	vst v0  }
0x21: {  	s2 =	simm.s32 $0xC380  }
0x22: {  	s1 =	simm.s32 $0x0;
	s12 =	simm.s32 $0x10;
	s13 =	simm.s32 $0x0;
	v3 =	vld [tilespmem:s2+$0x0]  }
.LBB2_4:
0x23: {  	p1 =	sne.s32 s12, $0x17F0;
	_ =	sdelay $0x3  }
.Ltmp3:
0x24: {  	(pc) =	sbr.rel @p1 .LBB2_4-.Ltmp3, $4  }
0x25: {  	_ = 	snop  }
0x26: {  	v4 =	vor.u32 s13, v1;
	s13 =	smov.u32 s12  }
0x27: {  	s2 =	sadd.s32 $0x10, s2;
	[tilespmem:v3+s1+$0x0] =	vst.idx.msk $0xffff, v4  }
0x28: {  	s12 =	sadd.s32 $0x10, s12;
	v3 =	vld [tilespmem:s2+$0x0]  }
0x29: {  	_ =	sdelay $0x6  }
0x2a: {  	v4 =	vor.u32 s13, v1  }
0x2b: {  	s2 =	simm.s32 $0x100;
	[tilespmem:v3+s1+$0x0] =	vst.idx.msk $0xffff, v4;
	s1 =	simm.s32 $0x0  }
.LBB2_6:
0x2c: {  	p1 =	sne.s32 s2, $0x18F00;
	[tilespmem:s1+$0xE3B0] =	vst v2;
	s12 =	smov.u32 s2;
	s2 =	sadd.s32 $0x100, s2  }
.Ltmp4:
0x2d: {  	[tilespmem:s1+$0xE3A0] =	vst v2;
	(pc) =	sbr.rel @p1 .LBB2_6-.Ltmp4, $3  }
0x2e: {  	[tilespmem:s1+$0xE380] =	vst v2  }
0x2f: {  	[tilespmem:s1+$0xE390] =	vst v2;
	_ =	sdelay $0x1  }
0x30: {  	s1 =	sshra.s32 s12, $0x2  }
0x31: {  	[tilespmem:s1+$0xE3B0] =	vst v2  }
0x32: {  	[tilespmem:s1+$0xE3A0] =	vst v2  }
0x33: {  	[tilespmem:s1+$0xE380] =	vst v2  }
0x34: {  	[tilespmem:s1+$0xE390] =	vst v2  }
0x35: {  	[spmem:s10] =	stream.linear.scatter [tilespmem:s15], [sflag:$0x2], $0x6400, $0x38;
	[tilespmem:$0x1C780] =	vst v63  }
0x36: {  	_ =	swait.ge [sflag:s14], $0x6400  }
0x37: {  	[sflag:s14] =	ssyncset.done $0x0  }
0x38: {  	[sflag:s14] =	ssyncadd.s32 $0xFFFF9C00  }
0x39: {  	s2 =	simm.s32 $0x0;
	s1 =	simm.s32 $0x0;
	[bflag:$0x0] =	sbarrier.arrive $0xFFFF  }
.LBB2_8:
0x3a: {  	s12 =	sshll.u32 s1, $0x9  }
0x3b: {  	s12 =	sadd.s32 s11, s12  }
0x3c: {  	s12 =	sshrl.u32 s12, $0x3  }
0x3d: {  	s13 =	sadd.s32 s6, s12  }
0x3e: {  	[tilespmem:s16], [sflag:$0x2] =	stream.linear.gather [hbm4b:s13+s2], $0x200, $0x38;
	[tilespmem:$0x1C780] =	vst v63  }
0x3f: {  	_ =	swait.ge [sflag:s14], $0x200  }
0x40: {  	[sflag:s14] =	ssyncset.done $0x0  }
0x41: {  	s24 =	sadd.s32 s8, s12;
	[sflag:s14] =	ssyncadd.s32 $0xFFFFFE00  }
0x42: {  	[tilespmem:s17], [sflag:$0x2] =	stream.linear.gather [hbm4b:s24+s2], $0x200, $0x38;
	[tilespmem:$0x1C780] =	vst v63  }
0x43: {  	_ =	swait.ge [sflag:s14], $0x200  }
0x44: {  	[sflag:s14] =	ssyncset.done $0x0  }
0x45: {  	s12 =	sadd.s32 s9, s12;
	[sflag:s14] =	ssyncadd.s32 $0xFFFFFE00  }
0x46: {  	[tilespmem:s18], [sflag:$0x2] =	stream.linear.gather [hbm4b:s12+s2], $0x200, $0x38;
	[tilespmem:$0x1C780] =	vst v63  }
0x47: {  	_ =	swait.ge [sflag:s14], $0x200  }
0x48: {  	[sflag:s14] =	ssyncset.done $0x0  }
0x49: {  	s13 =	simm.s32 $0x0;
	[sflag:s14] =	ssyncadd.s32 $0xFFFFFE00  }
0x4a: {  	v3 =	vld [tilespmem:s13+$0xDB80];
	_ =	sdelay $0x7  }
0x4b: {  	s24 =	simm.s32 $0x80;
	s12 =	simm.s32 $0x10;
	v3 =	vld.idx.msk [tilespmem:v3+s4+$0x0], $0xffff  }
.LBB2_9:
0x4c: {  	p1 =	sne.s32 s24, $0x7C0;
	v4 =	vld [tilespmem:s12+$0xDB80];
	_ =	sdelay $0x3  }
.Ltmp5:
0x4d: {  	(pc) =	sbr.rel @p1 .LBB2_9-.Ltmp5, $4  }
0x4e: {  	vm0 =	vgt.s32 v3, $0xFFFFFFFF  }
0x4f: {  	v3 =	vnsel vm0, $0x1800, v3  }
0x50: {  	[tilespmem:s13+$0xDF80] =	vst v3;
	s13 =	smov.u32 s12  }
0x51: {  	s12 =	sshra.s32 s24, $0x2;
	s24 =	sadd.s32 $0x40, s24;
	v3 =	vld.idx.msk [tilespmem:v4+s4+$0x0], $0xffff  }
0x52: {  	v4 =	vld [tilespmem:s12+$0xDB80];
	_ =	sdelay $0x4  }
0x53: {  	vm0 =	vgt.s32 v3, $0xFFFFFFFF  }
0x54: {  	v3 =	vnsel vm0, $0x1800, v3  }
0x55: {  	[tilespmem:s13+$0xDF80] =	vst v3  }
0x56: {  	v3 =	vld.idx.msk [tilespmem:v4+s4+$0x0], $0xffff;
	_ =	sdelay $0x4  }
0x57: {  	vm15 =	vgt.s32 v3, $0xFFFFFFFF  }
0x58: {  	v3 =	vnsel vm15, $0x1800, v3  }
0x59: {  	[tilespmem:s12+$0xDF80] =	vst v3  }
0x5a: {  	[tilespmem:s15], [sflag:$0x1] =	stream.indirect.gather [hbm4b:s5+s19], $0x40, s17, s19, $0xb8;
	[tilespmem:$0x1C780] =	vst v63  }
0x5b: {  	_ = 	snop  }
0x5c: {  	[tilespmem:s21], [sflag:$0x1] =	stream.indirect.gather [hbm4b:s5+s19], $0x40, s20, s19, $0xb8;
	[tilespmem:$0x1C780] =	vst v63  }
0x5d: {  	_ = 	snop  }
0x5e: {  	[tilespmem:s23], [sflag:$0x1] =	stream.indirect.gather [hbm4b:s5+s19], $0x40, s22, s19, $0xb8;
	[tilespmem:$0x1C780] =	vst v63  }
0x5f: {  	_ = 	snop  }
0x60: {  	[tilespmem:s26], [sflag:$0x1] =	stream.indirect.gather [hbm4b:s5+s19], $0x40, s25, s19, $0xb8;
	[tilespmem:$0x1C780] =	vst v63  }
0x61: {  	_ =	swait.ge [sflag:s28], $0x2000  }
0x62: {  	[sflag:s28] =	ssyncset.done $0x0  }
0x63: {  	[sflag:s28] =	ssyncadd.s32 $0xFFFFE000  }
0x64: {  	_ =	swait.ge [sflag:s28], $0x2000  }
0x65: {  	[sflag:s28] =	ssyncset.done $0x0  }
0x66: {  	[sflag:s28] =	ssyncadd.s32 $0xFFFFE000  }
0x67: {  	_ =	swait.ge [sflag:s28], $0x2000  }
0x68: {  	[sflag:s28] =	ssyncset.done $0x0  }
0x69: {  	[sflag:s28] =	ssyncadd.s32 $0xFFFFE000  }
0x6a: {  	_ =	swait.ge [sflag:s28], $0x2000  }
0x6b: {  	s24 =	simm.s32 $0x0;
	[sflag:s28] =	ssyncset.done $0x0  }
0x6c: {  	s13 =	simm.s32 $0x0;
	s12 =	simm.s32 $0xE580;
	[sflag:s28] =	ssyncadd.s32 $0xFFFFE000  }
.LBB2_11:
0x6d: {  	s10 =	sand.u32 $0x600, s24  }
0x6e: {  	s7 =	sand.u32 $0x70, s13;
	s10 =	sshrl.u32 s10, $0x2  }
0x6f: {  	s7 =	sor.u32 s7, s10  }
0x70: {  	v3 =	vld [tilespmem:s7+$0xE180];
	_ =	sdelay $0x1  }
0x71: {  	v4 =	vld [tilespmem:s12+$0xFFFFFE00];
	_ =	sdelay $0x1  }
0x72: {  	v43 =	vld [tilespmem:s12+$0xFFFFFE10]  }
0x73: {  	v5 =	vbroadcast v3, $0x0  }
0x74: {  	v44 =	vld [tilespmem:s12+$0xFFFFFE20]  }
0x75: {  	v4 =	vmul.f32 v5, v4  }
0x76: {  	v45 =	vld [tilespmem:s12+$0xFFFFFE30]  }
0x77: {  	[tilespmem:s12+$0xFFFFFE00] =	vst v4;
	v4 =	vmul.f32 v43, v5  }
0x78: {  	v46 =	vld [tilespmem:s12+$0xFFFFFE40]  }
0x79: {  	[tilespmem:s12+$0xFFFFFE10] =	vst v4;
	v4 =	vmul.f32 v44, v5  }
0x7a: {  	v48 =	vld [tilespmem:s12+$0xFFFFFE50]  }
0x7b: {  	v47 =	vbroadcast v3, $0x1;
	[tilespmem:s12+$0xFFFFFE20] =	vst v4;
	v4 =	vmul.f32 v45, v5  }
0x7c: {  	v49 =	vld [tilespmem:s12+$0xFFFFFE60]  }
0x7d: {  	[tilespmem:s12+$0xFFFFFE30] =	vst v4;
	v4 =	vmul.f32 v46, v47  }
0x7e: {  	v50 =	vld [tilespmem:s12+$0xFFFFFE70]  }
0x7f: {  	[tilespmem:s12+$0xFFFFFE40] =	vst v4;
	v4 =	vmul.f32 v48, v47  }
0x80: {  	v51 =	vld [tilespmem:s12+$0xFFFFFE80]  }
0x81: {  	[tilespmem:s12+$0xFFFFFE50] =	vst v4;
	v4 =	vmul.f32 v49, v47  }
0x82: {  	v53 =	vld [tilespmem:s12+$0xFFFFFE90]  }
0x83: {  	v52 =	vbroadcast v3, $0x2;
	[tilespmem:s12+$0xFFFFFE60] =	vst v4;
	v4 =	vmul.f32 v50, v47  }
0x84: {  	v54 =	vld [tilespmem:s12+$0xFFFFFEA0]  }
0x85: {  	[tilespmem:s12+$0xFFFFFE70] =	vst v4;
	v4 =	vmul.f32 v51, v52  }
0x86: {  	v55 =	vld [tilespmem:s12+$0xFFFFFEB0]  }
0x87: {  	[tilespmem:s12+$0xFFFFFE80] =	vst v4;
	v4 =	vmul.f32 v53, v52  }
0x88: {  	v56 =	vld [tilespmem:s12+$0xFFFFFEC0]  }
0x89: {  	[tilespmem:s12+$0xFFFFFE90] =	vst v4;
	v4 =	vmul.f32 v54, v52  }
0x8a: {  	v58 =	vld [tilespmem:s12+$0xFFFFFED0]  }
0x8b: {  	v57 =	vbroadcast v3, $0x3;
	[tilespmem:s12+$0xFFFFFEA0] =	vst v4;
	v4 =	vmul.f32 v55, v52  }
0x8c: {  	v59 =	vld [tilespmem:s12+$0xFFFFFEE0]  }
0x8d: {  	[tilespmem:s12+$0xFFFFFEB0] =	vst v4;
	v4 =	vmul.f32 v56, v57  }
0x8e: {  	v60 =	vld [tilespmem:s12+$0xFFFFFEF0]  }
0x8f: {  	[tilespmem:s12+$0xFFFFFEC0] =	vst v4;
	v4 =	vmul.f32 v58, v57  }
0x90: {  	v61 =	vld [tilespmem:s12+$0xFFFFFF00]  }
0x91: {  	[tilespmem:s12+$0xFFFFFED0] =	vst v4;
	v4 =	vmul.f32 v59, v57  }
0x92: {  	v63 =	vld [tilespmem:s12+$0xFFFFFF10]  }
0x93: {  	v62 =	vbroadcast v3, $0x4;
	[tilespmem:s12+$0xFFFFFEE0] =	vst v4;
	v4 =	vmul.f32 v60, v57  }
0x94: {  	v8 =	vld [tilespmem:s12+$0xFFFFFF20]  }
0x95: {  	[tilespmem:s12+$0xFFFFFEF0] =	vst v4;
	v4 =	vmul.f32 v61, v62  }
0x96: {  	v9 =	vld [tilespmem:s12+$0xFFFFFF30]  }
0x97: {  	[tilespmem:s12+$0xFFFFFF00] =	vst v4;
	v4 =	vmul.f32 v63, v62  }
0x98: {  	v10 =	vld [tilespmem:s12+$0xFFFFFF40]  }
0x99: {  	[tilespmem:s12+$0xFFFFFF10] =	vst v4;
	v4 =	vmul.f32 v8, v62  }
0x9a: {  	v12 =	vld [tilespmem:s12+$0xFFFFFF50]  }
0x9b: {  	v11 =	vbroadcast v3, $0x5;
	[tilespmem:s12+$0xFFFFFF20] =	vst v4;
	v4 =	vmul.f32 v9, v62  }
0x9c: {  	v13 =	vld [tilespmem:s12+$0xFFFFFF60]  }
0x9d: {  	[tilespmem:s12+$0xFFFFFF30] =	vst v4;
	v4 =	vmul.f32 v10, v11  }
0x9e: {  	v14 =	vld [tilespmem:s12+$0xFFFFFF70]  }
0x9f: {  	[tilespmem:s12+$0xFFFFFF40] =	vst v4;
	v4 =	vmul.f32 v12, v11  }
0xa0: {  	v15 =	vld [tilespmem:s12+$0xFFFFFF80]  }
0xa1: {  	[tilespmem:s12+$0xFFFFFF50] =	vst v4;
	v4 =	vmul.f32 v13, v11  }
0xa2: {  	v17 =	vld [tilespmem:s12+$0xFFFFFF90]  }
0xa3: {  	v16 =	vbroadcast v3, $0x6;
	[tilespmem:s12+$0xFFFFFF60] =	vst v4;
	v4 =	vmul.f32 v14, v11  }
0xa4: {  	v18 =	vld [tilespmem:s12+$0xFFFFFFA0]  }
0xa5: {  	[tilespmem:s12+$0xFFFFFF70] =	vst v4;
	v4 =	vmul.f32 v15, v16  }
0xa6: {  	v19 =	vld [tilespmem:s12+$0xFFFFFFB0]  }
0xa7: {  	[tilespmem:s12+$0xFFFFFF80] =	vst v4;
	v4 =	vmul.f32 v17, v16  }
0xa8: {  	v20 =	vld [tilespmem:s12+$0xFFFFFFC0]  }
0xa9: {  	[tilespmem:s12+$0xFFFFFF90] =	vst v4;
	v4 =	vmul.f32 v18, v16  }
0xaa: {  	v22 =	vld [tilespmem:s12+$0xFFFFFFD0]  }
0xab: {  	v21 =	vbroadcast v3, $0x7;
	[tilespmem:s12+$0xFFFFFFA0] =	vst v4;
	v4 =	vmul.f32 v19, v16  }
0xac: {  	v23 =	vld [tilespmem:s12+$0xFFFFFFE0]  }
0xad: {  	[tilespmem:s12+$0xFFFFFFB0] =	vst v4;
	v4 =	vmul.f32 v20, v21  }
0xae: {  	v24 =	vld [tilespmem:s12+$0xFFFFFFF0]  }
0xaf: {  	[tilespmem:s12+$0xFFFFFFC0] =	vst v4;
	v4 =	vmul.f32 v22, v21  }
0xb0: {  	v25 =	vld [tilespmem:s12+$0x0]  }
0xb1: {  	[tilespmem:s12+$0xFFFFFFD0] =	vst v4;
	v4 =	vmul.f32 v23, v21  }
0xb2: {  	v27 =	vld [tilespmem:s12+$0x10]  }
0xb3: {  	v26 =	vbroadcast v3, $0x8;
	[tilespmem:s12+$0xFFFFFFE0] =	vst v4;
	v4 =	vmul.f32 v24, v21  }
0xb4: {  	v28 =	vld [tilespmem:s12+$0x20]  }
0xb5: {  	[tilespmem:s12+$0xFFFFFFF0] =	vst v4;
	v4 =	vmul.f32 v25, v26  }
0xb6: {  	v29 =	vld [tilespmem:s12+$0x30]  }
0xb7: {  	[tilespmem:s12+$0x0] =	vst v4;
	v4 =	vmul.f32 v27, v26  }
0xb8: {  	v30 =	vld [tilespmem:s12+$0x40]  }
0xb9: {  	[tilespmem:s12+$0x10] =	vst v4;
	v4 =	vmul.f32 v28, v26  }
0xba: {  	v32 =	vld [tilespmem:s12+$0x50]  }
0xbb: {  	v31 =	vbroadcast v3, $0x9;
	[tilespmem:s12+$0x20] =	vst v4;
	v4 =	vmul.f32 v29, v26  }
0xbc: {  	v33 =	vld [tilespmem:s12+$0x60]  }
0xbd: {  	[tilespmem:s12+$0x30] =	vst v4;
	v4 =	vmul.f32 v30, v31  }
0xbe: {  	v34 =	vld [tilespmem:s12+$0x70]  }
0xbf: {  	[tilespmem:s12+$0x40] =	vst v4;
	v4 =	vmul.f32 v32, v31  }
0xc0: {  	v35 =	vld [tilespmem:s12+$0x80]  }
0xc1: {  	[tilespmem:s12+$0x50] =	vst v4;
	v4 =	vmul.f32 v33, v31  }
0xc2: {  	v37 =	vld [tilespmem:s12+$0x90]  }
0xc3: {  	v36 =	vbroadcast v3, $0xA;
	[tilespmem:s12+$0x60] =	vst v4;
	v4 =	vmul.f32 v34, v31  }
0xc4: {  	v38 =	vld [tilespmem:s12+$0xA0]  }
0xc5: {  	[tilespmem:s12+$0x70] =	vst v4;
	v4 =	vmul.f32 v35, v36  }
0xc6: {  	v39 =	vld [tilespmem:s12+$0xB0]  }
0xc7: {  	[tilespmem:s12+$0x80] =	vst v4;
	v4 =	vmul.f32 v37, v36  }
0xc8: {  	v40 =	vld [tilespmem:s12+$0xC0]  }
0xc9: {  	[tilespmem:s12+$0x90] =	vst v4;
	v4 =	vmul.f32 v38, v36  }
0xca: {  	v42 =	vld [tilespmem:s12+$0xD0]  }
0xcb: {  	v41 =	vbroadcast v3, $0xB;
	[tilespmem:s12+$0xA0] =	vst v4;
	v4 =	vmul.f32 v39, v36  }
0xcc: {  	v43 =	vld [tilespmem:s12+$0xE0]  }
0xcd: {  	[tilespmem:s12+$0xB0] =	vst v4;
	v4 =	vmul.f32 v40, v41  }
0xce: {  	v44 =	vld [tilespmem:s12+$0xF0]  }
0xcf: {  	[tilespmem:s12+$0xC0] =	vst v4;
	v4 =	vmul.f32 v42, v41  }
0xd0: {  	v45 =	vld [tilespmem:s12+$0x100]  }
0xd1: {  	[tilespmem:s12+$0xD0] =	vst v4;
	v4 =	vmul.f32 v43, v41  }
0xd2: {  	v47 =	vld [tilespmem:s12+$0x110]  }
0xd3: {  	v46 =	vbroadcast v3, $0xC;
	[tilespmem:s12+$0xE0] =	vst v4;
	v4 =	vmul.f32 v44, v41  }
0xd4: {  	v48 =	vld [tilespmem:s12+$0x120]  }
0xd5: {  	[tilespmem:s12+$0xF0] =	vst v4;
	v4 =	vmul.f32 v45, v46  }
0xd6: {  	v49 =	vld [tilespmem:s12+$0x130]  }
0xd7: {  	[tilespmem:s12+$0x100] =	vst v4;
	v4 =	vmul.f32 v47, v46  }
0xd8: {  	v50 =	vld [tilespmem:s12+$0x140]  }
0xd9: {  	[tilespmem:s12+$0x110] =	vst v4;
	v4 =	vmul.f32 v48, v46  }
0xda: {  	v52 =	vld [tilespmem:s12+$0x150]  }
0xdb: {  	v51 =	vbroadcast v3, $0xD;
	[tilespmem:s12+$0x120] =	vst v4;
	v4 =	vmul.f32 v49, v46  }
0xdc: {  	v53 =	vld [tilespmem:s12+$0x160]  }
0xdd: {  	[tilespmem:s12+$0x130] =	vst v4;
	v4 =	vmul.f32 v50, v51  }
0xde: {  	v54 =	vld [tilespmem:s12+$0x170]  }
0xdf: {  	[tilespmem:s12+$0x140] =	vst v4;
	v4 =	vmul.f32 v52, v51  }
0xe0: {  	v55 =	vld [tilespmem:s12+$0x180]  }
0xe1: {  	[tilespmem:s12+$0x150] =	vst v4;
	v4 =	vmul.f32 v53, v51  }
0xe2: {  	v57 =	vld [tilespmem:s12+$0x190]  }
0xe3: {  	v56 =	vbroadcast v3, $0xE;
	[tilespmem:s12+$0x160] =	vst v4;
	v4 =	vmul.f32 v54, v51  }
0xe4: {  	v58 =	vld [tilespmem:s12+$0x1A0]  }
0xe5: {  	[tilespmem:s12+$0x170] =	vst v4;
	v4 =	vmul.f32 v55, v56  }
0xe6: {  	v59 =	vld [tilespmem:s12+$0x1B0]  }
0xe7: {  	[tilespmem:s12+$0x180] =	vst v4;
	v4 =	vmul.f32 v57, v56  }
0xe8: {  	v60 =	vld [tilespmem:s12+$0x1C0]  }
0xe9: {  	[tilespmem:s12+$0x190] =	vst v4;
	v4 =	vmul.f32 v58, v56  }
0xea: {  	v61 =	vld [tilespmem:s12+$0x1D0]  }
0xeb: {  	v3 =	vbroadcast v3, $0xF;
	[tilespmem:s12+$0x1A0] =	vst v4;
	v4 =	vmul.f32 v59, v56  }
0xec: {  	v62 =	vld [tilespmem:s12+$0x1E0]  }
0xed: {  	v63 =	vld [tilespmem:s12+$0x1F0];
	[tilespmem:s12+$0x1B0] =	vst v4;
	v4 =	vmul.f32 v60, v3;
	_ =	sdelay $0x1  }
0xee: {  	p1 =	sne.s32 s24, $0x7C0;
	[tilespmem:s12+$0x1C0] =	vst v4;
	v4 =	vmul.f32 v61, v3  }
.Ltmp6:
0xef: {  	_ = 	snop;
	(pc) =	sbr.rel @p1 .LBB2_11-.Ltmp6, $4  }
0xf0: {  	[tilespmem:s12+$0x1D0] =	vst v4;
	v4 =	vmul.f32 v62, v3  }
0xf1: {  	v3 =	vmul.f32 v63, v3  }
0xf2: {  	[tilespmem:s12+$0x1E0] =	vst v4  }
0xf3: {  	s13 =	sadd.s32 $0x10, s13;
	s24 =	sadd.s32 $0x40, s24;
	[tilespmem:s12+$0x1F0] =	vst v3;
	s12 =	sadd.s32 $0x400, s12  }
0xf4: {  	[spmem:s3] =	stream.indirect.scatter.add.f32 [tilespmem:s15], [sflag:$0x2], $0x40, s29, s19, $0xb8;
	[tilespmem:$0x1C780] =	vst v63  }
0xf5: {  	_ =	swait.ge [sflag:s14], $0x2000  }
0xf6: {  	[sflag:s14] =	ssyncset.done $0x0  }
0xf7: {  	[sflag:s14] =	ssyncadd.s32 $0xFFFFE000  }
0xf8: {  	[spmem:s3] =	stream.indirect.scatter.add.f32 [tilespmem:s21], [sflag:$0x2], $0x40, s30, s19, $0xb8;
	[tilespmem:$0x1C780] =	vst v63  }
0xf9: {  	_ =	swait.ge [sflag:s14], $0x2000  }
0xfa: {  	[sflag:s14] =	ssyncset.done $0x0  }
0xfb: {  	[sflag:s14] =	ssyncadd.s32 $0xFFFFE000  }
0xfc: {  	[spmem:s3] =	stream.indirect.scatter.add.f32 [tilespmem:s23], [sflag:$0x2], $0x40, s31, s19, $0xb8;
	[tilespmem:$0x1C780] =	vst v63  }
0xfd: {  	s1 =	sadd.s32 $0x1, s1;
	_ =	swait.ge [sflag:s14], $0x2000  }
0xfe: {  	p1 =	sne.s32 s1, $0x32;
	[sflag:s14] =	ssyncset.done $0x0  }
.Ltmp7:
0xff: {  	[sflag:s14] =	ssyncadd.s32 $0xFFFFE000;
	(pc) =	sbr.rel @p1 .LBB2_8-.Ltmp7, $4  }
0x100: {  	[spmem:s3] =	stream.indirect.scatter.add.f32 [tilespmem:s26], [sflag:$0x2], $0x40, s0, s19, $0xb8;
	[tilespmem:$0x1C780] =	vst v63  }
0x101: {  	_ =	swait.ge [sflag:s14], $0x2000  }
0x102: {  	[sflag:s14] =	ssyncset.done $0x0  }
0x103: {  	[sflag:s14] =	ssyncadd.s32 $0xFFFFE000  }
0x104: {  	[bflag:$0x0] =	sbarrier.arrive $0xFFFF  }
0x105: {  	s10 =	rddreg [dreg:$0x5]  }
0x106: {  	[tilespmem:s15], [sflag:$0x2] =	stream.linear.gather [spmem:s10], $0x6400, $0x38;
	[tilespmem:$0x1C780] =	vst v63  }
0x107: {  	_ =	swait.ge [sflag:s14], $0x6400  }
0x108: {  	s2 =	simm.s32 $0x0;
	[sflag:s14] =	ssyncset.done $0x0  }
.Ltmp8:
0x109: {  	s1 =	rddreg [dreg:$0x7];
	[sflag:s14] =	ssyncadd.s32 $0xFFFF9C00;
	(pc) =	sbr.rel @p0 .LBB2_17-.Ltmp8, $4  }
0x10a: {  	[hbm4b:s1+s2] =	stream.linear.scatter [tilespmem:s15], [sflag:$0x2], $0x6400, $0x38;
	[tilespmem:$0x1C780] =	vst v63  }
0x10b: {  	_ =	swait.ge [sflag:s14], $0x6400  }
0x10c: {  	[sflag:s14] =	ssyncset.done $0x0  }
0x10d: {  	s7 =	rddreg [dreg:$0x8];
	[sflag:s14] =	ssyncadd.s32 $0xFFFF9C00  }
0x10e: {  	s1 =	sshra.s32 s2, $0x2;
	s2 =	sadd.s32 $0x40, s2  }
.LBB2_15:
0x10f: {  	p1 =	sne.s32 s2, $0x5FC0;
	v3 =	vld [tilespmem:s1+$0xC380];
	_ =	sdelay $0x7  }
0x110: {  	v3 =	vld.idx.msk [tilespmem:v3+s4+$0x0], $0xffff;
	_ =	sdelay $0x1  }
.Ltmp9:
0x111: {  	(pc) =	sbr.rel @p1 .LBB2_15-.Ltmp9, $2  }
0x112: {  	_ =	sdelay $0x2  }
0x113: {  	[tilespmem:s1+$0xC380] =	vst v3;
	s1 =	sshra.s32 s2, $0x2;
	s2 =	sadd.s32 $0x40, s2  }
0x114: {  	v3 =	vld [tilespmem:s1+$0xC380];
	_ =	sdelay $0x7  }
0x115: {  	v3 =	vld.idx.msk [tilespmem:v3+s4+$0x0], $0xffff;
	_ =	sdelay $0x4  }
.Ltmp10:
0x116: {  	s24 =	rddreg [dreg:$0x2];
	s2 =	simm.s32 $0xC380;
	[tilespmem:s1+$0xC380] =	vst v3;
	(pc) =	sbr.rel .LBB2_17-.Ltmp10, $4  }
0x117: {  	[hbm4b:s24+s4] =	stream.linear.scatter [tilespmem:s2], [sflag:$0x2], $0x1800, $0x38;
	[tilespmem:$0x1C780] =	vst v63  }
0x118: {  	_ =	swait.ge [sflag:s14], $0x1800  }
0x119: {  	[sflag:s14] =	ssyncset.done $0x0  }
0x11a: {  	s7 =	rddreg [dreg:$0x8];
	[sflag:s14] =	ssyncadd.s32 $0xFFFFE800  }
.LBB2_18:
0x11b: {  	_ =	sfence.sel $0x180000  }
0x11c: {  	[bflag:$0x0] =	sbarrier.arrive $0xFFFF  }
0x11d: {  	_ =	strace $0x90000047  }
0x11e: {  	s0 =	stileid.u32;
	[bflag:$0x2] =	sbarrier.arrive $0xFFFF  }
0x11f: {  	p0 =	sne.s32 s0, $0x0;
	s0 =	rddreg [dreg:$0x4]  }
0x120: {  	s0 =	sadd.s32 @!p0 $0x100000, s0  }
0x121: {  	[sflag:s0] =	ssyncadd.tile.s32 @!p0 $0x1;
	_ =	shalt  }
.Lfunc_end2:
_tile_overlayer_lowered:
.L_overlay_start_2:
0x122: {  	(tag) =	ssettag $0x2  }
0x123: {  	s0 =	rddreg [dreg:$0x0];
	s2 =	stileid.u32  }
0x124: {  	s1 =	rddreg [dreg:$0x1];
	p0 =	sne.s32 s2, $0x0  }
0x125: {  	s3 =	rddreg [dreg:$0x2];
	[bflag:$0x3] =	sbarrier.arrive $0xFFFF;
	s2 =	simm.s32 @!p0 $0x1C02  }
0x126: {  	[timem:s3], [sflag:s2] =	dma.local @!p0 [hbm:s0], s1  }
0x127: {  	s0 =	simm.s32 @!p0 $0x2  }
0x128: {  	_ =	swait.ge @!p0 [sflag:s0], s1  }
0x129: {  	s1 =	ssub.s32 @!p0 $0x0, s1;
	[sflag:s0] =	ssyncset.done @!p0 $0x0  }
0x12a: {  	[sflag:s0] =	ssyncadd.s32 @!p0 s1  }
0x12b: {  	[bflag:$0x3] =	sbarrier.arrive $0xFFFF  }
0x12c: {  	_ =	shalt  }

// kernel: kernel.7.cloned.1.call-start
scs
__scs_entry_jumppad:
0x0: {  	(pc) =	sbr.rel $0x88, $3  }
0x1: {  	(tag) =	ssettag $0x0;
	lr =	simm.s32 $0x1  }
0x2: {  	[smem:$0x3F99] =	sst lr;
	_ =	strace $0xD0000000  }
0x3: {  	_ = 	snop  }
0x4: {  	_ = 	snop  }
0x5: {  	_ = 	snop  }
0x6: {  	_ = 	snop  }
0x7: {  	_ = 	snop  }
__scs_overlays_trampoline_lowered:
0x8: {  	[smem:$0x3FA8] =	sst s0  }
0x9: {  	[smem:$0x3FA9] =	sst s1  }
0xa: {  	[smem:$0x3FAA] =	sst s2  }
0xb: {  	[smem:$0x3FAB] =	sst s3  }
0xc: {  	[smem:$0x3FAC] =	sst s4  }
0xd: {  	[smem:$0x3FAD] =	sst s5  }
0xe: {  	[smem:$0x3FAE] =	sst s6  }
0xf: {  	[smem:$0x3FAF] =	sst s7  }
0x10: {  	[smem:$0x3FB0] =	sst s8  }
0x11: {  	[smem:$0x3FB1] =	sst s9;
	s0 =	simm.s32 @!p0 $0x0  }
0x12: {  	s1 =	sld [smem:$0x3F97];
	s0 =	simm.s32 @p0 $0x1  }
0x13: {  	[smem:$0x3FB2] =	sst s0;
	s0 =	simm.s32 @!p1 $0x0  }
0x14: {  	s2 =	sld [smem:$0x3F96];
	s0 =	simm.s32 @p1 $0x1  }
0x15: {  	[smem:$0x3FB3] =	sst s0;
	s0 =	simm.s32 @!p2 $0x0  }
0x16: {  	s3 =	sld [smem:$0x3FDB];
	s0 =	simm.s32 @p2 $0x1  }
0x17: {  	s4 =	simm.s32 $0x1BF5;
	[smem:$0x3FB5] =	sst s0  }
0x18: {  	s0 =	sld [smem:$0x3F98];
	_ =	swait.ge [sflag:s4], $0x0  }
0x19: {  	s7 =	sld [smem:$0x3F99]  }
0x1a: {  	s8 =	sadd.s32 $0xFFFFE003, lr  }
0x1b: {  	s9 =	sadd.s32 $0xFFFFFEF7, lr;
	s5 =	simm.s32 $0xFFFFFFFF;
	p2 =	slt.u32 s8, $0xFFFFF086  }
0x1c: {  	p1 =	slt.u32 s9, $0xF7A;
	s5 =	simm.s32 @!p2 $0x0  }
0x1d: {  	s5 =	simm.s32 @p1 $0x1;
	p0 =	seq.s32 s7, s2  }
0x1e: {  	s7 =	smul.u32 @!p0 $0xF7A, s2;
	p2 =	seq.s32 @!p0 s5, $0x0  }
0x1f: {  	s9 =	smul.u32 $0xF7A, s1;
	s8 =	simm.s32 @!p0 $0x1BF5;
	p2 =	por !p2, p0  }
0x20: {  	[sflag:s8] =	ssyncset.s32 @!p0 $0xFFFFF086;
	s6 =	sadd.s32 @!p0 s3, s7;
	s7 =	simm.s32 @!p0 $0x108  }
0x21: {  	s3 =	sadd.s32 s3, s9;
	s6 =	sadd.s32 @!p0 $0x88, s6;
	s7 =	simm.s32 @p2 $0x1082  }
0x22: {  	[simem:s7], [sflag:s8] =	dma.local @!p0 [hbm:s6], $0xF7A  }
0x23: {  	s9 =	sor.u32 $0xD0000000, s2;
	s6 =	simm.s32 $0x108;
	_ =	swait.ge @!p0 [sflag:s8], $0x0  }
0x24: {  	s3 =	sadd.s32 $0x88, s3;
	s6 =	simm.s32 @!p1 $0x1082;
	[sflag:s4] =	ssyncset.s32 $0xFFFFF086  }
0x25: {  	[simem:s6], [sflag:s4] =	dma.local [hbm:s3], $0xF7A  }
0x26: {  	[smem:$0x3F99] =	sst s1;
	(tag) =	ssettag s2;
	_ =	strace s9  }
0x27: {  	s1 =	sld [smem:$0x3FA9]  }
0x28: {  	s2 =	sld [smem:$0x3FAA]  }
0x29: {  	s4 =	sld [smem:$0x3FAC]  }
0x2a: {  	p0 =	seq.s32 s5, $0x0;
	s5 =	sld [smem:$0x3FAD]  }
0x2b: {  	s6 =	sld [smem:$0x3FAE]  }
0x2c: {  	s7 =	sld [smem:$0x3FAF]  }
0x2d: {  	s3 =	simm.s32 $0x108;
	s8 =	sld [smem:$0x3FB0]  }
0x2e: {  	s3 =	simm.s32 @!p0 $0x1082;
	s9 =	sld [smem:$0x3FB1]  }
0x2f: {  	lr =	sadd.s32 s0, s3;
	s0 =	sld [smem:$0x3FA8]  }
0x30: {  	s3 =	sld [smem:$0x3FAB]  }
0x31: {  	[smem:$0x3FB4] =	sst s10  }
0x32: {  	s10 =	sld [smem:$0x3FB2];
	_ =	sdelay $0x3  }
0x33: {  	p0 =	seq.s32 s10, $0x1;
	s10 =	sld [smem:$0x3FB4];
	_ =	sdelay $0x3  }
0x34: {  	[smem:$0x3FB4] =	sst s10  }
0x35: {  	s10 =	sld [smem:$0x3FB3];
	_ =	sdelay $0x3  }
0x36: {  	p1 =	seq.s32 s10, $0x1;
	s10 =	sld [smem:$0x3FB4];
	_ =	sdelay $0x3  }
0x37: {  	[smem:$0x3FB4] =	sst s10  }
0x38: {  	s10 =	sld [smem:$0x3FB5]  }
0x39: {  	_ = 	snop;
	(pc) =	sbr.ind lr, $3  }
0x3a: {  	_ = 	snop  }
0x3b: {  	_ = 	snop  }
0x3c: {  	p2 =	seq.s32 s10, $0x1;
	s10 =	sld [smem:$0x3FB4]  }
0x3d: {  	_ =	shalt  }
0x3e: {  	_ =	shalt  }
0x3f: {  	_ =	shalt  }
0x40: {  	_ =	shalt  }
0x41: {  	_ =	shalt  }
0x42: {  	_ =	shalt  }
0x43: {  	_ =	shalt  }
0x44: {  	_ =	shalt  }
0x45: {  	_ =	shalt  }
0x46: {  	_ =	shalt  }
0x47: {  	_ =	shalt  }
0x48: {  	_ =	shalt  }
0x49: {  	_ =	shalt  }
0x4a: {  	_ =	shalt  }
0x4b: {  	_ =	shalt  }
0x4c: {  	_ =	shalt  }
0x4d: {  	_ =	shalt  }
0x4e: {  	_ =	shalt  }
0x4f: {  	_ =	shalt  }
0x50: {  	_ =	shalt  }
0x51: {  	_ =	shalt  }
0x52: {  	_ =	shalt  }
0x53: {  	_ =	shalt  }
0x54: {  	_ =	shalt  }
0x55: {  	_ =	shalt  }
0x56: {  	_ =	shalt  }
0x57: {  	_ =	shalt  }
0x58: {  	_ =	shalt  }
0x59: {  	_ =	shalt  }
0x5a: {  	_ =	shalt  }
0x5b: {  	_ =	shalt  }
0x5c: {  	_ =	shalt  }
0x5d: {  	_ =	shalt  }
0x5e: {  	_ =	shalt  }
0x5f: {  	_ =	shalt  }
0x60: {  	_ =	shalt  }
0x61: {  	_ =	shalt  }
0x62: {  	_ =	shalt  }
0x63: {  	_ =	shalt  }
0x64: {  	_ =	shalt  }
0x65: {  	_ =	shalt  }
0x66: {  	_ =	shalt  }
0x67: {  	_ =	shalt  }
0x68: {  	_ =	shalt  }
0x69: {  	_ =	shalt  }
0x6a: {  	_ =	shalt  }
0x6b: {  	_ =	shalt  }
0x6c: {  	_ =	shalt  }
0x6d: {  	_ =	shalt  }
0x6e: {  	_ =	shalt  }
0x6f: {  	_ =	shalt  }
0x70: {  	_ =	shalt  }
0x71: {  	_ =	shalt  }
0x72: {  	_ =	shalt  }
0x73: {  	_ =	shalt  }
0x74: {  	_ =	shalt  }
0x75: {  	_ =	shalt  }
0x76: {  	_ =	shalt  }
0x77: {  	_ =	shalt  }
0x78: {  	_ =	shalt  }
0x79: {  	_ =	shalt  }
0x7a: {  	_ =	shalt  }
0x7b: {  	_ =	shalt  }
0x7c: {  	_ =	shalt  }
0x7d: {  	_ =	shalt  }
0x7e: {  	_ =	shalt  }
0x7f: {  	_ =	shalt  }
0x80: {  	_ =	shalt  }
0x81: {  	_ =	shalt  }
0x82: {  	_ =	shalt  }
0x83: {  	_ =	shalt  }
0x84: {  	_ =	shalt  }
0x85: {  	_ =	shalt  }
0x86: {  	_ =	shalt  }
0x87: {  	_ =	shalt  }
.Lfunc_end0:
.L_simem_size_0:
called_computation.1_lowered:
.L_overlay_start_0:
0x88: {  	s2 =	sld [smem:$0x3FD9]  }
0x89: {  	s3 =	sld [smem:$0x3FFE];
	_ =	sdelay $0x1  }
0x8a: {  	s1 =	srdreg.scid  }
0x8b: {  	s0 =	sand.u32 $0x1, s1  }
0x8c: {  	s14 =	sshll.u32 s0, $0xA;
	s2 =	sadd.s32 s3, s2  }
0x8d: {  	s2 =	sadd.s32 s2, s14  }
0x8e: {  	[smem:$0x3FC0] =	sst s2  }
0x8f: {  	_ = 	snop  }
0x90: {  	s2 =	sld [smem:$0x3FD0];
	_ =	sdelay $0x2  }
0x91: {  	s15 =	simm.s32 $0xA;
	s4 =	simm.s32 $0x10  }
0x92: {  	[smem:s4], [sflag:s15] =	dma.local [hbm:s2], $0x1  }
0x93: {  	_ =	swait.eq [sflag:s15], $0x1  }
0x94: {  	[sflag:s15] =	ssyncset.done $0x0  }
0x95: {  	s16 =	sld [smem:$0x10];
	[sflag:s15] =	ssyncadd.s32 $0xFFFFFFFF  }
0x96: {  	s17 =	sld [smem:$0x11];
	(tm) =	ssettm $0x1  }
0x97: {  	s18 =	sld [smem:$0x3FFB];
	_ =	sdelay $0x3  }
0x98: {  	_ =	strace s18  }
0x99: {  	s4 =	sld [smem:$0x3FFC];
	_ =	sdelay $0x3  }
0x9a: {  	_ =	strace s4  }
0x9b: {  	s4 =	sld [smem:$0x3FFD];
	_ =	sdelay $0x3  }
0x9c: {  	_ =	strace s4  }
0x9d: {  	_ =	strace $0x8FFFFFFF  }
0x9e: {  	s19 =	sld [smem:$0x3FDB];
	_ =	sdelay $0x1  }
0x9f: {  	s5 =	simm.s32 $_scs_section_size  }
0xa0: {  	s6 =	simm.s32 $_size__tile_overlayer_lowered;
	s7 =	simm.s32 $_tile_overlayer_lowered  }
0xa1: {  	s22 =	simm.s32 $0x1BFF;
	s21 =	sshll.u32 s7, $0x1;
	s4 =	sadd.s32 s5, s19  }
0xa2: {  	s8 =	simm.s32 $0x0;
	s20 =	sshll.u32 s6, $0x1;
	s6 =	sadd.s32 s21, s4  }
0xa3: {  	[timem:s8], [sflag:s22] =	dma.local [hbm:s6], s20  }
0xa4: {  	_ =	swait.ge [sflag:s22], s20  }
0xa5: {  	s5 =	ssub.s32 $0x0, s20;
	[sflag:s22] =	ssyncset.done $0x0  }
0xa6: {  	[sflag:s22] =	ssyncadd.s32 s5;
	_ =	sdelay $0x1  }
0xa7: {  	s23 =	simm.s32 $0x1B8B  }
0xa8: {  	_ =	swait.ge [sflag:s23], $0x1  }
0xa9: {  	[sflag:s23] =	ssyncset.done $0x0  }
0xaa: {  	s25 =	simm.s32 $0x1B8E;
	s24 =	sld [smem:$0x3FFE];
	[sflag:s23] =	ssyncadd.s32 $0xFFFFFFFF  }
0xab: {  	s26 =	simm.s32 $execute0_lowered;
	[smem:$0x3FD2] =	sst s25  }
0xac: {  	s6 =	sshll.u32 s26, $0x1;
	_ =	strace $0x80000049;
	[dreg:$0x1] =	wrdreg $0xFFFFFFFF  }
0xad: {  	s28 =	simm.s32 $_size_execute0_lowered;
	s4 =	sadd.s32 s4, s6;
	[dreg:$0x0] =	wrdreg $0x0  }
0xae: {  	s6 =	sshll.u32 s28, $0x1;
	[dreg:$0x2] =	wrdreg s4  }
0xaf: {  	[dreg:$0x3] =	wrdreg s6  }
0xb0: {  	[dreg:$0x4] =	wrdreg $0xC0  }
0xb1: {  	_ =	task [dreg:s8], $0x5FFFF  }
0xb2: {  	[dreg:$0x1] =	wrdreg $0xFFFFFFFF  }
0xb3: {  	[dreg:$0x0] =	wrdreg $0x60  }
0xb4: {  	[dreg:$0x2] =	wrdreg s24  }
0xb5: {  	[dreg:$0x3] =	wrdreg s17  }
0xb6: {  	[dreg:$0x4] =	wrdreg s16  }
0xb7: {  	[dreg:$0x5] =	wrdreg $0x9  }
0xb8: {  	_ =	task.clear_ibuf [dreg:s8], $0x6FFFF;
	_ =	strace $0x90000049  }
0xb9: {  	s29 =	simm.s32 $0x9;
	_ =	strace $0x8000004B  }
0xba: {  	_ =	swait.ge [sflag:s29], $0x1  }
0xbb: {  	[sflag:s29] =	ssyncadd.s32 $0xFFFFFFFF  }
0xbc: {  	_ =	strace $0x9000004B  }
0xbd: {  	_ =	sfence  }
0xbe: {  	s30 =	sld [smem:$0x0];
	_ =	sdelay $0x2  }
0xbf: {  	s31 =	sshll.u32 s1, $0xD;
	s1 =	sshrl.u32 s1, $0x2  }
0xc0: {  	s3 =	sand.u32 $0x4000, s31;
	s1 =	sadd.s32 s1, s30  }
0xc1: {  	s0 =	sor.u32 s3, s0;
	s1 =	sshll.u32 s1, $0x11  }
0xc2: {  	s0 =	sor.u32 s1, s0  }
0xc3: {  	s0 =	sadd.s32 $0x8F2B, s0  }
0xc4: {  	[sflag:s0] =	ssyncadd.remote.s32 $0x1  }
0xc5: {  	_ =	sfence.sel $0xFFFF  }
0xc6: {  	[dreg:$0x0] =	wrdreg $0xFFFFFFFF;
	(pc) =	sbr.abs _section_cstart, $3  }
0xc7: {  	[dreg:$0x1] =	wrdreg $0xFFFFFFFF  }
0xc8: {  	_ =	task.clear_ibuf [dreg:s8], $0x2FFFF;
	_ =	strace $0x9FFFFFFF  }
0xc9: {  	(tm) =	ssettm $0x7FFFFFFF  }
tec
execute0_lowered:
.L_overlay_start_1:
0x0: {  	(tag) =	ssettag $0x1  }
0x1: {  	s7 =	rddreg [dreg:$0x0]  }
0x2: {  	s5 =	rddreg [dreg:$0x1]  }
0x3: {  	s6 =	rddreg [dreg:$0x2]  }
0x4: {  	s0 =	rddreg [dreg:$0x3]  }
0x5: {  	s3 =	srdreg.scid;
	s1 =	stileid.u32;
	s2 =	simm.s32 $0x0  }
0x6: {  	s12 =	simm.s32 $0x60;
	s13 =	simm.s32 $0x180;
	s14 =	simm.s32 $0x3180  }
0x7: {  	s15 =	simm.s32 $0x6180;
	s16 =	simm.s32 $0x1980;
	s17 =	simm.s32 $0x120  }
0x8: {  	s18 =	simm.s32 $0x4980;
	s19 =	simm.s32 $0x7980;
	s20 =	simm.s32 $0x1  }
0x9: {  	s21 =	simm.s32 $0x0;
	s4 =	sand.u32 $0x1, s3;
	s31 =	sshll.u32 s1, $0x1  }
0xa: {  	[smem:$0x7FF] =	sst s2;
	s3 =	sadd.s32 $0x1C00, s7;
	s8 =	sor.u32 s4, s31  }
0xb: {  	_ =	strace $0x8000004A;
	s10 =	ssub.s32 $0x2, s4;
	s9 =	smul.u32 $0x600, s8  }
0xc: {  	s4 =	sadd.s32 $0xAE800, s7;
	s8 =	smul.u32 $0x18, s8;
	s11 =	sshrl.u32 s10, $0x1  }
0xd: {  	s10 =	ssub.s32 s10, s11;
	s11 =	simm.s32 $0xC0;
	s9 =	sadd.s32 s9, s7  }
0xe: {  	s5 =	sadd.s32 s5, s8;
	s6 =	sadd.s32 s6, s8;
	s7 =	sadd.s32 $0xBB000, s7  }
0xf: {  	s8 =	sadd.s32 $0x63800, s9;
	s9 =	smax.u32 s10, $0x1;
	s10 =	simm.s32 $0x2  }
.LBB2_1:
0x10: {  	[tilespmem:s2], [sflag:$0x2] =	stream.linear.gather [hbm4b:s5+s2], $0xC0, $0x38;
	[tilespmem:$0x9180] =	vst v63  }
0x11: {  	_ =	swait.ge [sflag:s10], $0xC0  }
0x12: {  	[sflag:s10] =	ssyncset.done $0x0  }
0x13: {  	[sflag:s10] =	ssyncadd.s32 $0xFFFFFF40  }
0x14: {  	[tilespmem:s11], [sflag:$0x2] =	stream.linear.gather [hbm4b:s6+s2], $0xC0, $0x38;
	[tilespmem:$0x9180] =	vst v63  }
0x15: {  	_ =	swait.ge [sflag:s10], $0xC0  }
0x16: {  	[sflag:s10] =	ssyncset.done $0x0  }
0x17: {  	[sflag:s10] =	ssyncadd.s32 $0xFFFFFF40  }
0x18: {  	[tilespmem:s13], [sflag:$0x1] =	stream.indirect.gather [hbm4b:s3+s12], $0x40, s2, s12, $0xb8;
	[tilespmem:$0x9180] =	vst v63  }
0x19: {  	_ = 	snop  }
0x1a: {  	[tilespmem:s14], [sflag:$0x1] =	stream.indirect.gather [hbm4b:s4+s12], $0x40, s11, s12, $0xb8;
	[tilespmem:$0x9180] =	vst v63  }
0x1b: {  	_ = 	snop  }
0x1c: {  	[tilespmem:s15], [sflag:$0x1] =	stream.indirect.gather [hbm4b:s7+s12], $0x40, s11, s12, $0xb8;
	[tilespmem:$0x9180] =	vst v63  }
0x1d: {  	_ = 	snop  }
0x1e: {  	[tilespmem:s16], [sflag:$0x1] =	stream.indirect.gather [hbm4b:s3+s12], $0x40, s12, s12, $0xb8;
	[tilespmem:$0x9180] =	vst v63  }
0x1f: {  	_ = 	snop  }
0x20: {  	[tilespmem:s18], [sflag:$0x1] =	stream.indirect.gather [hbm4b:s4+s12], $0x40, s17, s12, $0xb8;
	[tilespmem:$0x9180] =	vst v63  }
0x21: {  	_ = 	snop  }
0x22: {  	[tilespmem:s19], [sflag:$0x1] =	stream.indirect.gather [hbm4b:s7+s12], $0x40, s17, s12, $0xb8;
	[tilespmem:$0x9180] =	vst v63  }
0x23: {  	_ =	swait.ge [sflag:s20], $0x1800  }
0x24: {  	[sflag:s20] =	ssyncset.done $0x0  }
0x25: {  	[sflag:s20] =	ssyncadd.s32 $0xFFFFE800  }
0x26: {  	_ =	swait.ge [sflag:s20], $0x1800  }
0x27: {  	[sflag:s20] =	ssyncset.done $0x0  }
0x28: {  	[sflag:s20] =	ssyncadd.s32 $0xFFFFE800  }
0x29: {  	_ =	swait.ge [sflag:s20], $0x1800  }
0x2a: {  	[sflag:s20] =	ssyncset.done $0x0  }
0x2b: {  	[sflag:s20] =	ssyncadd.s32 $0xFFFFE800  }
0x2c: {  	_ =	swait.ge [sflag:s20], $0x1800  }
0x2d: {  	[sflag:s20] =	ssyncset.done $0x0  }
0x2e: {  	[sflag:s20] =	ssyncadd.s32 $0xFFFFE800  }
0x2f: {  	_ =	swait.ge [sflag:s20], $0x1800  }
0x30: {  	[sflag:s20] =	ssyncset.done $0x0  }
0x31: {  	[sflag:s20] =	ssyncadd.s32 $0xFFFFE800  }
0x32: {  	_ =	swait.ge [sflag:s20], $0x1800  }
0x33: {  	[sflag:s20] =	ssyncset.done $0x0  }
0x34: {  	s23 =	simm.s32 $0x0;
	[sflag:s20] =	ssyncadd.s32 $0xFFFFE800  }
0x35: {  	v0 =	vld [tilespmem:s23+$0x3180]  }
0x36: {  	v1 =	vld [tilespmem:s23+$0x6180]  }
0x37: {  	v2 =	vld [tilespmem:s23+$0x3190]  }
0x38: {  	v3 =	vld [tilespmem:s23+$0x6190]  }
0x39: {  	v4 =	vld [tilespmem:s23+$0x31A0]  }
0x3a: {  	v5 =	vld [tilespmem:s23+$0x61A0]  }
0x3b: {  	v6 =	vld [tilespmem:s23+$0x31B0]  }
0x3c: {  	v7 =	vld [tilespmem:s23+$0x61B0]  }
0x3d: {  	v8 =	vld [tilespmem:s23+$0x180]  }
0x3e: {  	v9 =	vld [tilespmem:s23+$0x190];
	v0 =	vadd.f32 v1, v0  }
0x3f: {  	v10 =	vld [tilespmem:s23+$0x1A0];
	v2 =	vadd.f32 v3, v2  }
0x40: {  	s22 =	simm.s32 $0x40;
	v11 =	vld [tilespmem:s23+$0x1B0];
	v4 =	vadd.f32 v5, v4;
	v3 =	vmul.f32 $3.000000000e+00, v0  }
0x41: {  	v1 =	vld [tilespmem:s22+$0x6180];
	v6 =	vadd.f32 v7, v6;
	v5 =	vmul.f32 $3.000000000e+00, v2  }
0x42: {  	v0 =	vld [tilespmem:s22+$0x3180];
	v7 =	vadd.f32 v3, v8;
	v8 =	vmul.f32 $3.000000000e+00, v4  }
0x43: {  	v2 =	vld [tilespmem:s22+$0x3190];
	v6 =	vmul.f32 $3.000000000e+00, v6;
	v9 =	vadd.f32 v5, v9  }
0x44: {  	v3 =	vld [tilespmem:s22+$0x6190];
	v7 =	vmul.f32 $2.500000000e-01, v7;
	v8 =	vadd.f32 v8, v10  }
0x45: {  	v4 =	vld [tilespmem:s22+$0x31A0];
	v10 =	vadd.f32 v6, v11;
	v9 =	vmul.f32 $2.500000000e-01, v9  }
0x46: {  	v5 =	vld [tilespmem:s22+$0x61A0];
	[tilespmem:s23+$0x180] =	vst v7;
	v7 =	vmul.f32 $2.500000000e-01, v8  }
0x47: {  	s24 =	simm.s32 $0x200;
	v8 =	vmul.f32 $2.500000000e-01, v10;
	v6 =	vld [tilespmem:s22+$0x31B0];
	[tilespmem:s23+$0x190] =	vst v9  }
.LBB2_2:
0x48: {  	p0 =	sne.s32 s24, $0xBF00;
	v9 =	vld [tilespmem:s22+$0x61B0];
	[tilespmem:s23+$0x1A0] =	vst v7  }
0x49: {  	v7 =	vld [tilespmem:s22+$0x180];
	[tilespmem:s23+$0x1B0] =	vst v8;
	s23 =	smov.u32 s22  }
0x4a: {  	v0 =	vadd.f32 v1, v0;
	v8 =	vld [tilespmem:s23+$0x190]  }
0x4b: {  	v1 =	vadd.f32 v3, v2;
	v10 =	vld [tilespmem:s23+$0x1A0]  }
0x4c: {  	s22 =	sshra.s32 s24, $0x2;
	v2 =	vmul.f32 $3.000000000e+00, v0;
	v3 =	vadd.f32 v5, v4;
	v5 =	vld [tilespmem:s23+$0x1B0]  }
0x4d: {  	v4 =	vmul.f32 $3.000000000e+00, v1;
	v0 =	vld [tilespmem:s22+$0x3180];
	v6 =	vadd.f32 v9, v6  }
0x4e: {  	v9 =	vmul.f32 $3.000000000e+00, v3;
	v1 =	vld [tilespmem:s22+$0x6180];
	v7 =	vadd.f32 v2, v7  }
.Ltmp0:
0x4f: {  	v2 =	vld [tilespmem:s22+$0x3190];
	v8 =	vadd.f32 v4, v8;
	v6 =	vmul.f32 $3.000000000e+00, v6;
	(pc) =	sbr.rel @p0 .LBB2_2-.Ltmp0, $4  }
0x50: {  	v3 =	vld [tilespmem:s22+$0x6190];
	v7 =	vmul.f32 $2.500000000e-01, v7;
	v9 =	vadd.f32 v9, v10  }
0x51: {  	v4 =	vld [tilespmem:s22+$0x31A0];
	v8 =	vmul.f32 $2.500000000e-01, v8;
	v10 =	vadd.f32 v6, v5  }
0x52: {  	v5 =	vld [tilespmem:s22+$0x61A0];
	[tilespmem:s23+$0x180] =	vst v7;
	v7 =	vmul.f32 $2.500000000e-01, v9  }
0x53: {  	s24 =	sadd.s32 $0x100, s24;
	v6 =	vld [tilespmem:s22+$0x31B0];
	[tilespmem:s23+$0x190] =	vst v8;
	v8 =	vmul.f32 $2.500000000e-01, v10  }
0x54: {  	v9 =	vld [tilespmem:s22+$0x61B0];
	[tilespmem:s23+$0x1A0] =	vst v7  }
0x55: {  	v7 =	vld [tilespmem:s22+$0x180];
	[tilespmem:s23+$0x1B0] =	vst v8  }
0x56: {  	v0 =	vadd.f32 v1, v0;
	v58 =	vld [tilespmem:s22+$0x190]  }
0x57: {  	v2 =	vadd.f32 v3, v2;
	v59 =	vld [tilespmem:s22+$0x1A0]  }
0x58: {  	v0 =	vmul.f32 $3.000000000e+00, v0;
	v60 =	vld [tilespmem:s22+$0x1B0];
	v4 =	vadd.f32 v5, v4  }
0x59: {  	v2 =	vmul.f32 $3.000000000e+00, v2;
	v6 =	vadd.f32 v9, v6  }
0x5a: {  	v4 =	vmul.f32 $3.000000000e+00, v4;
	v0 =	vadd.f32 v0, v7  }
0x5b: {  	v1 =	vadd.f32 v2, v58;
	v61 =	vmul.f32 $3.000000000e+00, v6  }
0x5c: {  	v3 =	vadd.f32 v4, v59;
	v0 =	vmul.f32 $2.500000000e-01, v0  }
0x5d: {  	v1 =	vmul.f32 $2.500000000e-01, v1;
	v2 =	vadd.f32 v61, v60  }
0x5e: {  	v62 =	vmul.f32 $2.500000000e-01, v3;
	[tilespmem:s22+$0x180] =	vst v0  }
0x5f: {  	s21 =	sadd.s32 $0x1, s21;
	[tilespmem:s22+$0x190] =	vst v1;
	v63 =	vmul.f32 $2.500000000e-01, v2  }
0x60: {  	p0 =	sne.s32 s21, s9;
	[tilespmem:s22+$0x1A0] =	vst v62  }
.Ltmp1:
0x61: {  	[tilespmem:s22+$0x1B0] =	vst v63;
	(pc) =	sbr.rel @p0 .LBB2_1-.Ltmp1, $4  }
0x62: {  	[hbm4b:s8+s2] =	stream.linear.scatter [tilespmem:s13], [sflag:$0x2], $0x3000, $0x38;
	[tilespmem:$0x9180] =	vst v63  }
0x63: {  	_ =	swait.ge [sflag:s10], $0x3000  }
0x64: {  	[sflag:s10] =	ssyncset.done $0x0  }
0x65: {  	[sflag:s10] =	ssyncadd.s32 $0xFFFFD000  }
0x66: {  	_ =	sfence.sel $0x180000  }
0x67: {  	[bflag:$0x0] =	sbarrier.arrive $0xFFFF  }
0x68: {  	p0 =	sne.s32 s1, $0x0;
	_ =	strace $0x9000004A  }
0x69: {  	s0 =	sadd.s32 @!p0 $0x100000, s0;
	[bflag:$0x2] =	sbarrier.arrive $0xFFFF  }
0x6a: {  	[sflag:s0] =	ssyncadd.tile.s32 @!p0 $0x1;
	_ =	shalt  }
.Lfunc_end2:
_tile_overlayer_lowered:
.L_overlay_start_2:
0x6b: {  	(tag) =	ssettag $0x2  }
0x6c: {  	s0 =	rddreg [dreg:$0x0];
	s2 =	stileid.u32  }
0x6d: {  	s1 =	rddreg [dreg:$0x1];
	p0 =	sne.s32 s2, $0x0  }
0x6e: {  	s3 =	rddreg [dreg:$0x2];
	[bflag:$0x3] =	sbarrier.arrive $0xFFFF;
	s2 =	simm.s32 @!p0 $0x1C02  }
0x6f: {  	[timem:s3], [sflag:s2] =	dma.local @!p0 [hbm:s0], s1  }
0x70: {  	s0 =	simm.s32 @!p0 $0x2  }
0x71: {  	_ =	swait.ge @!p0 [sflag:s0], s1  }
0x72: {  	s1 =	ssub.s32 @!p0 $0x0, s1;
	[sflag:s0] =	ssyncset.done @!p0 $0x0  }
0x73: {  	[sflag:s0] =	ssyncadd.s32 @!p0 s1  }
0x74: {  	[bflag:$0x3] =	sbarrier.arrive $0xFFFF  }
0x75: {  	_ =	shalt  }

</sc_bundles>
